<compile_context>
chip_gen: v7x
topology: tpu7x:2x2x1
jax: 0.10.2.dev20260603
libtpu: 0.0.44.dev20260713+nightly
codegen_flags: <defaults>
</compile_context>

<pallas_src>
import functools

import jax
import jax.numpy as jnp
from jax import lax
from jax.experimental import pallas as pl
from jax.experimental.pallas import tpu as pltpu
from jax.experimental.pallas import tpu_sc as plsc

BATCH = 16384
D = 50
NC, NS, L = 2, 16, 16
NW = NC * NS
BPW = BATCH // NW
NBLK = BPW // L


@functools.partial(
    pl.kernel,
    out_type=jax.ShapeDtypeStruct((BATCH,), jnp.float32),
    mesh=plsc.VectorSubcoreMesh(core_axis_name="c", subcore_axis_name="s"),
    compiler_params=pltpu.CompilerParams(
        needs_layout_passes=False, use_tc_tiling_on_sc=False),
    scratch_types=[
        pltpu.VMEM((BPW, 2), jnp.int32),
        pltpu.VMEM((BPW, D), jnp.float32),
        pltpu.VMEM((BPW, D), jnp.float32),
        pltpu.VMEM((D, 1), jnp.float32),
        pltpu.VMEM((D + 1, L), jnp.float32),
        pltpu.VMEM((BPW,), jnp.float32),
    ] + [pltpu.SemaphoreType.DMA] * 8,
)
def _sc_dot(td_hbm, ue_hbm, me_hbm, w_hbm, b_hbm, out_hbm,
            idx2_v, urows_v, mrows_v, w_v, ws_v, out_v, *sems):
    wid = lax.axis_index("s") * NC + lax.axis_index("c")
    base = wid * BPW

    pltpu.sync_copy(td_hbm.at[pl.ds(base, BPW)], idx2_v)
    pltpu.sync_copy(w_hbm, w_v)
    for t in range(L):
        pltpu.sync_copy(b_hbm, ws_v.at[D, pl.ds(t, 1)])

    iota = lax.iota(jnp.int32, L)
    zeros = jnp.zeros((L,), jnp.int32)
    ones = jnp.ones((L,), jnp.int32)

    def fetch(blk, carry):
        r = blk * L + iota
        uvec = plsc.load_gather(idx2_v, [r, zeros])
        mvec = plsc.load_gather(idx2_v, [r, ones])
        for t in range(L):
            i = blk * L + t
            pltpu.async_copy(
                ue_hbm.at[pl.ds(uvec[t], 1)], urows_v.at[pl.ds(i, 1)],
                sems[t % 4])
            pltpu.async_copy(
                me_hbm.at[pl.ds(mvec[t], 1)], mrows_v.at[pl.ds(i, 1)],
                sems[4 + t % 4])
        return carry

    lax.fori_loop(0, NBLK, fetch, None)

    for d in range(D):
        ws_v[d, :] = plsc.load_gather(
            w_v, [jnp.full((L,), d, jnp.int32), zeros])

    for k in range(4):
        pltpu.make_async_copy(
            ue_hbm.at[pl.ds(0, BPW // 4)],
            urows_v.at[pl.ds(k * (BPW // 4), BPW // 4)], sems[k]).wait()
        pltpu.make_async_copy(
            me_hbm.at[pl.ds(0, BPW // 4)],
            mrows_v.at[pl.ds(k * (BPW // 4), BPW // 4)], sems[4 + k]).wait()

    bvec = ws_v[D, :]

    def body(blk, carry):
        r = blk * L + iota

        def inner(c, acc):
            for dj in range(5):
                dd = zeros + (c * 5 + dj)
                u = plsc.load_gather(urows_v, [r, dd])
                m = plsc.load_gather(mrows_v, [r, dd])
                wv = plsc.load_gather(w_v, [dd, zeros])
                acc = acc + u * m * wv
            return acc

        acc = lax.fori_loop(0, D // 5, inner, bvec)
        out_v[pl.ds(blk * L, L)] = acc
        return carry

    lax.fori_loop(0, NBLK, body, None)

    pltpu.sync_copy(out_v, out_hbm.at[pl.ds(base, BPW)])


def kernel(train_data, user_emb, movie_emb, W_out, b_out):
    out = _sc_dot(train_data, user_emb, movie_emb, W_out, b_out)
    return out.reshape(BATCH, 1)

# --- scband reference (transcript-rebuilt; emitter-appended) ---
"""Pipeline reference for scband-model-48945447305836 (READ-ONLY COPY).

The authoritative reference and input builder live on the scoring server;
editing this copy changes nothing except your own understanding.
"""

import jax, jax.numpy as jnp
import numpy as np

NUM_USERS = 1000000
NUM_CLUSTERS = 100000
EMBED = 50
BATCH = 16384

def setup_inputs(seed: int = 0) -> dict:
    key = jax.random.key(seed)
    k1, k2, k3, k4, k5 = jax.random.split(key, 5)
    # indices: column 0 = user id, column 1 = movie/cluster id; keep both < NUM_CLUSTERS to be in-range for both tables
    train_data = jax.random.randint(k1, (BATCH, 2), 0, NUM_CLUSTERS, dtype=jnp.int64) if jax.config.jax_enable_x64 else jax.random.randint(k1, (BATCH, 2), 0, NUM_CLUSTERS, dtype=jnp.int32)
    user_emb = jax.random.normal(k2, (NUM_USERS, EMBED), dtype=jnp.float32) * 0.05
    movie_emb = jax.random.normal(k3, (NUM_CLUSTERS, EMBED), dtype=jnp.float32) * 0.05
    W_out = jax.random.normal(k4, (EMBED, 1), dtype=jnp.float32) * (1.0 / np.sqrt(EMBED))
    b_out = jax.random.normal(k5, (1,), dtype=jnp.float32) * 0.01
    return {"train_data": train_data, "user_emb": user_emb, "movie_emb": movie_emb, "W_out": W_out, "b_out": b_out}

def reference(train_data, user_emb, movie_emb, W_out, b_out):
    users = train_data[:, 0]
    movies = train_data[:, 1]
    user_embedding_x = jnp.take(user_emb, users, axis=0)
    movie_embedding_y = jnp.take(movie_emb, movies, axis=0)
    prod = user_embedding_x * movie_embedding_y
    logit = prod @ W_out + b_out
    return logit

if __name__ == "__main__":
    import jax
    _d = setup_inputs()
    print(jax.jit(kernel)(*tuple(_d.values())))

</pallas_src>

<mosaic_0001>
#map = affine_map<(d0, d1) -> (0, 0)>
#map1 = affine_map<(d0, d1) -> (0)>
module attributes {stable_mosaic.version = 14 : i64} {
  func.func @_sc_dot(%arg0: i32, %arg1: i32, %arg2: memref<16384x2xi32, #tpu.memory_space<hbm>>, %arg3: memref<1000000x50xf32, #tpu.memory_space<hbm>>, %arg4: memref<100000x50xf32, #tpu.memory_space<hbm>>, %arg5: memref<50x1xf32, #tpu.memory_space<hbm>>, %arg6: memref<1xf32, #tpu.memory_space<hbm>>, %arg7: memref<16384xf32, #tpu.memory_space<hbm>>, %arg8: memref<512x2xi32, #tpu.memory_space<vmem>>, %arg9: memref<512x50xf32, #tpu.memory_space<vmem>>, %arg10: memref<512x50xf32, #tpu.memory_space<vmem>>, %arg11: memref<50x1xf32, #tpu.memory_space<vmem>>, %arg12: memref<51x16xf32, #tpu.memory_space<vmem>>, %arg13: memref<512xf32, #tpu.memory_space<vmem>>, %arg14: memref<!tpu.dma_semaphore, #tpu.memory_space<semaphore_mem>>, %arg15: memref<!tpu.dma_semaphore, #tpu.memory_space<semaphore_mem>>, %arg16: memref<!tpu.dma_semaphore, #tpu.memory_space<semaphore_mem>>, %arg17: memref<!tpu.dma_semaphore, #tpu.memory_space<semaphore_mem>>, %arg18: memref<!tpu.dma_semaphore, #tpu.memory_space<semaphore_mem>>, %arg19: memref<!tpu.dma_semaphore, #tpu.memory_space<semaphore_mem>>, %arg20: memref<!tpu.dma_semaphore, #tpu.memory_space<semaphore_mem>>, %arg21: memref<!tpu.dma_semaphore, #tpu.memory_space<semaphore_mem>>) attributes {dimension_semantics = [#tpu.dimension_semantics<core_parallel>, #tpu.dimension_semantics<subcore_parallel>], iteration_bounds = array<i64: 2, 16>, scalar_prefetch = 0 : i64, scratch_operands = 14 : i64, tpu.core_type = #tpu.core_type<sc_vector_subcore>, window_params = [{transform_indices = #map}, {transform_indices = #map}, {transform_indices = #map}, {transform_indices = #map}, {transform_indices = #map1}, {transform_indices = #map1}]} {
    %mul3A = arith.constant 2 : i32
    %mul3A_0 = arith.muli %arg1, %mul3A : i32
    %add3A = arith.addi %mul3A_0, %arg0 : i32
    %mul3A_1 = arith.constant 512 : i32
    %mul3A_2 = arith.muli %add3A, %mul3A_1 : i32
    "tpu.region"() ({
      %run_scoped3A_476 = tpu.sem_alloc : memref<!tpu.dma_semaphore, #tpu.memory_space<semaphore_mem>>
      %dma_start3A = arith.constant 0 : i32
      %dma_start3A_477 = tpu.memref_slice %arg2[%mul3A_2, %dma_start3A] : memref<16384x2xi32, #tpu.memory_space<hbm>> -> memref<512x2xi32, #tpu.memory_space<hbm>>
      %dma_start3A_478 = arith.constant 0 : i32
      %dma_start3A_479 = tpu.memref_slice %arg2[%mul3A_2, %dma_start3A_478] : memref<16384x2xi32, #tpu.memory_space<hbm>> -> memref<512x2xi32, #tpu.memory_space<hbm>>
      tpu.enqueue_dma source(%dma_start3A_479 : memref<512x2xi32, #tpu.memory_space<hbm>>) target(%arg8 : memref<512x2xi32, #tpu.memory_space<vmem>>) target_semaphore(%run_scoped3A_476 : memref<!tpu.dma_semaphore, #tpu.memory_space<semaphore_mem>>)
      %dma_wait3A_480 = arith.constant 0 : i32
      %dma_wait3A_481 = tpu.memref_slice %arg2[%mul3A_2, %dma_wait3A_480] : memref<16384x2xi32, #tpu.memory_space<hbm>> -> memref<512x2xi32, #tpu.memory_space<hbm>>
      %dma_wait3A_482 = arith.constant 0 : i32
      %dma_wait3A_483 = tpu.memref_slice %arg2[%mul3A_2, %dma_wait3A_482] : memref<16384x2xi32, #tpu.memory_space<hbm>> -> memref<512x2xi32, #tpu.memory_space<hbm>>
      tpu.wait_dma2 semaphore(%run_scoped3A_476 : memref<!tpu.dma_semaphore, #tpu.memory_space<semaphore_mem>>) src(%dma_wait3A_483 : memref<512x2xi32, #tpu.memory_space<hbm>>) dst(%arg8 : memref<512x2xi32, #tpu.memory_space<vmem>>)
      tpu.yield
    }) : () -> ()
    "tpu.region"() ({
      %run_scoped3A_476 = tpu.sem_alloc : memref<!tpu.dma_semaphore, #tpu.memory_space<semaphore_mem>>
      tpu.enqueue_dma source(%arg5 : memref<50x1xf32, #tpu.memory_space<hbm>>) target(%arg11 : memref<50x1xf32, #tpu.memory_space<vmem>>) target_semaphore(%run_scoped3A_476 : memref<!tpu.dma_semaphore, #tpu.memory_space<semaphore_mem>>)
      tpu.wait_dma2 semaphore(%run_scoped3A_476 : memref<!tpu.dma_semaphore, #tpu.memory_space<semaphore_mem>>) src(%arg5 : memref<50x1xf32, #tpu.memory_space<hbm>>) dst(%arg11 : memref<50x1xf32, #tpu.memory_space<vmem>>)
      tpu.yield
    }) : () -> ()
    %run_scoped3A = arith.constant 50 : i32
    "tpu.region"() ({
      %run_scoped3A_476 = tpu.sem_alloc : memref<!tpu.dma_semaphore, #tpu.memory_space<semaphore_mem>>
      %dma_start3A = arith.constant 0 : i32
      %dma_start3A_477 = tpu.memref_slice %arg12[%run_scoped3A, %dma_start3A] : memref<51x16xf32, #tpu.memory_space<vmem>> -> memref<1x1xf32, #tpu.memory_space<vmem>>
      %dma_start3A_478 = tpu.memref_squeeze %dma_start3A_477 : memref<1x1xf32, #tpu.memory_space<vmem>> -> memref<1xf32, #tpu.memory_space<vmem>>
      %dma_start3A_479 = arith.constant 0 : i32
      %dma_start3A_480 = tpu.memref_slice %arg12[%run_scoped3A, %dma_start3A_479] : memref<51x16xf32, #tpu.memory_space<vmem>> -> memref<1x1xf32, #tpu.memory_space<vmem>>
      %dma_start3A_481 = tpu.memref_squeeze %dma_start3A_480 : memref<1x1xf32, #tpu.memory_space<vmem>> -> memref<1xf32, #tpu.memory_space<vmem>>
      tpu.enqueue_dma source(%arg6 : memref<1xf32, #tpu.memory_space<hbm>>) target(%dma_start3A_481 : memref<1xf32, #tpu.memory_space<vmem>>) target_semaphore(%run_scoped3A_476 : memref<!tpu.dma_semaphore, #tpu.memory_space<semaphore_mem>>)
      %dma_wait3A_482 = arith.constant 0 : i32
      %dma_wait3A_483 = tpu.memref_slice %arg12[%run_scoped3A, %dma_wait3A_482] : memref<51x16xf32, #tpu.memory_space<vmem>> -> memref<1x1xf32, #tpu.memory_space<vmem>>
      %dma_wait3A_484 = tpu.memref_squeeze %dma_wait3A_483 : memref<1x1xf32, #tpu.memory_space<vmem>> -> memref<1xf32, #tpu.memory_space<vmem>>
      %dma_wait3A_485 = arith.constant 0 : i32
      %dma_wait3A_486 = tpu.memref_slice %arg12[%run_scoped3A, %dma_wait3A_485] : memref<51x16xf32, #tpu.memory_space<vmem>> -> memref<1x1xf32, #tpu.memory_space<vmem>>
      %dma_wait3A_487 = tpu.memref_squeeze %dma_wait3A_486 : memref<1x1xf32, #tpu.memory_space<vmem>> -> memref<1xf32, #tpu.memory_space<vmem>>
      tpu.wait_dma2 semaphore(%run_scoped3A_476 : memref<!tpu.dma_semaphore, #tpu.memory_space<semaphore_mem>>) src(%arg6 : memref<1xf32, #tpu.memory_space<hbm>>) dst(%dma_wait3A_487 : memref<1xf32, #tpu.memory_space<vmem>>)
      tpu.yield
    }) : () -> ()
    %run_scoped3A_3 = arith.constant 50 : i32
    "tpu.region"() ({
      %run_scoped3A_476 = tpu.sem_alloc : memref<!tpu.dma_semaphore, #tpu.memory_space<semaphore_mem>>
      %dma_start3A = arith.constant 1 : i32
      %dma_start3A_477 = tpu.memref_slice %arg12[%run_scoped3A_3, %dma_start3A] : memref<51x16xf32, #tpu.memory_space<vmem>> -> memref<1x1xf32, #tpu.memory_space<vmem>>
      %dma_start3A_478 = tpu.memref_squeeze %dma_start3A_477 : memref<1x1xf32, #tpu.memory_space<vmem>> -> memref<1xf32, #tpu.memory_space<vmem>>
      %dma_start3A_479 = arith.constant 1 : i32
      %dma_start3A_480 = tpu.memref_slice %arg12[%run_scoped3A_3, %dma_start3A_479] : memref<51x16xf32, #tpu.memory_space<vmem>> -> memref<1x1xf32, #tpu.memory_space<vmem>>
      %dma_start3A_481 = tpu.memref_squeeze %dma_start3A_480 : memref<1x1xf32, #tpu.memory_space<vmem>> -> memref<1xf32, #tpu.memory_space<vmem>>
      tpu.enqueue_dma source(%arg6 : memref<1xf32, #tpu.memory_space<hbm>>) target(%dma_start3A_481 : memref<1xf32, #tpu.memory_space<vmem>>) target_semaphore(%run_scoped3A_476 : memref<!tpu.dma_semaphore, #tpu.memory_space<semaphore_mem>>)
      %dma_wait3A_482 = arith.constant 1 : i32
      %dma_wait3A_483 = tpu.memref_slice %arg12[%run_scoped3A_3, %dma_wait3A_482] : memref<51x16xf32, #tpu.memory_space<vmem>> -> memref<1x1xf32, #tpu.memory_space<vmem>>
      %dma_wait3A_484 = tpu.memref_squeeze %dma_wait3A_483 : memref<1x1xf32, #tpu.memory_space<vmem>> -> memref<1xf32, #tpu.memory_space<vmem>>
      %dma_wait3A_485 = arith.constant 1 : i32
      %dma_wait3A_486 = tpu.memref_slice %arg12[%run_scoped3A_3, %dma_wait3A_485] : memref<51x16xf32, #tpu.memory_space<vmem>> -> memref<1x1xf32, #tpu.memory_space<vmem>>
      %dma_wait3A_487 = tpu.memref_squeeze %dma_wait3A_486 : memref<1x1xf32, #tpu.memory_space<vmem>> -> memref<1xf32, #tpu.memory_space<vmem>>
      tpu.wait_dma2 semaphore(%run_scoped3A_476 : memref<!tpu.dma_semaphore, #tpu.memory_space<semaphore_mem>>) src(%arg6 : memref<1xf32, #tpu.memory_space<hbm>>) dst(%dma_wait3A_487 : memref<1xf32, #tpu.memory_space<vmem>>)
      tpu.yield
    }) : () -> ()
    %run_scoped3A_4 = arith.constant 50 : i32
    "tpu.region"() ({
      %run_scoped3A_476 = tpu.sem_alloc : memref<!tpu.dma_semaphore, #tpu.memory_space<semaphore_mem>>
      %dma_start3A = arith.constant 2 : i32
      %dma_start3A_477 = tpu.memref_slice %arg12[%run_scoped3A_4, %dma_start3A] : memref<51x16xf32, #tpu.memory_space<vmem>> -> memref<1x1xf32, #tpu.memory_space<vmem>>
      %dma_start3A_478 = tpu.memref_squeeze %dma_start3A_477 : memref<1x1xf32, #tpu.memory_space<vmem>> -> memref<1xf32, #tpu.memory_space<vmem>>
      %dma_start3A_479 = arith.constant 2 : i32
      %dma_start3A_480 = tpu.memref_slice %arg12[%run_scoped3A_4, %dma_start3A_479] : memref<51x16xf32, #tpu.memory_space<vmem>> -> memref<1x1xf32, #tpu.memory_space<vmem>>
      %dma_start3A_481 = tpu.memref_squeeze %dma_start3A_480 : memref<1x1xf32, #tpu.memory_space<vmem>> -> memref<1xf32, #tpu.memory_space<vmem>>
      tpu.enqueue_dma source(%arg6 : memref<1xf32, #tpu.memory_space<hbm>>) target(%dma_start3A_481 : memref<1xf32, #tpu.memory_space<vmem>>) target_semaphore(%run_scoped3A_476 : memref<!tpu.dma_semaphore, #tpu.memory_space<semaphore_mem>>)
      %dma_wait3A_482 = arith.constant 2 : i32
      %dma_wait3A_483 = tpu.memref_slice %arg12[%run_scoped3A_4, %dma_wait3A_482] : memref<51x16xf32, #tpu.memory_space<vmem>> -> memref<1x1xf32, #tpu.memory_space<vmem>>
      %dma_wait3A_484 = tpu.memref_squeeze %dma_wait3A_483 : memref<1x1xf32, #tpu.memory_space<vmem>> -> memref<1xf32, #tpu.memory_space<vmem>>
      %dma_wait3A_485 = arith.constant 2 : i32
      %dma_wait3A_486 = tpu.memref_slice %arg12[%run_scoped3A_4, %dma_wait3A_485] : memref<51x16xf32, #tpu.memory_space<vmem>> -> memref<1x1xf32, #tpu.memory_space<vmem>>
      %dma_wait3A_487 = tpu.memref_squeeze %dma_wait3A_486 : memref<1x1xf32, #tpu.memory_space<vmem>> -> memref<1xf32, #tpu.memory_space<vmem>>
      tpu.wait_dma2 semaphore(%run_scoped3A_476 : memref<!tpu.dma_semaphore, #tpu.memory_space<semaphore_mem>>) src(%arg6 : memref<1xf32, #tpu.memory_space<hbm>>) dst(%dma_wait3A_487 : memref<1xf32, #tpu.memory_space<vmem>>)
      tpu.yield
    }) : () -> ()
    %run_scoped3A_5 = arith.constant 50 : i32
    "tpu.region"() ({
      %run_scoped3A_476 = tpu.sem_alloc : memref<!tpu.dma_semaphore, #tpu.memory_space<semaphore_mem>>
      %dma_start3A = arith.constant 3 : i32
      %dma_start3A_477 = tpu.memref_slice %arg12[%run_scoped3A_5, %dma_start3A] : memref<51x16xf32, #tpu.memory_space<vmem>> -> memref<1x1xf32, #tpu.memory_space<vmem>>
      %dma_start3A_478 = tpu.memref_squeeze %dma_start3A_477 : memref<1x1xf32, #tpu.memory_space<vmem>> -> memref<1xf32, #tpu.memory_space<vmem>>
      %dma_start3A_479 = arith.constant 3 : i32
      %dma_start3A_480 = tpu.memref_slice %arg12[%run_scoped3A_5, %dma_start3A_479] : memref<51x16xf32, #tpu.memory_space<vmem>> -> memref<1x1xf32, #tpu.memory_space<vmem>>
      %dma_start3A_481 = tpu.memref_squeeze %dma_start3A_480 : memref<1x1xf32, #tpu.memory_space<vmem>> -> memref<1xf32, #tpu.memory_space<vmem>>
      tpu.enqueue_dma source(%arg6 : memref<1xf32, #tpu.memory_space<hbm>>) target(%dma_start3A_481 : memref<1xf32, #tpu.memory_space<vmem>>) target_semaphore(%run_scoped3A_476 : memref<!tpu.dma_semaphore, #tpu.memory_space<semaphore_mem>>)
      %dma_wait3A_482 = arith.constant 3 : i32
      %dma_wait3A_483 = tpu.memref_slice %arg12[%run_scoped3A_5, %dma_wait3A_482] : memref<51x16xf32, #tpu.memory_space<vmem>> -> memref<1x1xf32, #tpu.memory_space<vmem>>
      %dma_wait3A_484 = tpu.memref_squeeze %dma_wait3A_483 : memref<1x1xf32, #tpu.memory_space<vmem>> -> memref<1xf32, #tpu.memory_space<vmem>>
      %dma_wait3A_485 = arith.constant 3 : i32
      %dma_wait3A_486 = tpu.memref_slice %arg12[%run_scoped3A_5, %dma_wait3A_485] : memref<51x16xf32, #tpu.memory_space<vmem>> -> memref<1x1xf32, #tpu.memory_space<vmem>>
      %dma_wait3A_487 = tpu.memref_squeeze %dma_wait3A_486 : memref<1x1xf32, #tpu.memory_space<vmem>> -> memref<1xf32, #tpu.memory_space<vmem>>
      tpu.wait_dma2 semaphore(%run_scoped3A_476 : memref<!tpu.dma_semaphore, #tpu.memory_space<semaphore_mem>>) src(%arg6 : memref<1xf32, #tpu.memory_space<hbm>>) dst(%dma_wait3A_487 : memref<1xf32, #tpu.memory_space<vmem>>)
      tpu.yield
    }) : () -> ()
    %run_scoped3A_6 = arith.constant 50 : i32
    "tpu.region"() ({
      %run_scoped3A_476 = tpu.sem_alloc : memref<!tpu.dma_semaphore, #tpu.memory_space<semaphore_mem>>
      %dma_start3A = arith.constant 4 : i32
      %dma_start3A_477 = tpu.memref_slice %arg12[%run_scoped3A_6, %dma_start3A] : memref<51x16xf32, #tpu.memory_space<vmem>> -> memref<1x1xf32, #tpu.memory_space<vmem>>
      %dma_start3A_478 = tpu.memref_squeeze %dma_start3A_477 : memref<1x1xf32, #tpu.memory_space<vmem>> -> memref<1xf32, #tpu.memory_space<vmem>>
      %dma_start3A_479 = arith.constant 4 : i32
      %dma_start3A_480 = tpu.memref_slice %arg12[%run_scoped3A_6, %dma_start3A_479] : memref<51x16xf32, #tpu.memory_space<vmem>> -> memref<1x1xf32, #tpu.memory_space<vmem>>
      %dma_start3A_481 = tpu.memref_squeeze %dma_start3A_480 : memref<1x1xf32, #tpu.memory_space<vmem>> -> memref<1xf32, #tpu.memory_space<vmem>>
      tpu.enqueue_dma source(%arg6 : memref<1xf32, #tpu.memory_space<hbm>>) target(%dma_start3A_481 : memref<1xf32, #tpu.memory_space<vmem>>) target_semaphore(%run_scoped3A_476 : memref<!tpu.dma_semaphore, #tpu.memory_space<semaphore_mem>>)
      %dma_wait3A_482 = arith.constant 4 : i32
      %dma_wait3A_483 = tpu.memref_slice %arg12[%run_scoped3A_6, %dma_wait3A_482] : memref<51x16xf32, #tpu.memory_space<vmem>> -> memref<1x1xf32, #tpu.memory_space<vmem>>
      %dma_wait3A_484 = tpu.memref_squeeze %dma_wait3A_483 : memref<1x1xf32, #tpu.memory_space<vmem>> -> memref<1xf32, #tpu.memory_space<vmem>>
      %dma_wait3A_485 = arith.constant 4 : i32
      %dma_wait3A_486 = tpu.memref_slice %arg12[%run_scoped3A_6, %dma_wait3A_485] : memref<51x16xf32, #tpu.memory_space<vmem>> -> memref<1x1xf32, #tpu.memory_space<vmem>>
      %dma_wait3A_487 = tpu.memref_squeeze %dma_wait3A_486 : memref<1x1xf32, #tpu.memory_space<vmem>> -> memref<1xf32, #tpu.memory_space<vmem>>
      tpu.wait_dma2 semaphore(%run_scoped3A_476 : memref<!tpu.dma_semaphore, #tpu.memory_space<semaphore_mem>>) src(%arg6 : memref<1xf32, #tpu.memory_space<hbm>>) dst(%dma_wait3A_487 : memref<1xf32, #tpu.memory_space<vmem>>)
      tpu.yield
    }) : () -> ()
    %run_scoped3A_7 = arith.constant 50 : i32
    "tpu.region"() ({
      %run_scoped3A_476 = tpu.sem_alloc : memref<!tpu.dma_semaphore, #tpu.memory_space<semaphore_mem>>
      %dma_start3A = arith.constant 5 : i32
      %dma_start3A_477 = tpu.memref_slice %arg12[%run_scoped3A_7, %dma_start3A] : memref<51x16xf32, #tpu.memory_space<vmem>> -> memref<1x1xf32, #tpu.memory_space<vmem>>
      %dma_start3A_478 = tpu.memref_squeeze %dma_start3A_477 : memref<1x1xf32, #tpu.memory_space<vmem>> -> memref<1xf32, #tpu.memory_space<vmem>>
      %dma_start3A_479 = arith.constant 5 : i32
      %dma_start3A_480 = tpu.memref_slice %arg12[%run_scoped3A_7, %dma_start3A_479] : memref<51x16xf32, #tpu.memory_space<vmem>> -> memref<1x1xf32, #tpu.memory_space<vmem>>
      %dma_start3A_481 = tpu.memref_squeeze %dma_start3A_480 : memref<1x1xf32, #tpu.memory_space<vmem>> -> memref<1xf32, #tpu.memory_space<vmem>>
      tpu.enqueue_dma source(%arg6 : memref<1xf32, #tpu.memory_space<hbm>>) target(%dma_start3A_481 : memref<1xf32, #tpu.memory_space<vmem>>) target_semaphore(%run_scoped3A_476 : memref<!tpu.dma_semaphore, #tpu.memory_space<semaphore_mem>>)
      %dma_wait3A_482 = arith.constant 5 : i32
      %dma_wait3A_483 = tpu.memref_slice %arg12[%run_scoped3A_7, %dma_wait3A_482] : memref<51x16xf32, #tpu.memory_space<vmem>> -> memref<1x1xf32, #tpu.memory_space<vmem>>
      %dma_wait3A_484 = tpu.memref_squeeze %dma_wait3A_483 : memref<1x1xf32, #tpu.memory_space<vmem>> -> memref<1xf32, #tpu.memory_space<vmem>>
      %dma_wait3A_485 = arith.constant 5 : i32
      %dma_wait3A_486 = tpu.memref_slice %arg12[%run_scoped3A_7, %dma_wait3A_485] : memref<51x16xf32, #tpu.memory_space<vmem>> -> memref<1x1xf32, #tpu.memory_space<vmem>>
      %dma_wait3A_487 = tpu.memref_squeeze %dma_wait3A_486 : memref<1x1xf32, #tpu.memory_space<vmem>> -> memref<1xf32, #tpu.memory_space<vmem>>
      tpu.wait_dma2 semaphore(%run_scoped3A_476 : memref<!tpu.dma_semaphore, #tpu.memory_space<semaphore_mem>>) src(%arg6 : memref<1xf32, #tpu.memory_space<hbm>>) dst(%dma_wait3A_487 : memref<1xf32, #tpu.memory_space<vmem>>)
      tpu.yield
    }) : () -> ()
    %run_scoped3A_8 = arith.constant 50 : i32
    "tpu.region"() ({
      %run_scoped3A_476 = tpu.sem_alloc : memref<!tpu.dma_semaphore, #tpu.memory_space<semaphore_mem>>
      %dma_start3A = arith.constant 6 : i32
      %dma_start3A_477 = tpu.memref_slice %arg12[%run_scoped3A_8, %dma_start3A] : memref<51x16xf32, #tpu.memory_space<vmem>> -> memref<1x1xf32, #tpu.memory_space<vmem>>
      %dma_start3A_478 = tpu.memref_squeeze %dma_start3A_477 : memref<1x1xf32, #tpu.memory_space<vmem>> -> memref<1xf32, #tpu.memory_space<vmem>>
      %dma_start3A_479 = arith.constant 6 : i32
      %dma_start3A_480 = tpu.memref_slice %arg12[%run_scoped3A_8, %dma_start3A_479] : memref<51x16xf32, #tpu.memory_space<vmem>> -> memref<1x1xf32, #tpu.memory_space<vmem>>
      %dma_start3A_481 = tpu.memref_squeeze %dma_start3A_480 : memref<1x1xf32, #tpu.memory_space<vmem>> -> memref<1xf32, #tpu.memory_space<vmem>>
      tpu.enqueue_dma source(%arg6 : memref<1xf32, #tpu.memory_space<hbm>>) target(%dma_start3A_481 : memref<1xf32, #tpu.memory_space<vmem>>) target_semaphore(%run_scoped3A_476 : memref<!tpu.dma_semaphore, #tpu.memory_space<semaphore_mem>>)
      %dma_wait3A_482 = arith.constant 6 : i32
      %dma_wait3A_483 = tpu.memref_slice %arg12[%run_scoped3A_8, %dma_wait3A_482] : memref<51x16xf32, #tpu.memory_space<vmem>> -> memref<1x1xf32, #tpu.memory_space<vmem>>
      %dma_wait3A_484 = tpu.memref_squeeze %dma_wait3A_483 : memref<1x1xf32, #tpu.memory_space<vmem>> -> memref<1xf32, #tpu.memory_space<vmem>>
      %dma_wait3A_485 = arith.constant 6 : i32
      %dma_wait3A_486 = tpu.memref_slice %arg12[%run_scoped3A_8, %dma_wait3A_485] : memref<51x16xf32, #tpu.memory_space<vmem>> -> memref<1x1xf32, #tpu.memory_space<vmem>>
      %dma_wait3A_487 = tpu.memref_squeeze %dma_wait3A_486 : memref<1x1xf32, #tpu.memory_space<vmem>> -> memref<1xf32, #tpu.memory_space<vmem>>
      tpu.wait_dma2 semaphore(%run_scoped3A_476 : memref<!tpu.dma_semaphore, #tpu.memory_space<semaphore_mem>>) src(%arg6 : memref<1xf32, #tpu.memory_space<hbm>>) dst(%dma_wait3A_487 : memref<1xf32, #tpu.memory_space<vmem>>)
      tpu.yield
    }) : () -> ()
    %run_scoped3A_9 = arith.constant 50 : i32
    "tpu.region"() ({
      %run_scoped3A_476 = tpu.sem_alloc : memref<!tpu.dma_semaphore, #tpu.memory_space<semaphore_mem>>
      %dma_start3A = arith.constant 7 : i32
      %dma_start3A_477 = tpu.memref_slice %arg12[%run_scoped3A_9, %dma_start3A] : memref<51x16xf32, #tpu.memory_space<vmem>> -> memref<1x1xf32, #tpu.memory_space<vmem>>
      %dma_start3A_478 = tpu.memref_squeeze %dma_start3A_477 : memref<1x1xf32, #tpu.memory_space<vmem>> -> memref<1xf32, #tpu.memory_space<vmem>>
      %dma_start3A_479 = arith.constant 7 : i32
      %dma_start3A_480 = tpu.memref_slice %arg12[%run_scoped3A_9, %dma_start3A_479] : memref<51x16xf32, #tpu.memory_space<vmem>> -> memref<1x1xf32, #tpu.memory_space<vmem>>
      %dma_start3A_481 = tpu.memref_squeeze %dma_start3A_480 : memref<1x1xf32, #tpu.memory_space<vmem>> -> memref<1xf32, #tpu.memory_space<vmem>>
      tpu.enqueue_dma source(%arg6 : memref<1xf32, #tpu.memory_space<hbm>>) target(%dma_start3A_481 : memref<1xf32, #tpu.memory_space<vmem>>) target_semaphore(%run_scoped3A_476 : memref<!tpu.dma_semaphore, #tpu.memory_space<semaphore_mem>>)
      %dma_wait3A_482 = arith.constant 7 : i32
      %dma_wait3A_483 = tpu.memref_slice %arg12[%run_scoped3A_9, %dma_wait3A_482] : memref<51x16xf32, #tpu.memory_space<vmem>> -> memref<1x1xf32, #tpu.memory_space<vmem>>
      %dma_wait3A_484 = tpu.memref_squeeze %dma_wait3A_483 : memref<1x1xf32, #tpu.memory_space<vmem>> -> memref<1xf32, #tpu.memory_space<vmem>>
      %dma_wait3A_485 = arith.constant 7 : i32
      %dma_wait3A_486 = tpu.memref_slice %arg12[%run_scoped3A_9, %dma_wait3A_485] : memref<51x16xf32, #tpu.memory_space<vmem>> -> memref<1x1xf32, #tpu.memory_space<vmem>>
      %dma_wait3A_487 = tpu.memref_squeeze %dma_wait3A_486 : memref<1x1xf32, #tpu.memory_space<vmem>> -> memref<1xf32, #tpu.memory_space<vmem>>
      tpu.wait_dma2 semaphore(%run_scoped3A_476 : memref<!tpu.dma_semaphore, #tpu.memory_space<semaphore_mem>>) src(%arg6 : memref<1xf32, #tpu.memory_space<hbm>>) dst(%dma_wait3A_487 : memref<1xf32, #tpu.memory_space<vmem>>)
      tpu.yield
    }) : () -> ()
    %run_scoped3A_10 = arith.constant 50 : i32
    "tpu.region"() ({
      %run_scoped3A_476 = tpu.sem_alloc : memref<!tpu.dma_semaphore, #tpu.memory_space<semaphore_mem>>
      %dma_start3A = arith.constant 8 : i32
      %dma_start3A_477 = tpu.memref_slice %arg12[%run_scoped3A_10, %dma_start3A] : memref<51x16xf32, #tpu.memory_space<vmem>> -> memref<1x1xf32, #tpu.memory_space<vmem>>
      %dma_start3A_478 = tpu.memref_squeeze %dma_start3A_477 : memref<1x1xf32, #tpu.memory_space<vmem>> -> memref<1xf32, #tpu.memory_space<vmem>>
      %dma_start3A_479 = arith.constant 8 : i32
      %dma_start3A_480 = tpu.memref_slice %arg12[%run_scoped3A_10, %dma_start3A_479] : memref<51x16xf32, #tpu.memory_space<vmem>> -> memref<1x1xf32, #tpu.memory_space<vmem>>
      %dma_start3A_481 = tpu.memref_squeeze %dma_start3A_480 : memref<1x1xf32, #tpu.memory_space<vmem>> -> memref<1xf32, #tpu.memory_space<vmem>>
      tpu.enqueue_dma source(%arg6 : memref<1xf32, #tpu.memory_space<hbm>>) target(%dma_start3A_481 : memref<1xf32, #tpu.memory_space<vmem>>) target_semaphore(%run_scoped3A_476 : memref<!tpu.dma_semaphore, #tpu.memory_space<semaphore_mem>>)
      %dma_wait3A_482 = arith.constant 8 : i32
      %dma_wait3A_483 = tpu.memref_slice %arg12[%run_scoped3A_10, %dma_wait3A_482] : memref<51x16xf32, #tpu.memory_space<vmem>> -> memref<1x1xf32, #tpu.memory_space<vmem>>
      %dma_wait3A_484 = tpu.memref_squeeze %dma_wait3A_483 : memref<1x1xf32, #tpu.memory_space<vmem>> -> memref<1xf32, #tpu.memory_space<vmem>>
      %dma_wait3A_485 = arith.constant 8 : i32
      %dma_wait3A_486 = tpu.memref_slice %arg12[%run_scoped3A_10, %dma_wait3A_485] : memref<51x16xf32, #tpu.memory_space<vmem>> -> memref<1x1xf32, #tpu.memory_space<vmem>>
      %dma_wait3A_487 = tpu.memref_squeeze %dma_wait3A_486 : memref<1x1xf32, #tpu.memory_space<vmem>> -> memref<1xf32, #tpu.memory_space<vmem>>
      tpu.wait_dma2 semaphore(%run_scoped3A_476 : memref<!tpu.dma_semaphore, #tpu.memory_space<semaphore_mem>>) src(%arg6 : memref<1xf32, #tpu.memory_space<hbm>>) dst(%dma_wait3A_487 : memref<1xf32, #tpu.memory_space<vmem>>)
      tpu.yield
    }) : () -> ()
    %run_scoped3A_11 = arith.constant 50 : i32
    "tpu.region"() ({
      %run_scoped3A_476 = tpu.sem_alloc : memref<!tpu.dma_semaphore, #tpu.memory_space<semaphore_mem>>
      %dma_start3A = arith.constant 9 : i32
      %dma_start3A_477 = tpu.memref_slice %arg12[%run_scoped3A_11, %dma_start3A] : memref<51x16xf32, #tpu.memory_space<vmem>> -> memref<1x1xf32, #tpu.memory_space<vmem>>
      %dma_start3A_478 = tpu.memref_squeeze %dma_start3A_477 : memref<1x1xf32, #tpu.memory_space<vmem>> -> memref<1xf32, #tpu.memory_space<vmem>>
      %dma_start3A_479 = arith.constant 9 : i32
      %dma_start3A_480 = tpu.memref_slice %arg12[%run_scoped3A_11, %dma_start3A_479] : memref<51x16xf32, #tpu.memory_space<vmem>> -> memref<1x1xf32, #tpu.memory_space<vmem>>
      %dma_start3A_481 = tpu.memref_squeeze %dma_start3A_480 : memref<1x1xf32, #tpu.memory_space<vmem>> -> memref<1xf32, #tpu.memory_space<vmem>>
      tpu.enqueue_dma source(%arg6 : memref<1xf32, #tpu.memory_space<hbm>>) target(%dma_start3A_481 : memref<1xf32, #tpu.memory_space<vmem>>) target_semaphore(%run_scoped3A_476 : memref<!tpu.dma_semaphore, #tpu.memory_space<semaphore_mem>>)
      %dma_wait3A_482 = arith.constant 9 : i32
      %dma_wait3A_483 = tpu.memref_slice %arg12[%run_scoped3A_11, %dma_wait3A_482] : memref<51x16xf32, #tpu.memory_space<vmem>> -> memref<1x1xf32, #tpu.memory_space<vmem>>
      %dma_wait3A_484 = tpu.memref_squeeze %dma_wait3A_483 : memref<1x1xf32, #tpu.memory_space<vmem>> -> memref<1xf32, #tpu.memory_space<vmem>>
      %dma_wait3A_485 = arith.constant 9 : i32
      %dma_wait3A_486 = tpu.memref_slice %arg12[%run_scoped3A_11, %dma_wait3A_485] : memref<51x16xf32, #tpu.memory_space<vmem>> -> memref<1x1xf32, #tpu.memory_space<vmem>>
      %dma_wait3A_487 = tpu.memref_squeeze %dma_wait3A_486 : memref<1x1xf32, #tpu.memory_space<vmem>> -> memref<1xf32, #tpu.memory_space<vmem>>
      tpu.wait_dma2 semaphore(%run_scoped3A_476 : memref<!tpu.dma_semaphore, #tpu.memory_space<semaphore_mem>>) src(%arg6 : memref<1xf32, #tpu.memory_space<hbm>>) dst(%dma_wait3A_487 : memref<1xf32, #tpu.memory_space<vmem>>)
      tpu.yield
    }) : () -> ()
    %run_scoped3A_12 = arith.constant 50 : i32
    "tpu.region"() ({
      %run_scoped3A_476 = tpu.sem_alloc : memref<!tpu.dma_semaphore, #tpu.memory_space<semaphore_mem>>
      %dma_start3A = arith.constant 10 : i32
      %dma_start3A_477 = tpu.memref_slice %arg12[%run_scoped3A_12, %dma_start3A] : memref<51x16xf32, #tpu.memory_space<vmem>> -> memref<1x1xf32, #tpu.memory_space<vmem>>
      %dma_start3A_478 = tpu.memref_squeeze %dma_start3A_477 : memref<1x1xf32, #tpu.memory_space<vmem>> -> memref<1xf32, #tpu.memory_space<vmem>>
      %dma_start3A_479 = arith.constant 10 : i32
      %dma_start3A_480 = tpu.memref_slice %arg12[%run_scoped3A_12, %dma_start3A_479] : memref<51x16xf32, #tpu.memory_space<vmem>> -> memref<1x1xf32, #tpu.memory_space<vmem>>
      %dma_start3A_481 = tpu.memref_squeeze %dma_start3A_480 : memref<1x1xf32, #tpu.memory_space<vmem>> -> memref<1xf32, #tpu.memory_space<vmem>>
      tpu.enqueue_dma source(%arg6 : memref<1xf32, #tpu.memory_space<hbm>>) target(%dma_start3A_481 : memref<1xf32, #tpu.memory_space<vmem>>) target_semaphore(%run_scoped3A_476 : memref<!tpu.dma_semaphore, #tpu.memory_space<semaphore_mem>>)
      %dma_wait3A_482 = arith.constant 10 : i32
      %dma_wait3A_483 = tpu.memref_slice %arg12[%run_scoped3A_12, %dma_wait3A_482] : memref<51x16xf32, #tpu.memory_space<vmem>> -> memref<1x1xf32, #tpu.memory_space<vmem>>
      %dma_wait3A_484 = tpu.memref_squeeze %dma_wait3A_483 : memref<1x1xf32, #tpu.memory_space<vmem>> -> memref<1xf32, #tpu.memory_space<vmem>>
      %dma_wait3A_485 = arith.constant 10 : i32
      %dma_wait3A_486 = tpu.memref_slice %arg12[%run_scoped3A_12, %dma_wait3A_485] : memref<51x16xf32, #tpu.memory_space<vmem>> -> memref<1x1xf32, #tpu.memory_space<vmem>>
      %dma_wait3A_487 = tpu.memref_squeeze %dma_wait3A_486 : memref<1x1xf32, #tpu.memory_space<vmem>> -> memref<1xf32, #tpu.memory_space<vmem>>
      tpu.wait_dma2 semaphore(%run_scoped3A_476 : memref<!tpu.dma_semaphore, #tpu.memory_space<semaphore_mem>>) src(%arg6 : memref<1xf32, #tpu.memory_space<hbm>>) dst(%dma_wait3A_487 : memref<1xf32, #tpu.memory_space<vmem>>)
      tpu.yield
    }) : () -> ()
    %run_scoped3A_13 = arith.constant 50 : i32
    "tpu.region"() ({
      %run_scoped3A_476 = tpu.sem_alloc : memref<!tpu.dma_semaphore, #tpu.memory_space<semaphore_mem>>
      %dma_start3A = arith.constant 11 : i32
      %dma_start3A_477 = tpu.memref_slice %arg12[%run_scoped3A_13, %dma_start3A] : memref<51x16xf32, #tpu.memory_space<vmem>> -> memref<1x1xf32, #tpu.memory_space<vmem>>
      %dma_start3A_478 = tpu.memref_squeeze %dma_start3A_477 : memref<1x1xf32, #tpu.memory_space<vmem>> -> memref<1xf32, #tpu.memory_space<vmem>>
      %dma_start3A_479 = arith.constant 11 : i32
      %dma_start3A_480 = tpu.memref_slice %arg12[%run_scoped3A_13, %dma_start3A_479] : memref<51x16xf32, #tpu.memory_space<vmem>> -> memref<1x1xf32, #tpu.memory_space<vmem>>
      %dma_start3A_481 = tpu.memref_squeeze %dma_start3A_480 : memref<1x1xf32, #tpu.memory_space<vmem>> -> memref<1xf32, #tpu.memory_space<vmem>>
      tpu.enqueue_dma source(%arg6 : memref<1xf32, #tpu.memory_space<hbm>>) target(%dma_start3A_481 : memref<1xf32, #tpu.memory_space<vmem>>) target_semaphore(%run_scoped3A_476 : memref<!tpu.dma_semaphore, #tpu.memory_space<semaphore_mem>>)
      %dma_wait3A_482 = arith.constant 11 : i32
      %dma_wait3A_483 = tpu.memref_slice %arg12[%run_scoped3A_13, %dma_wait3A_482] : memref<51x16xf32, #tpu.memory_space<vmem>> -> memref<1x1xf32, #tpu.memory_space<vmem>>
      %dma_wait3A_484 = tpu.memref_squeeze %dma_wait3A_483 : memref<1x1xf32, #tpu.memory_space<vmem>> -> memref<1xf32, #tpu.memory_space<vmem>>
      %dma_wait3A_485 = arith.constant 11 : i32
      %dma_wait3A_486 = tpu.memref_slice %arg12[%run_scoped3A_13, %dma_wait3A_485] : memref<51x16xf32, #tpu.memory_space<vmem>> -> memref<1x1xf32, #tpu.memory_space<vmem>>
      %dma_wait3A_487 = tpu.memref_squeeze %dma_wait3A_486 : memref<1x1xf32, #tpu.memory_space<vmem>> -> memref<1xf32, #tpu.memory_space<vmem>>
      tpu.wait_dma2 semaphore(%run_scoped3A_476 : memref<!tpu.dma_semaphore, #tpu.memory_space<semaphore_mem>>) src(%arg6 : memref<1xf32, #tpu.memory_space<hbm>>) dst(%dma_wait3A_487 : memref<1xf32, #tpu.memory_space<vmem>>)
      tpu.yield
    }) : () -> ()
    %run_scoped3A_14 = arith.constant 50 : i32
    "tpu.region"() ({
      %run_scoped3A_476 = tpu.sem_alloc : memref<!tpu.dma_semaphore, #tpu.memory_space<semaphore_mem>>
      %dma_start3A = arith.constant 12 : i32
      %dma_start3A_477 = tpu.memref_slice %arg12[%run_scoped3A_14, %dma_start3A] : memref<51x16xf32, #tpu.memory_space<vmem>> -> memref<1x1xf32, #tpu.memory_space<vmem>>
      %dma_start3A_478 = tpu.memref_squeeze %dma_start3A_477 : memref<1x1xf32, #tpu.memory_space<vmem>> -> memref<1xf32, #tpu.memory_space<vmem>>
      %dma_start3A_479 = arith.constant 12 : i32
      %dma_start3A_480 = tpu.memref_slice %arg12[%run_scoped3A_14, %dma_start3A_479] : memref<51x16xf32, #tpu.memory_space<vmem>> -> memref<1x1xf32, #tpu.memory_space<vmem>>
      %dma_start3A_481 = tpu.memref_squeeze %dma_start3A_480 : memref<1x1xf32, #tpu.memory_space<vmem>> -> memref<1xf32, #tpu.memory_space<vmem>>
      tpu.enqueue_dma source(%arg6 : memref<1xf32, #tpu.memory_space<hbm>>) target(%dma_start3A_481 : memref<1xf32, #tpu.memory_space<vmem>>) target_semaphore(%run_scoped3A_476 : memref<!tpu.dma_semaphore, #tpu.memory_space<semaphore_mem>>)
      %dma_wait3A_482 = arith.constant 12 : i32
      %dma_wait3A_483 = tpu.memref_slice %arg12[%run_scoped3A_14, %dma_wait3A_482] : memref<51x16xf32, #tpu.memory_space<vmem>> -> memref<1x1xf32, #tpu.memory_space<vmem>>
      %dma_wait3A_484 = tpu.memref_squeeze %dma_wait3A_483 : memref<1x1xf32, #tpu.memory_space<vmem>> -> memref<1xf32, #tpu.memory_space<vmem>>
      %dma_wait3A_485 = arith.constant 12 : i32
      %dma_wait3A_486 = tpu.memref_slice %arg12[%run_scoped3A_14, %dma_wait3A_485] : memref<51x16xf32, #tpu.memory_space<vmem>> -> memref<1x1xf32, #tpu.memory_space<vmem>>
      %dma_wait3A_487 = tpu.memref_squeeze %dma_wait3A_486 : memref<1x1xf32, #tpu.memory_space<vmem>> -> memref<1xf32, #tpu.memory_space<vmem>>
      tpu.wait_dma2 semaphore(%run_scoped3A_476 : memref<!tpu.dma_semaphore, #tpu.memory_space<semaphore_mem>>) src(%arg6 : memref<1xf32, #tpu.memory_space<hbm>>) dst(%dma_wait3A_487 : memref<1xf32, #tpu.memory_space<vmem>>)
      tpu.yield
    }) : () -> ()
    %run_scoped3A_15 = arith.constant 50 : i32
    "tpu.region"() ({
      %run_scoped3A_476 = tpu.sem_alloc : memref<!tpu.dma_semaphore, #tpu.memory_space<semaphore_mem>>
      %dma_start3A = arith.constant 13 : i32
      %dma_start3A_477 = tpu.memref_slice %arg12[%run_scoped3A_15, %dma_start3A] : memref<51x16xf32, #tpu.memory_space<vmem>> -> memref<1x1xf32, #tpu.memory_space<vmem>>
      %dma_start3A_478 = tpu.memref_squeeze %dma_start3A_477 : memref<1x1xf32, #tpu.memory_space<vmem>> -> memref<1xf32, #tpu.memory_space<vmem>>
      %dma_start3A_479 = arith.constant 13 : i32
      %dma_start3A_480 = tpu.memref_slice %arg12[%run_scoped3A_15, %dma_start3A_479] : memref<51x16xf32, #tpu.memory_space<vmem>> -> memref<1x1xf32, #tpu.memory_space<vmem>>
      %dma_start3A_481 = tpu.memref_squeeze %dma_start3A_480 : memref<1x1xf32, #tpu.memory_space<vmem>> -> memref<1xf32, #tpu.memory_space<vmem>>
      tpu.enqueue_dma source(%arg6 : memref<1xf32, #tpu.memory_space<hbm>>) target(%dma_start3A_481 : memref<1xf32, #tpu.memory_space<vmem>>) target_semaphore(%run_scoped3A_476 : memref<!tpu.dma_semaphore, #tpu.memory_space<semaphore_mem>>)
      %dma_wait3A_482 = arith.constant 13 : i32
      %dma_wait3A_483 = tpu.memref_slice %arg12[%run_scoped3A_15, %dma_wait3A_482] : memref<51x16xf32, #tpu.memory_space<vmem>> -> memref<1x1xf32, #tpu.memory_space<vmem>>
      %dma_wait3A_484 = tpu.memref_squeeze %dma_wait3A_483 : memref<1x1xf32, #tpu.memory_space<vmem>> -> memref<1xf32, #tpu.memory_space<vmem>>
      %dma_wait3A_485 = arith.constant 13 : i32
      %dma_wait3A_486 = tpu.memref_slice %arg12[%run_scoped3A_15, %dma_wait3A_485] : memref<51x16xf32, #tpu.memory_space<vmem>> -> memref<1x1xf32, #tpu.memory_space<vmem>>
      %dma_wait3A_487 = tpu.memref_squeeze %dma_wait3A_486 : memref<1x1xf32, #tpu.memory_space<vmem>> -> memref<1xf32, #tpu.memory_space<vmem>>
      tpu.wait_dma2 semaphore(%run_scoped3A_476 : memref<!tpu.dma_semaphore, #tpu.memory_space<semaphore_mem>>) src(%arg6 : memref<1xf32, #tpu.memory_space<hbm>>) dst(%dma_wait3A_487 : memref<1xf32, #tpu.memory_space<vmem>>)
      tpu.yield
    }) : () -> ()
    %run_scoped3A_16 = arith.constant 50 : i32
    "tpu.region"() ({
      %run_scoped3A_476 = tpu.sem_alloc : memref<!tpu.dma_semaphore, #tpu.memory_space<semaphore_mem>>
      %dma_start3A = arith.constant 14 : i32
      %dma_start3A_477 = tpu.memref_slice %arg12[%run_scoped3A_16, %dma_start3A] : memref<51x16xf32, #tpu.memory_space<vmem>> -> memref<1x1xf32, #tpu.memory_space<vmem>>
      %dma_start3A_478 = tpu.memref_squeeze %dma_start3A_477 : memref<1x1xf32, #tpu.memory_space<vmem>> -> memref<1xf32, #tpu.memory_space<vmem>>
      %dma_start3A_479 = arith.constant 14 : i32
      %dma_start3A_480 = tpu.memref_slice %arg12[%run_scoped3A_16, %dma_start3A_479] : memref<51x16xf32, #tpu.memory_space<vmem>> -> memref<1x1xf32, #tpu.memory_space<vmem>>
      %dma_start3A_481 = tpu.memref_squeeze %dma_start3A_480 : memref<1x1xf32, #tpu.memory_space<vmem>> -> memref<1xf32, #tpu.memory_space<vmem>>
      tpu.enqueue_dma source(%arg6 : memref<1xf32, #tpu.memory_space<hbm>>) target(%dma_start3A_481 : memref<1xf32, #tpu.memory_space<vmem>>) target_semaphore(%run_scoped3A_476 : memref<!tpu.dma_semaphore, #tpu.memory_space<semaphore_mem>>)
      %dma_wait3A_482 = arith.constant 14 : i32
      %dma_wait3A_483 = tpu.memref_slice %arg12[%run_scoped3A_16, %dma_wait3A_482] : memref<51x16xf32, #tpu.memory_space<vmem>> -> memref<1x1xf32, #tpu.memory_space<vmem>>
      %dma_wait3A_484 = tpu.memref_squeeze %dma_wait3A_483 : memref<1x1xf32, #tpu.memory_space<vmem>> -> memref<1xf32, #tpu.memory_space<vmem>>
      %dma_wait3A_485 = arith.constant 14 : i32
      %dma_wait3A_486 = tpu.memref_slice %arg12[%run_scoped3A_16, %dma_wait3A_485] : memref<51x16xf32, #tpu.memory_space<vmem>> -> memref<1x1xf32, #tpu.memory_space<vmem>>
      %dma_wait3A_487 = tpu.memref_squeeze %dma_wait3A_486 : memref<1x1xf32, #tpu.memory_space<vmem>> -> memref<1xf32, #tpu.memory_space<vmem>>
      tpu.wait_dma2 semaphore(%run_scoped3A_476 : memref<!tpu.dma_semaphore, #tpu.memory_space<semaphore_mem>>) src(%arg6 : memref<1xf32, #tpu.memory_space<hbm>>) dst(%dma_wait3A_487 : memref<1xf32, #tpu.memory_space<vmem>>)
      tpu.yield
    }) : () -> ()
    %run_scoped3A_17 = arith.constant 50 : i32
    "tpu.region"() ({
      %run_scoped3A_476 = tpu.sem_alloc : memref<!tpu.dma_semaphore, #tpu.memory_space<semaphore_mem>>
      %dma_start3A = arith.constant 15 : i32
      %dma_start3A_477 = tpu.memref_slice %arg12[%run_scoped3A_17, %dma_start3A] : memref<51x16xf32, #tpu.memory_space<vmem>> -> memref<1x1xf32, #tpu.memory_space<vmem>>
      %dma_start3A_478 = tpu.memref_squeeze %dma_start3A_477 : memref<1x1xf32, #tpu.memory_space<vmem>> -> memref<1xf32, #tpu.memory_space<vmem>>
      %dma_start3A_479 = arith.constant 15 : i32
      %dma_start3A_480 = tpu.memref_slice %arg12[%run_scoped3A_17, %dma_start3A_479] : memref<51x16xf32, #tpu.memory_space<vmem>> -> memref<1x1xf32, #tpu.memory_space<vmem>>
      %dma_start3A_481 = tpu.memref_squeeze %dma_start3A_480 : memref<1x1xf32, #tpu.memory_space<vmem>> -> memref<1xf32, #tpu.memory_space<vmem>>
      tpu.enqueue_dma source(%arg6 : memref<1xf32, #tpu.memory_space<hbm>>) target(%dma_start3A_481 : memref<1xf32, #tpu.memory_space<vmem>>) target_semaphore(%run_scoped3A_476 : memref<!tpu.dma_semaphore, #tpu.memory_space<semaphore_mem>>)
      %dma_wait3A_482 = arith.constant 15 : i32
      %dma_wait3A_483 = tpu.memref_slice %arg12[%run_scoped3A_17, %dma_wait3A_482] : memref<51x16xf32, #tpu.memory_space<vmem>> -> memref<1x1xf32, #tpu.memory_space<vmem>>
      %dma_wait3A_484 = tpu.memref_squeeze %dma_wait3A_483 : memref<1x1xf32, #tpu.memory_space<vmem>> -> memref<1xf32, #tpu.memory_space<vmem>>
      %dma_wait3A_485 = arith.constant 15 : i32
      %dma_wait3A_486 = tpu.memref_slice %arg12[%run_scoped3A_17, %dma_wait3A_485] : memref<51x16xf32, #tpu.memory_space<vmem>> -> memref<1x1xf32, #tpu.memory_space<vmem>>
      %dma_wait3A_487 = tpu.memref_squeeze %dma_wait3A_486 : memref<1x1xf32, #tpu.memory_space<vmem>> -> memref<1xf32, #tpu.memory_space<vmem>>
      tpu.wait_dma2 semaphore(%run_scoped3A_476 : memref<!tpu.dma_semaphore, #tpu.memory_space<semaphore_mem>>) src(%arg6 : memref<1xf32, #tpu.memory_space<hbm>>) dst(%dma_wait3A_487 : memref<1xf32, #tpu.memory_space<vmem>>)
      tpu.yield
    }) : () -> ()
    %iota3A = tpu.iota {dimensions = array<i32: 0>} : vector<16xi32>
    %broadcast_in_dim3A = arith.constant 0 : i32
    %broadcast_in_dim3A_18 = vector.broadcast %broadcast_in_dim3A : i32 to vector<16xi32>
    %broadcast_in_dim3A_19 = arith.constant 1 : i32
    %broadcast_in_dim3A_20 = vector.broadcast %broadcast_in_dim3A_19 : i32 to vector<16xi32>
    %scan3A = arith.constant 0 : i32
    %scan3A_21 = arith.constant 32 : i32
    %scan3A_22 = arith.addi %scan3A, %scan3A_21 : i32
    %scan3A_23 = arith.constant 1 : i32
    scf.for %scan3A_476 = %scan3A to %scan3A_22 step %scan3A_23  : i32 {
      %mul3A_477 = arith.constant 16 : i32
      %mul3A_478 = arith.muli %scan3A_476, %mul3A_477 : i32
      %add3A_479 = vector.broadcast %mul3A_478 : i32 to vector<16xi32>
      %add3A_480 = arith.addi %add3A_479, %iota3A : vector<16xi32>
      %gather3A_481 = tpu.vector_load_idx %arg8[%add3A_480, %broadcast_in_dim3A_18] : memref<512x2xi32, #tpu.memory_space<vmem>>[vector<16xi32>, vector<16xi32>], vector<16xi32>,
      %gather3A_482 = tpu.vector_load_idx %arg8[%add3A_480, %broadcast_in_dim3A_20] : memref<512x2xi32, #tpu.memory_space<vmem>>[vector<16xi32>, vector<16xi32>], vector<16xi32>,
      %mul3A_483 = arith.constant 16 : i32
      %mul3A_484 = arith.muli %scan3A_476, %mul3A_483 : i32
      %add3A_485 = arith.constant 0 : i32
      %add3A_486 = arith.addi %mul3A_484, %add3A_485 : i32
      %slice3A = vector.extract_strided_slice %gather3A_481 {offsets = [0], sizes = [1], strides = [1]} : vector<16xi32> to vector<1xi32>
      %squeeze3A = vector.extract %slice3A[0] : i32 from vector<1xi32>
      %dma_start3A = arith.constant 0 : i32
      %dma_start3A_487 = tpu.memref_slice %arg9[%add3A_486, %dma_start3A] : memref<512x50xf32, #tpu.memory_space<vmem>> -> memref<1x50xf32, #tpu.memory_space<vmem>>
      %dma_start3A_488 = arith.constant 0 : i32
      %dma_start3A_489 = tpu.memref_slice %arg3[%squeeze3A, %dma_start3A_488] : memref<1000000x50xf32, #tpu.memory_space<hbm>> -> memref<1x50xf32, #tpu.memory_space<hbm>>
      %dma_start3A_490 = arith.constant 0 : i32
      %dma_start3A_491 = tpu.memref_slice %arg9[%add3A_486, %dma_start3A_490] : memref<512x50xf32, #tpu.memory_space<vmem>> -> memref<1x50xf32, #tpu.memory_space<vmem>>
      %dma_start3A_492 = arith.constant 0 : i32
      %dma_start3A_493 = tpu.memref_slice %arg3[%squeeze3A, %dma_start3A_492] : memref<1000000x50xf32, #tpu.memory_space<hbm>> -> memref<1x50xf32, #tpu.memory_space<hbm>>
      tpu.enqueue_dma source(%dma_start3A_493 : memref<1x50xf32, #tpu.memory_space<hbm>>) target(%dma_start3A_491 : memref<1x50xf32, #tpu.memory_space<vmem>>) target_semaphore(%arg14 : memref<!tpu.dma_semaphore, #tpu.memory_space<semaphore_mem>>)
      %slice3A_494 = vector.extract_strided_slice %gather3A_482 {offsets = [0], sizes = [1], strides = [1]} : vector<16xi32> to vector<1xi32>
      %squeeze3A_495 = vector.extract %slice3A_494[0] : i32 from vector<1xi32>
      %dma_start3A_496 = arith.constant 0 : i32
      %dma_start3A_497 = tpu.memref_slice %arg10[%add3A_486, %dma_start3A_496] : memref<512x50xf32, #tpu.memory_space<vmem>> -> memref<1x50xf32, #tpu.memory_space<vmem>>
      %dma_start3A_498 = arith.constant 0 : i32
      %dma_start3A_499 = tpu.memref_slice %arg4[%squeeze3A_495, %dma_start3A_498] : memref<100000x50xf32, #tpu.memory_space<hbm>> -> memref<1x50xf32, #tpu.memory_space<hbm>>
      %dma_start3A_500 = arith.constant 0 : i32
      %dma_start3A_501 = tpu.memref_slice %arg10[%add3A_486, %dma_start3A_500] : memref<512x50xf32, #tpu.memory_space<vmem>> -> memref<1x50xf32, #tpu.memory_space<vmem>>
      %dma_start3A_502 = arith.constant 0 : i32
      %dma_start3A_503 = tpu.memref_slice %arg4[%squeeze3A_495, %dma_start3A_502] : memref<100000x50xf32, #tpu.memory_space<hbm>> -> memref<1x50xf32, #tpu.memory_space<hbm>>
      tpu.enqueue_dma source(%dma_start3A_503 : memref<1x50xf32, #tpu.memory_space<hbm>>) target(%dma_start3A_501 : memref<1x50xf32, #tpu.memory_space<vmem>>) target_semaphore(%arg18 : memref<!tpu.dma_semaphore, #tpu.memory_space<semaphore_mem>>)
      %mul3A_504 = arith.constant 16 : i32
      %mul3A_505 = arith.muli %scan3A_476, %mul3A_504 : i32
      %add3A_506 = arith.constant 1 : i32
      %add3A_507 = arith.addi %mul3A_505, %add3A_506 : i32
      %slice3A_508 = vector.extract_strided_slice %gather3A_481 {offsets = [1], sizes = [1], strides = [1]} : vector<16xi32> to vector<1xi32>
      %squeeze3A_509 = vector.extract %slice3A_508[0] : i32 from vector<1xi32>
      %dma_start3A_510 = arith.constant 0 : i32
      %dma_start3A_511 = tpu.memref_slice %arg9[%add3A_507, %dma_start3A_510] : memref<512x50xf32, #tpu.memory_space<vmem>> -> memref<1x50xf32, #tpu.memory_space<vmem>>
      %dma_start3A_512 = arith.constant 0 : i32
      %dma_start3A_513 = tpu.memref_slice %arg3[%squeeze3A_509, %dma_start3A_512] : memref<1000000x50xf32, #tpu.memory_space<hbm>> -> memref<1x50xf32, #tpu.memory_space<hbm>>
      %dma_start3A_514 = arith.constant 0 : i32
      %dma_start3A_515 = tpu.memref_slice %arg9[%add3A_507, %dma_start3A_514] : memref<512x50xf32, #tpu.memory_space<vmem>> -> memref<1x50xf32, #tpu.memory_space<vmem>>
      %dma_start3A_516 = arith.constant 0 : i32
      %dma_start3A_517 = tpu.memref_slice %arg3[%squeeze3A_509, %dma_start3A_516] : memref<1000000x50xf32, #tpu.memory_space<hbm>> -> memref<1x50xf32, #tpu.memory_space<hbm>>
      tpu.enqueue_dma source(%dma_start3A_517 : memref<1x50xf32, #tpu.memory_space<hbm>>) target(%dma_start3A_515 : memref<1x50xf32, #tpu.memory_space<vmem>>) target_semaphore(%arg15 : memref<!tpu.dma_semaphore, #tpu.memory_space<semaphore_mem>>)
      %slice3A_518 = vector.extract_strided_slice %gather3A_482 {offsets = [1], sizes = [1], strides = [1]} : vector<16xi32> to vector<1xi32>
      %squeeze3A_519 = vector.extract %slice3A_518[0] : i32 from vector<1xi32>
      %dma_start3A_520 = arith.constant 0 : i32
      %dma_start3A_521 = tpu.memref_slice %arg10[%add3A_507, %dma_start3A_520] : memref<512x50xf32, #tpu.memory_space<vmem>> -> memref<1x50xf32, #tpu.memory_space<vmem>>
      %dma_start3A_522 = arith.constant 0 : i32
      %dma_start3A_523 = tpu.memref_slice %arg4[%squeeze3A_519, %dma_start3A_522] : memref<100000x50xf32, #tpu.memory_space<hbm>> -> memref<1x50xf32, #tpu.memory_space<hbm>>
      %dma_start3A_524 = arith.constant 0 : i32
      %dma_start3A_525 = tpu.memref_slice %arg10[%add3A_507, %dma_start3A_524] : memref<512x50xf32, #tpu.memory_space<vmem>> -> memref<1x50xf32, #tpu.memory_space<vmem>>
      %dma_start3A_526 = arith.constant 0 : i32
      %dma_start3A_527 = tpu.memref_slice %arg4[%squeeze3A_519, %dma_start3A_526] : memref<100000x50xf32, #tpu.memory_space<hbm>> -> memref<1x50xf32, #tpu.memory_space<hbm>>
      tpu.enqueue_dma source(%dma_start3A_527 : memref<1x50xf32, #tpu.memory_space<hbm>>) target(%dma_start3A_525 : memref<1x50xf32, #tpu.memory_space<vmem>>) target_semaphore(%arg19 : memref<!tpu.dma_semaphore, #tpu.memory_space<semaphore_mem>>)
      %mul3A_528 = arith.constant 16 : i32
      %mul3A_529 = arith.muli %scan3A_476, %mul3A_528 : i32
      %add3A_530 = arith.constant 2 : i32
      %add3A_531 = arith.addi %mul3A_529, %add3A_530 : i32
      %slice3A_532 = vector.extract_strided_slice %gather3A_481 {offsets = [2], sizes = [1], strides = [1]} : vector<16xi32> to vector<1xi32>
      %squeeze3A_533 = vector.extract %slice3A_532[0] : i32 from vector<1xi32>
      %dma_start3A_534 = arith.constant 0 : i32
      %dma_start3A_535 = tpu.memref_slice %arg9[%add3A_531, %dma_start3A_534] : memref<512x50xf32, #tpu.memory_space<vmem>> -> memref<1x50xf32, #tpu.memory_space<vmem>>
      %dma_start3A_536 = arith.constant 0 : i32
      %dma_start3A_537 = tpu.memref_slice %arg3[%squeeze3A_533, %dma_start3A_536] : memref<1000000x50xf32, #tpu.memory_space<hbm>> -> memref<1x50xf32, #tpu.memory_space<hbm>>
      %dma_start3A_538 = arith.constant 0 : i32
      %dma_start3A_539 = tpu.memref_slice %arg9[%add3A_531, %dma_start3A_538] : memref<512x50xf32, #tpu.memory_space<vmem>> -> memref<1x50xf32, #tpu.memory_space<vmem>>
      %dma_start3A_540 = arith.constant 0 : i32
      %dma_start3A_541 = tpu.memref_slice %arg3[%squeeze3A_533, %dma_start3A_540] : memref<1000000x50xf32, #tpu.memory_space<hbm>> -> memref<1x50xf32, #tpu.memory_space<hbm>>
      tpu.enqueue_dma source(%dma_start3A_541 : memref<1x50xf32, #tpu.memory_space<hbm>>) target(%dma_start3A_539 : memref<1x50xf32, #tpu.memory_space<vmem>>) target_semaphore(%arg16 : memref<!tpu.dma_semaphore, #tpu.memory_space<semaphore_mem>>)
      %slice3A_542 = vector.extract_strided_slice %gather3A_482 {offsets = [2], sizes = [1], strides = [1]} : vector<16xi32> to vector<1xi32>
      %squeeze3A_543 = vector.extract %slice3A_542[0] : i32 from vector<1xi32>
      %dma_start3A_544 = arith.constant 0 : i32
      %dma_start3A_545 = tpu.memref_slice %arg10[%add3A_531, %dma_start3A_544] : memref<512x50xf32, #tpu.memory_space<vmem>> -> memref<1x50xf32, #tpu.memory_space<vmem>>
      %dma_start3A_546 = arith.constant 0 : i32
      %dma_start3A_547 = tpu.memref_slice %arg4[%squeeze3A_543, %dma_start3A_546] : memref<100000x50xf32, #tpu.memory_space<hbm>> -> memref<1x50xf32, #tpu.memory_space<hbm>>
      %dma_start3A_548 = arith.constant 0 : i32
      %dma_start3A_549 = tpu.memref_slice %arg10[%add3A_531, %dma_start3A_548] : memref<512x50xf32, #tpu.memory_space<vmem>> -> memref<1x50xf32, #tpu.memory_space<vmem>>
      %dma_start3A_550 = arith.constant 0 : i32
      %dma_start3A_551 = tpu.memref_slice %arg4[%squeeze3A_543, %dma_start3A_550] : memref<100000x50xf32, #tpu.memory_space<hbm>> -> memref<1x50xf32, #tpu.memory_space<hbm>>
      tpu.enqueue_dma source(%dma_start3A_551 : memref<1x50xf32, #tpu.memory_space<hbm>>) target(%dma_start3A_549 : memref<1x50xf32, #tpu.memory_space<vmem>>) target_semaphore(%arg20 : memref<!tpu.dma_semaphore, #tpu.memory_space<semaphore_mem>>)
      %mul3A_552 = arith.constant 16 : i32
      %mul3A_553 = arith.muli %scan3A_476, %mul3A_552 : i32
      %add3A_554 = arith.constant 3 : i32
      %add3A_555 = arith.addi %mul3A_553, %add3A_554 : i32
      %slice3A_556 = vector.extract_strided_slice %gather3A_481 {offsets = [3], sizes = [1], strides = [1]} : vector<16xi32> to vector<1xi32>
      %squeeze3A_557 = vector.extract %slice3A_556[0] : i32 from vector<1xi32>
      %dma_start3A_558 = arith.constant 0 : i32
      %dma_start3A_559 = tpu.memref_slice %arg9[%add3A_555, %dma_start3A_558] : memref<512x50xf32, #tpu.memory_space<vmem>> -> memref<1x50xf32, #tpu.memory_space<vmem>>
      %dma_start3A_560 = arith.constant 0 : i32
      %dma_start3A_561 = tpu.memref_slice %arg3[%squeeze3A_557, %dma_start3A_560] : memref<1000000x50xf32, #tpu.memory_space<hbm>> -> memref<1x50xf32, #tpu.memory_space<hbm>>
      %dma_start3A_562 = arith.constant 0 : i32
      %dma_start3A_563 = tpu.memref_slice %arg9[%add3A_555, %dma_start3A_562] : memref<512x50xf32, #tpu.memory_space<vmem>> -> memref<1x50xf32, #tpu.memory_space<vmem>>
      %dma_start3A_564 = arith.constant 0 : i32
      %dma_start3A_565 = tpu.memref_slice %arg3[%squeeze3A_557, %dma_start3A_564] : memref<1000000x50xf32, #tpu.memory_space<hbm>> -> memref<1x50xf32, #tpu.memory_space<hbm>>
      tpu.enqueue_dma source(%dma_start3A_565 : memref<1x50xf32, #tpu.memory_space<hbm>>) target(%dma_start3A_563 : memref<1x50xf32, #tpu.memory_space<vmem>>) target_semaphore(%arg17 : memref<!tpu.dma_semaphore, #tpu.memory_space<semaphore_mem>>)
      %slice3A_566 = vector.extract_strided_slice %gather3A_482 {offsets = [3], sizes = [1], strides = [1]} : vector<16xi32> to vector<1xi32>
      %squeeze3A_567 = vector.extract %slice3A_566[0] : i32 from vector<1xi32>
      %dma_start3A_568 = arith.constant 0 : i32
      %dma_start3A_569 = tpu.memref_slice %arg10[%add3A_555, %dma_start3A_568] : memref<512x50xf32, #tpu.memory_space<vmem>> -> memref<1x50xf32, #tpu.memory_space<vmem>>
      %dma_start3A_570 = arith.constant 0 : i32
      %dma_start3A_571 = tpu.memref_slice %arg4[%squeeze3A_567, %dma_start3A_570] : memref<100000x50xf32, #tpu.memory_space<hbm>> -> memref<1x50xf32, #tpu.memory_space<hbm>>
      %dma_start3A_572 = arith.constant 0 : i32
      %dma_start3A_573 = tpu.memref_slice %arg10[%add3A_555, %dma_start3A_572] : memref<512x50xf32, #tpu.memory_space<vmem>> -> memref<1x50xf32, #tpu.memory_space<vmem>>
      %dma_start3A_574 = arith.constant 0 : i32
      %dma_start3A_575 = tpu.memref_slice %arg4[%squeeze3A_567, %dma_start3A_574] : memref<100000x50xf32, #tpu.memory_space<hbm>> -> memref<1x50xf32, #tpu.memory_space<hbm>>
      tpu.enqueue_dma source(%dma_start3A_575 : memref<1x50xf32, #tpu.memory_space<hbm>>) target(%dma_start3A_573 : memref<1x50xf32, #tpu.memory_space<vmem>>) target_semaphore(%arg21 : memref<!tpu.dma_semaphore, #tpu.memory_space<semaphore_mem>>)
      %mul3A_576 = arith.constant 16 : i32
      %mul3A_577 = arith.muli %scan3A_476, %mul3A_576 : i32
      %add3A_578 = arith.constant 4 : i32
      %add3A_579 = arith.addi %mul3A_577, %add3A_578 : i32
      %slice3A_580 = vector.extract_strided_slice %gather3A_481 {offsets = [4], sizes = [1], strides = [1]} : vector<16xi32> to vector<1xi32>
      %squeeze3A_581 = vector.extract %slice3A_580[0] : i32 from vector<1xi32>
      %dma_start3A_582 = arith.constant 0 : i32
      %dma_start3A_583 = tpu.memref_slice %arg9[%add3A_579, %dma_start3A_582] : memref<512x50xf32, #tpu.memory_space<vmem>> -> memref<1x50xf32, #tpu.memory_space<vmem>>
      %dma_start3A_584 = arith.constant 0 : i32
      %dma_start3A_585 = tpu.memref_slice %arg3[%squeeze3A_581, %dma_start3A_584] : memref<1000000x50xf32, #tpu.memory_space<hbm>> -> memref<1x50xf32, #tpu.memory_space<hbm>>
      %dma_start3A_586 = arith.constant 0 : i32
      %dma_start3A_587 = tpu.memref_slice %arg9[%add3A_579, %dma_start3A_586] : memref<512x50xf32, #tpu.memory_space<vmem>> -> memref<1x50xf32, #tpu.memory_space<vmem>>
      %dma_start3A_588 = arith.constant 0 : i32
      %dma_start3A_589 = tpu.memref_slice %arg3[%squeeze3A_581, %dma_start3A_588] : memref<1000000x50xf32, #tpu.memory_space<hbm>> -> memref<1x50xf32, #tpu.memory_space<hbm>>
      tpu.enqueue_dma source(%dma_start3A_589 : memref<1x50xf32, #tpu.memory_space<hbm>>) target(%dma_start3A_587 : memref<1x50xf32, #tpu.memory_space<vmem>>) target_semaphore(%arg14 : memref<!tpu.dma_semaphore, #tpu.memory_space<semaphore_mem>>)
      %slice3A_590 = vector.extract_strided_slice %gather3A_482 {offsets = [4], sizes = [1], strides = [1]} : vector<16xi32> to vector<1xi32>
      %squeeze3A_591 = vector.extract %slice3A_590[0] : i32 from vector<1xi32>
      %dma_start3A_592 = arith.constant 0 : i32
      %dma_start3A_593 = tpu.memref_slice %arg10[%add3A_579, %dma_start3A_592] : memref<512x50xf32, #tpu.memory_space<vmem>> -> memref<1x50xf32, #tpu.memory_space<vmem>>
      %dma_start3A_594 = arith.constant 0 : i32
      %dma_start3A_595 = tpu.memref_slice %arg4[%squeeze3A_591, %dma_start3A_594] : memref<100000x50xf32, #tpu.memory_space<hbm>> -> memref<1x50xf32, #tpu.memory_space<hbm>>
      %dma_start3A_596 = arith.constant 0 : i32
      %dma_start3A_597 = tpu.memref_slice %arg10[%add3A_579, %dma_start3A_596] : memref<512x50xf32, #tpu.memory_space<vmem>> -> memref<1x50xf32, #tpu.memory_space<vmem>>
      %dma_start3A_598 = arith.constant 0 : i32
      %dma_start3A_599 = tpu.memref_slice %arg4[%squeeze3A_591, %dma_start3A_598] : memref<100000x50xf32, #tpu.memory_space<hbm>> -> memref<1x50xf32, #tpu.memory_space<hbm>>
      tpu.enqueue_dma source(%dma_start3A_599 : memref<1x50xf32, #tpu.memory_space<hbm>>) target(%dma_start3A_597 : memref<1x50xf32, #tpu.memory_space<vmem>>) target_semaphore(%arg18 : memref<!tpu.dma_semaphore, #tpu.memory_space<semaphore_mem>>)
      %mul3A_600 = arith.constant 16 : i32
      %mul3A_601 = arith.muli %scan3A_476, %mul3A_600 : i32
      %add3A_602 = arith.constant 5 : i32
      %add3A_603 = arith.addi %mul3A_601, %add3A_602 : i32
      %slice3A_604 = vector.extract_strided_slice %gather3A_481 {offsets = [5], sizes = [1], strides = [1]} : vector<16xi32> to vector<1xi32>
      %squeeze3A_605 = vector.extract %slice3A_604[0] : i32 from vector<1xi32>
      %dma_start3A_606 = arith.constant 0 : i32
      %dma_start3A_607 = tpu.memref_slice %arg9[%add3A_603, %dma_start3A_606] : memref<512x50xf32, #tpu.memory_space<vmem>> -> memref<1x50xf32, #tpu.memory_space<vmem>>
      %dma_start3A_608 = arith.constant 0 : i32
      %dma_start3A_609 = tpu.memref_slice %arg3[%squeeze3A_605, %dma_start3A_608] : memref<1000000x50xf32, #tpu.memory_space<hbm>> -> memref<1x50xf32, #tpu.memory_space<hbm>>
      %dma_start3A_610 = arith.constant 0 : i32
      %dma_start3A_611 = tpu.memref_slice %arg9[%add3A_603, %dma_start3A_610] : memref<512x50xf32, #tpu.memory_space<vmem>> -> memref<1x50xf32, #tpu.memory_space<vmem>>
      %dma_start3A_612 = arith.constant 0 : i32
      %dma_start3A_613 = tpu.memref_slice %arg3[%squeeze3A_605, %dma_start3A_612] : memref<1000000x50xf32, #tpu.memory_space<hbm>> -> memref<1x50xf32, #tpu.memory_space<hbm>>
      tpu.enqueue_dma source(%dma_start3A_613 : memref<1x50xf32, #tpu.memory_space<hbm>>) target(%dma_start3A_611 : memref<1x50xf32, #tpu.memory_space<vmem>>) target_semaphore(%arg15 : memref<!tpu.dma_semaphore, #tpu.memory_space<semaphore_mem>>)
      %slice3A_614 = vector.extract_strided_slice %gather3A_482 {offsets = [5], sizes = [1], strides = [1]} : vector<16xi32> to vector<1xi32>
      %squeeze3A_615 = vector.extract %slice3A_614[0] : i32 from vector<1xi32>
      %dma_start3A_616 = arith.constant 0 : i32
      %dma_start3A_617 = tpu.memref_slice %arg10[%add3A_603, %dma_start3A_616] : memref<512x50xf32, #tpu.memory_space<vmem>> -> memref<1x50xf32, #tpu.memory_space<vmem>>
      %dma_start3A_618 = arith.constant 0 : i32
      %dma_start3A_619 = tpu.memref_slice %arg4[%squeeze3A_615, %dma_start3A_618] : memref<100000x50xf32, #tpu.memory_space<hbm>> -> memref<1x50xf32, #tpu.memory_space<hbm>>
      %dma_start3A_620 = arith.constant 0 : i32
      %dma_start3A_621 = tpu.memref_slice %arg10[%add3A_603, %dma_start3A_620] : memref<512x50xf32, #tpu.memory_space<vmem>> -> memref<1x50xf32, #tpu.memory_space<vmem>>
      %dma_start3A_622 = arith.constant 0 : i32
      %dma_start3A_623 = tpu.memref_slice %arg4[%squeeze3A_615, %dma_start3A_622] : memref<100000x50xf32, #tpu.memory_space<hbm>> -> memref<1x50xf32, #tpu.memory_space<hbm>>
      tpu.enqueue_dma source(%dma_start3A_623 : memref<1x50xf32, #tpu.memory_space<hbm>>) target(%dma_start3A_621 : memref<1x50xf32, #tpu.memory_space<vmem>>) target_semaphore(%arg19 : memref<!tpu.dma_semaphore, #tpu.memory_space<semaphore_mem>>)
      %mul3A_624 = arith.constant 16 : i32
      %mul3A_625 = arith.muli %scan3A_476, %mul3A_624 : i32
      %add3A_626 = arith.constant 6 : i32
      %add3A_627 = arith.addi %mul3A_625, %add3A_626 : i32
      %slice3A_628 = vector.extract_strided_slice %gather3A_481 {offsets = [6], sizes = [1], strides = [1]} : vector<16xi32> to vector<1xi32>
      %squeeze3A_629 = vector.extract %slice3A_628[0] : i32 from vector<1xi32>
      %dma_start3A_630 = arith.constant 0 : i32
      %dma_start3A_631 = tpu.memref_slice %arg9[%add3A_627, %dma_start3A_630] : memref<512x50xf32, #tpu.memory_space<vmem>> -> memref<1x50xf32, #tpu.memory_space<vmem>>
      %dma_start3A_632 = arith.constant 0 : i32
      %dma_start3A_633 = tpu.memref_slice %arg3[%squeeze3A_629, %dma_start3A_632] : memref<1000000x50xf32, #tpu.memory_space<hbm>> -> memref<1x50xf32, #tpu.memory_space<hbm>>
      %dma_start3A_634 = arith.constant 0 : i32
      %dma_start3A_635 = tpu.memref_slice %arg9[%add3A_627, %dma_start3A_634] : memref<512x50xf32, #tpu.memory_space<vmem>> -> memref<1x50xf32, #tpu.memory_space<vmem>>
      %dma_start3A_636 = arith.constant 0 : i32
      %dma_start3A_637 = tpu.memref_slice %arg3[%squeeze3A_629, %dma_start3A_636] : memref<1000000x50xf32, #tpu.memory_space<hbm>> -> memref<1x50xf32, #tpu.memory_space<hbm>>
      tpu.enqueue_dma source(%dma_start3A_637 : memref<1x50xf32, #tpu.memory_space<hbm>>) target(%dma_start3A_635 : memref<1x50xf32, #tpu.memory_space<vmem>>) target_semaphore(%arg16 : memref<!tpu.dma_semaphore, #tpu.memory_space<semaphore_mem>>)
      %slice3A_638 = vector.extract_strided_slice %gather3A_482 {offsets = [6], sizes = [1], strides = [1]} : vector<16xi32> to vector<1xi32>
      %squeeze3A_639 = vector.extract %slice3A_638[0] : i32 from vector<1xi32>
      %dma_start3A_640 = arith.constant 0 : i32
      %dma_start3A_641 = tpu.memref_slice %arg10[%add3A_627, %dma_start3A_640] : memref<512x50xf32, #tpu.memory_space<vmem>> -> memref<1x50xf32, #tpu.memory_space<vmem>>
      %dma_start3A_642 = arith.constant 0 : i32
      %dma_start3A_643 = tpu.memref_slice %arg4[%squeeze3A_639, %dma_start3A_642] : memref<100000x50xf32, #tpu.memory_space<hbm>> -> memref<1x50xf32, #tpu.memory_space<hbm>>
      %dma_start3A_644 = arith.constant 0 : i32
      %dma_start3A_645 = tpu.memref_slice %arg10[%add3A_627, %dma_start3A_644] : memref<512x50xf32, #tpu.memory_space<vmem>> -> memref<1x50xf32, #tpu.memory_space<vmem>>
      %dma_start3A_646 = arith.constant 0 : i32
      %dma_start3A_647 = tpu.memref_slice %arg4[%squeeze3A_639, %dma_start3A_646] : memref<100000x50xf32, #tpu.memory_space<hbm>> -> memref<1x50xf32, #tpu.memory_space<hbm>>
      tpu.enqueue_dma source(%dma_start3A_647 : memref<1x50xf32, #tpu.memory_space<hbm>>) target(%dma_start3A_645 : memref<1x50xf32, #tpu.memory_space<vmem>>) target_semaphore(%arg20 : memref<!tpu.dma_semaphore, #tpu.memory_space<semaphore_mem>>)
      %mul3A_648 = arith.constant 16 : i32
      %mul3A_649 = arith.muli %scan3A_476, %mul3A_648 : i32
      %add3A_650 = arith.constant 7 : i32
      %add3A_651 = arith.addi %mul3A_649, %add3A_650 : i32
      %slice3A_652 = vector.extract_strided_slice %gather3A_481 {offsets = [7], sizes = [1], strides = [1]} : vector<16xi32> to vector<1xi32>
      %squeeze3A_653 = vector.extract %slice3A_652[0] : i32 from vector<1xi32>
      %dma_start3A_654 = arith.constant 0 : i32
      %dma_start3A_655 = tpu.memref_slice %arg9[%add3A_651, %dma_start3A_654] : memref<512x50xf32, #tpu.memory_space<vmem>> -> memref<1x50xf32, #tpu.memory_space<vmem>>
      %dma_start3A_656 = arith.constant 0 : i32
      %dma_start3A_657 = tpu.memref_slice %arg3[%squeeze3A_653, %dma_start3A_656] : memref<1000000x50xf32, #tpu.memory_space<hbm>> -> memref<1x50xf32, #tpu.memory_space<hbm>>
      %dma_start3A_658 = arith.constant 0 : i32
      %dma_start3A_659 = tpu.memref_slice %arg9[%add3A_651, %dma_start3A_658] : memref<512x50xf32, #tpu.memory_space<vmem>> -> memref<1x50xf32, #tpu.memory_space<vmem>>
      %dma_start3A_660 = arith.constant 0 : i32
      %dma_start3A_661 = tpu.memref_slice %arg3[%squeeze3A_653, %dma_start3A_660] : memref<1000000x50xf32, #tpu.memory_space<hbm>> -> memref<1x50xf32, #tpu.memory_space<hbm>>
      tpu.enqueue_dma source(%dma_start3A_661 : memref<1x50xf32, #tpu.memory_space<hbm>>) target(%dma_start3A_659 : memref<1x50xf32, #tpu.memory_space<vmem>>) target_semaphore(%arg17 : memref<!tpu.dma_semaphore, #tpu.memory_space<semaphore_mem>>)
      %slice3A_662 = vector.extract_strided_slice %gather3A_482 {offsets = [7], sizes = [1], strides = [1]} : vector<16xi32> to vector<1xi32>
      %squeeze3A_663 = vector.extract %slice3A_662[0] : i32 from vector<1xi32>
      %dma_start3A_664 = arith.constant 0 : i32
      %dma_start3A_665 = tpu.memref_slice %arg10[%add3A_651, %dma_start3A_664] : memref<512x50xf32, #tpu.memory_space<vmem>> -> memref<1x50xf32, #tpu.memory_space<vmem>>
      %dma_start3A_666 = arith.constant 0 : i32
      %dma_start3A_667 = tpu.memref_slice %arg4[%squeeze3A_663, %dma_start3A_666] : memref<100000x50xf32, #tpu.memory_space<hbm>> -> memref<1x50xf32, #tpu.memory_space<hbm>>
      %dma_start3A_668 = arith.constant 0 : i32
      %dma_start3A_669 = tpu.memref_slice %arg10[%add3A_651, %dma_start3A_668] : memref<512x50xf32, #tpu.memory_space<vmem>> -> memref<1x50xf32, #tpu.memory_space<vmem>>
      %dma_start3A_670 = arith.constant 0 : i32
      %dma_start3A_671 = tpu.memref_slice %arg4[%squeeze3A_663, %dma_start3A_670] : memref<100000x50xf32, #tpu.memory_space<hbm>> -> memref<1x50xf32, #tpu.memory_space<hbm>>
      tpu.enqueue_dma source(%dma_start3A_671 : memref<1x50xf32, #tpu.memory_space<hbm>>) target(%dma_start3A_669 : memref<1x50xf32, #tpu.memory_space<vmem>>) target_semaphore(%arg21 : memref<!tpu.dma_semaphore, #tpu.memory_space<semaphore_mem>>)
      %mul3A_672 = arith.constant 16 : i32
      %mul3A_673 = arith.muli %scan3A_476, %mul3A_672 : i32
      %add3A_674 = arith.constant 8 : i32
      %add3A_675 = arith.addi %mul3A_673, %add3A_674 : i32
      %slice3A_676 = vector.extract_strided_slice %gather3A_481 {offsets = [8], sizes = [1], strides = [1]} : vector<16xi32> to vector<1xi32>
      %squeeze3A_677 = vector.extract %slice3A_676[0] : i32 from vector<1xi32>
      %dma_start3A_678 = arith.constant 0 : i32
      %dma_start3A_679 = tpu.memref_slice %arg9[%add3A_675, %dma_start3A_678] : memref<512x50xf32, #tpu.memory_space<vmem>> -> memref<1x50xf32, #tpu.memory_space<vmem>>
      %dma_start3A_680 = arith.constant 0 : i32
      %dma_start3A_681 = tpu.memref_slice %arg3[%squeeze3A_677, %dma_start3A_680] : memref<1000000x50xf32, #tpu.memory_space<hbm>> -> memref<1x50xf32, #tpu.memory_space<hbm>>
      %dma_start3A_682 = arith.constant 0 : i32
      %dma_start3A_683 = tpu.memref_slice %arg9[%add3A_675, %dma_start3A_682] : memref<512x50xf32, #tpu.memory_space<vmem>> -> memref<1x50xf32, #tpu.memory_space<vmem>>
      %dma_start3A_684 = arith.constant 0 : i32
      %dma_start3A_685 = tpu.memref_slice %arg3[%squeeze3A_677, %dma_start3A_684] : memref<1000000x50xf32, #tpu.memory_space<hbm>> -> memref<1x50xf32, #tpu.memory_space<hbm>>
      tpu.enqueue_dma source(%dma_start3A_685 : memref<1x50xf32, #tpu.memory_space<hbm>>) target(%dma_start3A_683 : memref<1x50xf32, #tpu.memory_space<vmem>>) target_semaphore(%arg14 : memref<!tpu.dma_semaphore, #tpu.memory_space<semaphore_mem>>)
      %slice3A_686 = vector.extract_strided_slice %gather3A_482 {offsets = [8], sizes = [1], strides = [1]} : vector<16xi32> to vector<1xi32>
      %squeeze3A_687 = vector.extract %slice3A_686[0] : i32 from vector<1xi32>
      %dma_start3A_688 = arith.constant 0 : i32
      %dma_start3A_689 = tpu.memref_slice %arg10[%add3A_675, %dma_start3A_688] : memref<512x50xf32, #tpu.memory_space<vmem>> -> memref<1x50xf32, #tpu.memory_space<vmem>>
      %dma_start3A_690 = arith.constant 0 : i32
      %dma_start3A_691 = tpu.memref_slice %arg4[%squeeze3A_687, %dma_start3A_690] : memref<100000x50xf32, #tpu.memory_space<hbm>> -> memref<1x50xf32, #tpu.memory_space<hbm>>
      %dma_start3A_692 = arith.constant 0 : i32
      %dma_start3A_693 = tpu.memref_slice %arg10[%add3A_675, %dma_start3A_692] : memref<512x50xf32, #tpu.memory_space<vmem>> -> memref<1x50xf32, #tpu.memory_space<vmem>>
      %dma_start3A_694 = arith.constant 0 : i32
      %dma_start3A_695 = tpu.memref_slice %arg4[%squeeze3A_687, %dma_start3A_694] : memref<100000x50xf32, #tpu.memory_space<hbm>> -> memref<1x50xf32, #tpu.memory_space<hbm>>
      tpu.enqueue_dma source(%dma_start3A_695 : memref<1x50xf32, #tpu.memory_space<hbm>>) target(%dma_start3A_693 : memref<1x50xf32, #tpu.memory_space<vmem>>) target_semaphore(%arg18 : memref<!tpu.dma_semaphore, #tpu.memory_space<semaphore_mem>>)
      %mul3A_696 = arith.constant 16 : i32
      %mul3A_697 = arith.muli %scan3A_476, %mul3A_696 : i32
      %add3A_698 = arith.constant 9 : i32
      %add3A_699 = arith.addi %mul3A_697, %add3A_698 : i32
      %slice3A_700 = vector.extract_strided_slice %gather3A_481 {offsets = [9], sizes = [1], strides = [1]} : vector<16xi32> to vector<1xi32>
      %squeeze3A_701 = vector.extract %slice3A_700[0] : i32 from vector<1xi32>
      %dma_start3A_702 = arith.constant 0 : i32
      %dma_start3A_703 = tpu.memref_slice %arg9[%add3A_699, %dma_start3A_702] : memref<512x50xf32, #tpu.memory_space<vmem>> -> memref<1x50xf32, #tpu.memory_space<vmem>>
      %dma_start3A_704 = arith.constant 0 : i32
      %dma_start3A_705 = tpu.memref_slice %arg3[%squeeze3A_701, %dma_start3A_704] : memref<1000000x50xf32, #tpu.memory_space<hbm>> -> memref<1x50xf32, #tpu.memory_space<hbm>>
      %dma_start3A_706 = arith.constant 0 : i32
      %dma_start3A_707 = tpu.memref_slice %arg9[%add3A_699, %dma_start3A_706] : memref<512x50xf32, #tpu.memory_space<vmem>> -> memref<1x50xf32, #tpu.memory_space<vmem>>
      %dma_start3A_708 = arith.constant 0 : i32
      %dma_start3A_709 = tpu.memref_slice %arg3[%squeeze3A_701, %dma_start3A_708] : memref<1000000x50xf32, #tpu.memory_space<hbm>> -> memref<1x50xf32, #tpu.memory_space<hbm>>
      tpu.enqueue_dma source(%dma_start3A_709 : memref<1x50xf32, #tpu.memory_space<hbm>>) target(%dma_start3A_707 : memref<1x50xf32, #tpu.memory_space<vmem>>) target_semaphore(%arg15 : memref<!tpu.dma_semaphore, #tpu.memory_space<semaphore_mem>>)
      %slice3A_710 = vector.extract_strided_slice %gather3A_482 {offsets = [9], sizes = [1], strides = [1]} : vector<16xi32> to vector<1xi32>
      %squeeze3A_711 = vector.extract %slice3A_710[0] : i32 from vector<1xi32>
      %dma_start3A_712 = arith.constant 0 : i32
      %dma_start3A_713 = tpu.memref_slice %arg10[%add3A_699, %dma_start3A_712] : memref<512x50xf32, #tpu.memory_space<vmem>> -> memref<1x50xf32, #tpu.memory_space<vmem>>
      %dma_start3A_714 = arith.constant 0 : i32
      %dma_start3A_715 = tpu.memref_slice %arg4[%squeeze3A_711, %dma_start3A_714] : memref<100000x50xf32, #tpu.memory_space<hbm>> -> memref<1x50xf32, #tpu.memory_space<hbm>>
      %dma_start3A_716 = arith.constant 0 : i32
      %dma_start3A_717 = tpu.memref_slice %arg10[%add3A_699, %dma_start3A_716] : memref<512x50xf32, #tpu.memory_space<vmem>> -> memref<1x50xf32, #tpu.memory_space<vmem>>
      %dma_start3A_718 = arith.constant 0 : i32
      %dma_start3A_719 = tpu.memref_slice %arg4[%squeeze3A_711, %dma_start3A_718] : memref<100000x50xf32, #tpu.memory_space<hbm>> -> memref<1x50xf32, #tpu.memory_space<hbm>>
      tpu.enqueue_dma source(%dma_start3A_719 : memref<1x50xf32, #tpu.memory_space<hbm>>) target(%dma_start3A_717 : memref<1x50xf32, #tpu.memory_space<vmem>>) target_semaphore(%arg19 : memref<!tpu.dma_semaphore, #tpu.memory_space<semaphore_mem>>)
      %mul3A_720 = arith.constant 16 : i32
      %mul3A_721 = arith.muli %scan3A_476, %mul3A_720 : i32
      %add3A_722 = arith.constant 10 : i32
      %add3A_723 = arith.addi %mul3A_721, %add3A_722 : i32
      %slice3A_724 = vector.extract_strided_slice %gather3A_481 {offsets = [10], sizes = [1], strides = [1]} : vector<16xi32> to vector<1xi32>
      %squeeze3A_725 = vector.extract %slice3A_724[0] : i32 from vector<1xi32>
      %dma_start3A_726 = arith.constant 0 : i32
      %dma_start3A_727 = tpu.memref_slice %arg9[%add3A_723, %dma_start3A_726] : memref<512x50xf32, #tpu.memory_space<vmem>> -> memref<1x50xf32, #tpu.memory_space<vmem>>
      %dma_start3A_728 = arith.constant 0 : i32
      %dma_start3A_729 = tpu.memref_slice %arg3[%squeeze3A_725, %dma_start3A_728] : memref<1000000x50xf32, #tpu.memory_space<hbm>> -> memref<1x50xf32, #tpu.memory_space<hbm>>
      %dma_start3A_730 = arith.constant 0 : i32
      %dma_start3A_731 = tpu.memref_slice %arg9[%add3A_723, %dma_start3A_730] : memref<512x50xf32, #tpu.memory_space<vmem>> -> memref<1x50xf32, #tpu.memory_space<vmem>>
      %dma_start3A_732 = arith.constant 0 : i32
      %dma_start3A_733 = tpu.memref_slice %arg3[%squeeze3A_725, %dma_start3A_732] : memref<1000000x50xf32, #tpu.memory_space<hbm>> -> memref<1x50xf32, #tpu.memory_space<hbm>>
      tpu.enqueue_dma source(%dma_start3A_733 : memref<1x50xf32, #tpu.memory_space<hbm>>) target(%dma_start3A_731 : memref<1x50xf32, #tpu.memory_space<vmem>>) target_semaphore(%arg16 : memref<!tpu.dma_semaphore, #tpu.memory_space<semaphore_mem>>)
      %slice3A_734 = vector.extract_strided_slice %gather3A_482 {offsets = [10], sizes = [1], strides = [1]} : vector<16xi32> to vector<1xi32>
      %squeeze3A_735 = vector.extract %slice3A_734[0] : i32 from vector<1xi32>
      %dma_start3A_736 = arith.constant 0 : i32
      %dma_start3A_737 = tpu.memref_slice %arg10[%add3A_723, %dma_start3A_736] : memref<512x50xf32, #tpu.memory_space<vmem>> -> memref<1x50xf32, #tpu.memory_space<vmem>>
      %dma_start3A_738 = arith.constant 0 : i32
      %dma_start3A_739 = tpu.memref_slice %arg4[%squeeze3A_735, %dma_start3A_738] : memref<100000x50xf32, #tpu.memory_space<hbm>> -> memref<1x50xf32, #tpu.memory_space<hbm>>
      %dma_start3A_740 = arith.constant 0 : i32
      %dma_start3A_741 = tpu.memref_slice %arg10[%add3A_723, %dma_start3A_740] : memref<512x50xf32, #tpu.memory_space<vmem>> -> memref<1x50xf32, #tpu.memory_space<vmem>>
      %dma_start3A_742 = arith.constant 0 : i32
      %dma_start3A_743 = tpu.memref_slice %arg4[%squeeze3A_735, %dma_start3A_742] : memref<100000x50xf32, #tpu.memory_space<hbm>> -> memref<1x50xf32, #tpu.memory_space<hbm>>
      tpu.enqueue_dma source(%dma_start3A_743 : memref<1x50xf32, #tpu.memory_space<hbm>>) target(%dma_start3A_741 : memref<1x50xf32, #tpu.memory_space<vmem>>) target_semaphore(%arg20 : memref<!tpu.dma_semaphore, #tpu.memory_space<semaphore_mem>>)
      %mul3A_744 = arith.constant 16 : i32
      %mul3A_745 = arith.muli %scan3A_476, %mul3A_744 : i32
      %add3A_746 = arith.constant 11 : i32
      %add3A_747 = arith.addi %mul3A_745, %add3A_746 : i32
      %slice3A_748 = vector.extract_strided_slice %gather3A_481 {offsets = [11], sizes = [1], strides = [1]} : vector<16xi32> to vector<1xi32>
      %squeeze3A_749 = vector.extract %slice3A_748[0] : i32 from vector<1xi32>
      %dma_start3A_750 = arith.constant 0 : i32
      %dma_start3A_751 = tpu.memref_slice %arg9[%add3A_747, %dma_start3A_750] : memref<512x50xf32, #tpu.memory_space<vmem>> -> memref<1x50xf32, #tpu.memory_space<vmem>>
      %dma_start3A_752 = arith.constant 0 : i32
      %dma_start3A_753 = tpu.memref_slice %arg3[%squeeze3A_749, %dma_start3A_752] : memref<1000000x50xf32, #tpu.memory_space<hbm>> -> memref<1x50xf32, #tpu.memory_space<hbm>>
      %dma_start3A_754 = arith.constant 0 : i32
      %dma_start3A_755 = tpu.memref_slice %arg9[%add3A_747, %dma_start3A_754] : memref<512x50xf32, #tpu.memory_space<vmem>> -> memref<1x50xf32, #tpu.memory_space<vmem>>
      %dma_start3A_756 = arith.constant 0 : i32
      %dma_start3A_757 = tpu.memref_slice %arg3[%squeeze3A_749, %dma_start3A_756] : memref<1000000x50xf32, #tpu.memory_space<hbm>> -> memref<1x50xf32, #tpu.memory_space<hbm>>
      tpu.enqueue_dma source(%dma_start3A_757 : memref<1x50xf32, #tpu.memory_space<hbm>>) target(%dma_start3A_755 : memref<1x50xf32, #tpu.memory_space<vmem>>) target_semaphore(%arg17 : memref<!tpu.dma_semaphore, #tpu.memory_space<semaphore_mem>>)
      %slice3A_758 = vector.extract_strided_slice %gather3A_482 {offsets = [11], sizes = [1], strides = [1]} : vector<16xi32> to vector<1xi32>
      %squeeze3A_759 = vector.extract %slice3A_758[0] : i32 from vector<1xi32>
      %dma_start3A_760 = arith.constant 0 : i32
      %dma_start3A_761 = tpu.memref_slice %arg10[%add3A_747, %dma_start3A_760] : memref<512x50xf32, #tpu.memory_space<vmem>> -> memref<1x50xf32, #tpu.memory_space<vmem>>
      %dma_start3A_762 = arith.constant 0 : i32
      %dma_start3A_763 = tpu.memref_slice %arg4[%squeeze3A_759, %dma_start3A_762] : memref<100000x50xf32, #tpu.memory_space<hbm>> -> memref<1x50xf32, #tpu.memory_space<hbm>>
      %dma_start3A_764 = arith.constant 0 : i32
      %dma_start3A_765 = tpu.memref_slice %arg10[%add3A_747, %dma_start3A_764] : memref<512x50xf32, #tpu.memory_space<vmem>> -> memref<1x50xf32, #tpu.memory_space<vmem>>
      %dma_start3A_766 = arith.constant 0 : i32
      %dma_start3A_767 = tpu.memref_slice %arg4[%squeeze3A_759, %dma_start3A_766] : memref<100000x50xf32, #tpu.memory_space<hbm>> -> memref<1x50xf32, #tpu.memory_space<hbm>>
      tpu.enqueue_dma source(%dma_start3A_767 : memref<1x50xf32, #tpu.memory_space<hbm>>) target(%dma_start3A_765 : memref<1x50xf32, #tpu.memory_space<vmem>>) target_semaphore(%arg21 : memref<!tpu.dma_semaphore, #tpu.memory_space<semaphore_mem>>)
      %mul3A_768 = arith.constant 16 : i32
      %mul3A_769 = arith.muli %scan3A_476, %mul3A_768 : i32
      %add3A_770 = arith.constant 12 : i32
      %add3A_771 = arith.addi %mul3A_769, %add3A_770 : i32
      %slice3A_772 = vector.extract_strided_slice %gather3A_481 {offsets = [12], sizes = [1], strides = [1]} : vector<16xi32> to vector<1xi32>
      %squeeze3A_773 = vector.extract %slice3A_772[0] : i32 from vector<1xi32>
      %dma_start3A_774 = arith.constant 0 : i32
      %dma_start3A_775 = tpu.memref_slice %arg9[%add3A_771, %dma_start3A_774] : memref<512x50xf32, #tpu.memory_space<vmem>> -> memref<1x50xf32, #tpu.memory_space<vmem>>
      %dma_start3A_776 = arith.constant 0 : i32
      %dma_start3A_777 = tpu.memref_slice %arg3[%squeeze3A_773, %dma_start3A_776] : memref<1000000x50xf32, #tpu.memory_space<hbm>> -> memref<1x50xf32, #tpu.memory_space<hbm>>
      %dma_start3A_778 = arith.constant 0 : i32
      %dma_start3A_779 = tpu.memref_slice %arg9[%add3A_771, %dma_start3A_778] : memref<512x50xf32, #tpu.memory_space<vmem>> -> memref<1x50xf32, #tpu.memory_space<vmem>>
      %dma_start3A_780 = arith.constant 0 : i32
      %dma_start3A_781 = tpu.memref_slice %arg3[%squeeze3A_773, %dma_start3A_780] : memref<1000000x50xf32, #tpu.memory_space<hbm>> -> memref<1x50xf32, #tpu.memory_space<hbm>>
      tpu.enqueue_dma source(%dma_start3A_781 : memref<1x50xf32, #tpu.memory_space<hbm>>) target(%dma_start3A_779 : memref<1x50xf32, #tpu.memory_space<vmem>>) target_semaphore(%arg14 : memref<!tpu.dma_semaphore, #tpu.memory_space<semaphore_mem>>)
      %slice3A_782 = vector.extract_strided_slice %gather3A_482 {offsets = [12], sizes = [1], strides = [1]} : vector<16xi32> to vector<1xi32>
      %squeeze3A_783 = vector.extract %slice3A_782[0] : i32 from vector<1xi32>
      %dma_start3A_784 = arith.constant 0 : i32
      %dma_start3A_785 = tpu.memref_slice %arg10[%add3A_771, %dma_start3A_784] : memref<512x50xf32, #tpu.memory_space<vmem>> -> memref<1x50xf32, #tpu.memory_space<vmem>>
      %dma_start3A_786 = arith.constant 0 : i32
      %dma_start3A_787 = tpu.memref_slice %arg4[%squeeze3A_783, %dma_start3A_786] : memref<100000x50xf32, #tpu.memory_space<hbm>> -> memref<1x50xf32, #tpu.memory_space<hbm>>
      %dma_start3A_788 = arith.constant 0 : i32
      %dma_start3A_789 = tpu.memref_slice %arg10[%add3A_771, %dma_start3A_788] : memref<512x50xf32, #tpu.memory_space<vmem>> -> memref<1x50xf32, #tpu.memory_space<vmem>>
      %dma_start3A_790 = arith.constant 0 : i32
      %dma_start3A_791 = tpu.memref_slice %arg4[%squeeze3A_783, %dma_start3A_790] : memref<100000x50xf32, #tpu.memory_space<hbm>> -> memref<1x50xf32, #tpu.memory_space<hbm>>
      tpu.enqueue_dma source(%dma_start3A_791 : memref<1x50xf32, #tpu.memory_space<hbm>>) target(%dma_start3A_789 : memref<1x50xf32, #tpu.memory_space<vmem>>) target_semaphore(%arg18 : memref<!tpu.dma_semaphore, #tpu.memory_space<semaphore_mem>>)
      %mul3A_792 = arith.constant 16 : i32
      %mul3A_793 = arith.muli %scan3A_476, %mul3A_792 : i32
      %add3A_794 = arith.constant 13 : i32
      %add3A_795 = arith.addi %mul3A_793, %add3A_794 : i32
      %slice3A_796 = vector.extract_strided_slice %gather3A_481 {offsets = [13], sizes = [1], strides = [1]} : vector<16xi32> to vector<1xi32>
      %squeeze3A_797 = vector.extract %slice3A_796[0] : i32 from vector<1xi32>
      %dma_start3A_798 = arith.constant 0 : i32
      %dma_start3A_799 = tpu.memref_slice %arg9[%add3A_795, %dma_start3A_798] : memref<512x50xf32, #tpu.memory_space<vmem>> -> memref<1x50xf32, #tpu.memory_space<vmem>>
      %dma_start3A_800 = arith.constant 0 : i32
      %dma_start3A_801 = tpu.memref_slice %arg3[%squeeze3A_797, %dma_start3A_800] : memref<1000000x50xf32, #tpu.memory_space<hbm>> -> memref<1x50xf32, #tpu.memory_space<hbm>>
      %dma_start3A_802 = arith.constant 0 : i32
      %dma_start3A_803 = tpu.memref_slice %arg9[%add3A_795, %dma_start3A_802] : memref<512x50xf32, #tpu.memory_space<vmem>> -> memref<1x50xf32, #tpu.memory_space<vmem>>
      %dma_start3A_804 = arith.constant 0 : i32
      %dma_start3A_805 = tpu.memref_slice %arg3[%squeeze3A_797, %dma_start3A_804] : memref<1000000x50xf32, #tpu.memory_space<hbm>> -> memref<1x50xf32, #tpu.memory_space<hbm>>
      tpu.enqueue_dma source(%dma_start3A_805 : memref<1x50xf32, #tpu.memory_space<hbm>>) target(%dma_start3A_803 : memref<1x50xf32, #tpu.memory_space<vmem>>) target_semaphore(%arg15 : memref<!tpu.dma_semaphore, #tpu.memory_space<semaphore_mem>>)
      %slice3A_806 = vector.extract_strided_slice %gather3A_482 {offsets = [13], sizes = [1], strides = [1]} : vector<16xi32> to vector<1xi32>
      %squeeze3A_807 = vector.extract %slice3A_806[0] : i32 from vector<1xi32>
      %dma_start3A_808 = arith.constant 0 : i32
      %dma_start3A_809 = tpu.memref_slice %arg10[%add3A_795, %dma_start3A_808] : memref<512x50xf32, #tpu.memory_space<vmem>> -> memref<1x50xf32, #tpu.memory_space<vmem>>
      %dma_start3A_810 = arith.constant 0 : i32
      %dma_start3A_811 = tpu.memref_slice %arg4[%squeeze3A_807, %dma_start3A_810] : memref<100000x50xf32, #tpu.memory_space<hbm>> -> memref<1x50xf32, #tpu.memory_space<hbm>>
      %dma_start3A_812 = arith.constant 0 : i32
      %dma_start3A_813 = tpu.memref_slice %arg10[%add3A_795, %dma_start3A_812] : memref<512x50xf32, #tpu.memory_space<vmem>> -> memref<1x50xf32, #tpu.memory_space<vmem>>
      %dma_start3A_814 = arith.constant 0 : i32
      %dma_start3A_815 = tpu.memref_slice %arg4[%squeeze3A_807, %dma_start3A_814] : memref<100000x50xf32, #tpu.memory_space<hbm>> -> memref<1x50xf32, #tpu.memory_space<hbm>>
      tpu.enqueue_dma source(%dma_start3A_815 : memref<1x50xf32, #tpu.memory_space<hbm>>) target(%dma_start3A_813 : memref<1x50xf32, #tpu.memory_space<vmem>>) target_semaphore(%arg19 : memref<!tpu.dma_semaphore, #tpu.memory_space<semaphore_mem>>)
      %mul3A_816 = arith.constant 16 : i32
      %mul3A_817 = arith.muli %scan3A_476, %mul3A_816 : i32
      %add3A_818 = arith.constant 14 : i32
      %add3A_819 = arith.addi %mul3A_817, %add3A_818 : i32
      %slice3A_820 = vector.extract_strided_slice %gather3A_481 {offsets = [14], sizes = [1], strides = [1]} : vector<16xi32> to vector<1xi32>
      %squeeze3A_821 = vector.extract %slice3A_820[0] : i32 from vector<1xi32>
      %dma_start3A_822 = arith.constant 0 : i32
      %dma_start3A_823 = tpu.memref_slice %arg9[%add3A_819, %dma_start3A_822] : memref<512x50xf32, #tpu.memory_space<vmem>> -> memref<1x50xf32, #tpu.memory_space<vmem>>
      %dma_start3A_824 = arith.constant 0 : i32
      %dma_start3A_825 = tpu.memref_slice %arg3[%squeeze3A_821, %dma_start3A_824] : memref<1000000x50xf32, #tpu.memory_space<hbm>> -> memref<1x50xf32, #tpu.memory_space<hbm>>
      %dma_start3A_826 = arith.constant 0 : i32
      %dma_start3A_827 = tpu.memref_slice %arg9[%add3A_819, %dma_start3A_826] : memref<512x50xf32, #tpu.memory_space<vmem>> -> memref<1x50xf32, #tpu.memory_space<vmem>>
      %dma_start3A_828 = arith.constant 0 : i32
      %dma_start3A_829 = tpu.memref_slice %arg3[%squeeze3A_821, %dma_start3A_828] : memref<1000000x50xf32, #tpu.memory_space<hbm>> -> memref<1x50xf32, #tpu.memory_space<hbm>>
      tpu.enqueue_dma source(%dma_start3A_829 : memref<1x50xf32, #tpu.memory_space<hbm>>) target(%dma_start3A_827 : memref<1x50xf32, #tpu.memory_space<vmem>>) target_semaphore(%arg16 : memref<!tpu.dma_semaphore, #tpu.memory_space<semaphore_mem>>)
      %slice3A_830 = vector.extract_strided_slice %gather3A_482 {offsets = [14], sizes = [1], strides = [1]} : vector<16xi32> to vector<1xi32>
      %squeeze3A_831 = vector.extract %slice3A_830[0] : i32 from vector<1xi32>
      %dma_start3A_832 = arith.constant 0 : i32
      %dma_start3A_833 = tpu.memref_slice %arg10[%add3A_819, %dma_start3A_832] : memref<512x50xf32, #tpu.memory_space<vmem>> -> memref<1x50xf32, #tpu.memory_space<vmem>>
      %dma_start3A_834 = arith.constant 0 : i32
      %dma_start3A_835 = tpu.memref_slice %arg4[%squeeze3A_831, %dma_start3A_834] : memref<100000x50xf32, #tpu.memory_space<hbm>> -> memref<1x50xf32, #tpu.memory_space<hbm>>
      %dma_start3A_836 = arith.constant 0 : i32
      %dma_start3A_837 = tpu.memref_slice %arg10[%add3A_819, %dma_start3A_836] : memref<512x50xf32, #tpu.memory_space<vmem>> -> memref<1x50xf32, #tpu.memory_space<vmem>>
      %dma_start3A_838 = arith.constant 0 : i32
      %dma_start3A_839 = tpu.memref_slice %arg4[%squeeze3A_831, %dma_start3A_838] : memref<100000x50xf32, #tpu.memory_space<hbm>> -> memref<1x50xf32, #tpu.memory_space<hbm>>
      tpu.enqueue_dma source(%dma_start3A_839 : memref<1x50xf32, #tpu.memory_space<hbm>>) target(%dma_start3A_837 : memref<1x50xf32, #tpu.memory_space<vmem>>) target_semaphore(%arg20 : memref<!tpu.dma_semaphore, #tpu.memory_space<semaphore_mem>>)
      %mul3A_840 = arith.constant 16 : i32
      %mul3A_841 = arith.muli %scan3A_476, %mul3A_840 : i32
      %add3A_842 = arith.constant 15 : i32
      %add3A_843 = arith.addi %mul3A_841, %add3A_842 : i32
      %slice3A_844 = vector.extract_strided_slice %gather3A_481 {offsets = [15], sizes = [1], strides = [1]} : vector<16xi32> to vector<1xi32>
      %squeeze3A_845 = vector.extract %slice3A_844[0] : i32 from vector<1xi32>
      %dma_start3A_846 = arith.constant 0 : i32
      %dma_start3A_847 = tpu.memref_slice %arg9[%add3A_843, %dma_start3A_846] : memref<512x50xf32, #tpu.memory_space<vmem>> -> memref<1x50xf32, #tpu.memory_space<vmem>>
      %dma_start3A_848 = arith.constant 0 : i32
      %dma_start3A_849 = tpu.memref_slice %arg3[%squeeze3A_845, %dma_start3A_848] : memref<1000000x50xf32, #tpu.memory_space<hbm>> -> memref<1x50xf32, #tpu.memory_space<hbm>>
      %dma_start3A_850 = arith.constant 0 : i32
      %dma_start3A_851 = tpu.memref_slice %arg9[%add3A_843, %dma_start3A_850] : memref<512x50xf32, #tpu.memory_space<vmem>> -> memref<1x50xf32, #tpu.memory_space<vmem>>
      %dma_start3A_852 = arith.constant 0 : i32
      %dma_start3A_853 = tpu.memref_slice %arg3[%squeeze3A_845, %dma_start3A_852] : memref<1000000x50xf32, #tpu.memory_space<hbm>> -> memref<1x50xf32, #tpu.memory_space<hbm>>
      tpu.enqueue_dma source(%dma_start3A_853 : memref<1x50xf32, #tpu.memory_space<hbm>>) target(%dma_start3A_851 : memref<1x50xf32, #tpu.memory_space<vmem>>) target_semaphore(%arg17 : memref<!tpu.dma_semaphore, #tpu.memory_space<semaphore_mem>>)
      %slice3A_854 = vector.extract_strided_slice %gather3A_482 {offsets = [15], sizes = [1], strides = [1]} : vector<16xi32> to vector<1xi32>
      %squeeze3A_855 = vector.extract %slice3A_854[0] : i32 from vector<1xi32>
      %dma_start3A_856 = arith.constant 0 : i32
      %dma_start3A_857 = tpu.memref_slice %arg10[%add3A_843, %dma_start3A_856] : memref<512x50xf32, #tpu.memory_space<vmem>> -> memref<1x50xf32, #tpu.memory_space<vmem>>
      %dma_start3A_858 = arith.constant 0 : i32
      %dma_start3A_859 = tpu.memref_slice %arg4[%squeeze3A_855, %dma_start3A_858] : memref<100000x50xf32, #tpu.memory_space<hbm>> -> memref<1x50xf32, #tpu.memory_space<hbm>>
      %dma_start3A_860 = arith.constant 0 : i32
      %dma_start3A_861 = tpu.memref_slice %arg10[%add3A_843, %dma_start3A_860] : memref<512x50xf32, #tpu.memory_space<vmem>> -> memref<1x50xf32, #tpu.memory_space<vmem>>
      %dma_start3A_862 = arith.constant 0 : i32
      %dma_start3A_863 = tpu.memref_slice %arg4[%squeeze3A_855, %dma_start3A_862] : memref<100000x50xf32, #tpu.memory_space<hbm>> -> memref<1x50xf32, #tpu.memory_space<hbm>>
      tpu.enqueue_dma source(%dma_start3A_863 : memref<1x50xf32, #tpu.memory_space<hbm>>) target(%dma_start3A_861 : memref<1x50xf32, #tpu.memory_space<vmem>>) target_semaphore(%arg21 : memref<!tpu.dma_semaphore, #tpu.memory_space<semaphore_mem>>)
    }
    %scan3A_24 = arith.constant 32 : i32
    %broadcast_in_dim3A_25 = arith.constant 0 : i32
    %broadcast_in_dim3A_26 = vector.broadcast %broadcast_in_dim3A_25 : i32 to vector<16xi32>
    %gather3A = tpu.vector_load_idx %arg11[%broadcast_in_dim3A_26, %broadcast_in_dim3A_18] : memref<50x1xf32, #tpu.memory_space<vmem>>[vector<16xi32>, vector<16xi32>], vector<16xf32>,
    %swap3A = arith.constant 0 : i32
    %swap3A_27 = arith.index_cast %swap3A : i32 to index
    %swap3A_28 = arith.constant 0 : index
    %swap3A_29 = tpu.vector_load %arg12[%swap3A_27, %swap3A_28] {strides = array<i32>} : memref<51x16xf32, #tpu.memory_space<vmem>>, vector<16xf32>,
    tpu.vector_store %arg12[%swap3A_27, %swap3A_28], %gather3A {strides = array<i32>} : memref<51x16xf32, #tpu.memory_space<vmem>>, vector<16xf32>,
    %broadcast_in_dim3A_30 = arith.constant 1 : i32
    %broadcast_in_dim3A_31 = vector.broadcast %broadcast_in_dim3A_30 : i32 to vector<16xi32>
    %gather3A_32 = tpu.vector_load_idx %arg11[%broadcast_in_dim3A_31, %broadcast_in_dim3A_18] : memref<50x1xf32, #tpu.memory_space<vmem>>[vector<16xi32>, vector<16xi32>], vector<16xf32>,
    %swap3A_33 = arith.constant 1 : i32
    %swap3A_34 = arith.index_cast %swap3A_33 : i32 to index
    %swap3A_35 = arith.constant 0 : index
    %swap3A_36 = tpu.vector_load %arg12[%swap3A_34, %swap3A_35] {strides = array<i32>} : memref<51x16xf32, #tpu.memory_space<vmem>>, vector<16xf32>,
    tpu.vector_store %arg12[%swap3A_34, %swap3A_35], %gather3A_32 {strides = array<i32>} : memref<51x16xf32, #tpu.memory_space<vmem>>, vector<16xf32>,
    %broadcast_in_dim3A_37 = arith.constant 2 : i32
    %broadcast_in_dim3A_38 = vector.broadcast %broadcast_in_dim3A_37 : i32 to vector<16xi32>
    %gather3A_39 = tpu.vector_load_idx %arg11[%broadcast_in_dim3A_38, %broadcast_in_dim3A_18] : memref<50x1xf32, #tpu.memory_space<vmem>>[vector<16xi32>, vector<16xi32>], vector<16xf32>,
    %swap3A_40 = arith.constant 2 : i32
    %swap3A_41 = arith.index_cast %swap3A_40 : i32 to index
    %swap3A_42 = arith.constant 0 : index
    %swap3A_43 = tpu.vector_load %arg12[%swap3A_41, %swap3A_42] {strides = array<i32>} : memref<51x16xf32, #tpu.memory_space<vmem>>, vector<16xf32>,
    tpu.vector_store %arg12[%swap3A_41, %swap3A_42], %gather3A_39 {strides = array<i32>} : memref<51x16xf32, #tpu.memory_space<vmem>>, vector<16xf32>,
    %broadcast_in_dim3A_44 = arith.constant 3 : i32
    %broadcast_in_dim3A_45 = vector.broadcast %broadcast_in_dim3A_44 : i32 to vector<16xi32>
    %gather3A_46 = tpu.vector_load_idx %arg11[%broadcast_in_dim3A_45, %broadcast_in_dim3A_18] : memref<50x1xf32, #tpu.memory_space<vmem>>[vector<16xi32>, vector<16xi32>], vector<16xf32>,
    %swap3A_47 = arith.constant 3 : i32
    %swap3A_48 = arith.index_cast %swap3A_47 : i32 to index
    %swap3A_49 = arith.constant 0 : index
    %swap3A_50 = tpu.vector_load %arg12[%swap3A_48, %swap3A_49] {strides = array<i32>} : memref<51x16xf32, #tpu.memory_space<vmem>>, vector<16xf32>,
    tpu.vector_store %arg12[%swap3A_48, %swap3A_49], %gather3A_46 {strides = array<i32>} : memref<51x16xf32, #tpu.memory_space<vmem>>, vector<16xf32>,
    %broadcast_in_dim3A_51 = arith.constant 4 : i32
    %broadcast_in_dim3A_52 = vector.broadcast %broadcast_in_dim3A_51 : i32 to vector<16xi32>
    %gather3A_53 = tpu.vector_load_idx %arg11[%broadcast_in_dim3A_52, %broadcast_in_dim3A_18] : memref<50x1xf32, #tpu.memory_space<vmem>>[vector<16xi32>, vector<16xi32>], vector<16xf32>,
    %swap3A_54 = arith.constant 4 : i32
    %swap3A_55 = arith.index_cast %swap3A_54 : i32 to index
    %swap3A_56 = arith.constant 0 : index
    %swap3A_57 = tpu.vector_load %arg12[%swap3A_55, %swap3A_56] {strides = array<i32>} : memref<51x16xf32, #tpu.memory_space<vmem>>, vector<16xf32>,
    tpu.vector_store %arg12[%swap3A_55, %swap3A_56], %gather3A_53 {strides = array<i32>} : memref<51x16xf32, #tpu.memory_space<vmem>>, vector<16xf32>,
    %broadcast_in_dim3A_58 = arith.constant 5 : i32
    %broadcast_in_dim3A_59 = vector.broadcast %broadcast_in_dim3A_58 : i32 to vector<16xi32>
    %gather3A_60 = tpu.vector_load_idx %arg11[%broadcast_in_dim3A_59, %broadcast_in_dim3A_18] : memref<50x1xf32, #tpu.memory_space<vmem>>[vector<16xi32>, vector<16xi32>], vector<16xf32>,
    %swap3A_61 = arith.constant 5 : i32
    %swap3A_62 = arith.index_cast %swap3A_61 : i32 to index
    %swap3A_63 = arith.constant 0 : index
    %swap3A_64 = tpu.vector_load %arg12[%swap3A_62, %swap3A_63] {strides = array<i32>} : memref<51x16xf32, #tpu.memory_space<vmem>>, vector<16xf32>,
    tpu.vector_store %arg12[%swap3A_62, %swap3A_63], %gather3A_60 {strides = array<i32>} : memref<51x16xf32, #tpu.memory_space<vmem>>, vector<16xf32>,
    %broadcast_in_dim3A_65 = arith.constant 6 : i32
    %broadcast_in_dim3A_66 = vector.broadcast %broadcast_in_dim3A_65 : i32 to vector<16xi32>
    %gather3A_67 = tpu.vector_load_idx %arg11[%broadcast_in_dim3A_66, %broadcast_in_dim3A_18] : memref<50x1xf32, #tpu.memory_space<vmem>>[vector<16xi32>, vector<16xi32>], vector<16xf32>,
    %swap3A_68 = arith.constant 6 : i32
    %swap3A_69 = arith.index_cast %swap3A_68 : i32 to index
    %swap3A_70 = arith.constant 0 : index
    %swap3A_71 = tpu.vector_load %arg12[%swap3A_69, %swap3A_70] {strides = array<i32>} : memref<51x16xf32, #tpu.memory_space<vmem>>, vector<16xf32>,
    tpu.vector_store %arg12[%swap3A_69, %swap3A_70], %gather3A_67 {strides = array<i32>} : memref<51x16xf32, #tpu.memory_space<vmem>>, vector<16xf32>,
    %broadcast_in_dim3A_72 = arith.constant 7 : i32
    %broadcast_in_dim3A_73 = vector.broadcast %broadcast_in_dim3A_72 : i32 to vector<16xi32>
    %gather3A_74 = tpu.vector_load_idx %arg11[%broadcast_in_dim3A_73, %broadcast_in_dim3A_18] : memref<50x1xf32, #tpu.memory_space<vmem>>[vector<16xi32>, vector<16xi32>], vector<16xf32>,
    %swap3A_75 = arith.constant 7 : i32
    %swap3A_76 = arith.index_cast %swap3A_75 : i32 to index
    %swap3A_77 = arith.constant 0 : index
    %swap3A_78 = tpu.vector_load %arg12[%swap3A_76, %swap3A_77] {strides = array<i32>} : memref<51x16xf32, #tpu.memory_space<vmem>>, vector<16xf32>,
    tpu.vector_store %arg12[%swap3A_76, %swap3A_77], %gather3A_74 {strides = array<i32>} : memref<51x16xf32, #tpu.memory_space<vmem>>, vector<16xf32>,
    %broadcast_in_dim3A_79 = arith.constant 8 : i32
    %broadcast_in_dim3A_80 = vector.broadcast %broadcast_in_dim3A_79 : i32 to vector<16xi32>
    %gather3A_81 = tpu.vector_load_idx %arg11[%broadcast_in_dim3A_80, %broadcast_in_dim3A_18] : memref<50x1xf32, #tpu.memory_space<vmem>>[vector<16xi32>, vector<16xi32>], vector<16xf32>,
    %swap3A_82 = arith.constant 8 : i32
    %swap3A_83 = arith.index_cast %swap3A_82 : i32 to index
    %swap3A_84 = arith.constant 0 : index
    %swap3A_85 = tpu.vector_load %arg12[%swap3A_83, %swap3A_84] {strides = array<i32>} : memref<51x16xf32, #tpu.memory_space<vmem>>, vector<16xf32>,
    tpu.vector_store %arg12[%swap3A_83, %swap3A_84], %gather3A_81 {strides = array<i32>} : memref<51x16xf32, #tpu.memory_space<vmem>>, vector<16xf32>,
    %broadcast_in_dim3A_86 = arith.constant 9 : i32
    %broadcast_in_dim3A_87 = vector.broadcast %broadcast_in_dim3A_86 : i32 to vector<16xi32>
    %gather3A_88 = tpu.vector_load_idx %arg11[%broadcast_in_dim3A_87, %broadcast_in_dim3A_18] : memref<50x1xf32, #tpu.memory_space<vmem>>[vector<16xi32>, vector<16xi32>], vector<16xf32>,
    %swap3A_89 = arith.constant 9 : i32
    %swap3A_90 = arith.index_cast %swap3A_89 : i32 to index
    %swap3A_91 = arith.constant 0 : index
    %swap3A_92 = tpu.vector_load %arg12[%swap3A_90, %swap3A_91] {strides = array<i32>} : memref<51x16xf32, #tpu.memory_space<vmem>>, vector<16xf32>,
    tpu.vector_store %arg12[%swap3A_90, %swap3A_91], %gather3A_88 {strides = array<i32>} : memref<51x16xf32, #tpu.memory_space<vmem>>, vector<16xf32>,
    %broadcast_in_dim3A_93 = arith.constant 10 : i32
    %broadcast_in_dim3A_94 = vector.broadcast %broadcast_in_dim3A_93 : i32 to vector<16xi32>
    %gather3A_95 = tpu.vector_load_idx %arg11[%broadcast_in_dim3A_94, %broadcast_in_dim3A_18] : memref<50x1xf32, #tpu.memory_space<vmem>>[vector<16xi32>, vector<16xi32>], vector<16xf32>,
    %swap3A_96 = arith.constant 10 : i32
    %swap3A_97 = arith.index_cast %swap3A_96 : i32 to index
    %swap3A_98 = arith.constant 0 : index
    %swap3A_99 = tpu.vector_load %arg12[%swap3A_97, %swap3A_98] {strides = array<i32>} : memref<51x16xf32, #tpu.memory_space<vmem>>, vector<16xf32>,
    tpu.vector_store %arg12[%swap3A_97, %swap3A_98], %gather3A_95 {strides = array<i32>} : memref<51x16xf32, #tpu.memory_space<vmem>>, vector<16xf32>,
    %broadcast_in_dim3A_100 = arith.constant 11 : i32
    %broadcast_in_dim3A_101 = vector.broadcast %broadcast_in_dim3A_100 : i32 to vector<16xi32>
    %gather3A_102 = tpu.vector_load_idx %arg11[%broadcast_in_dim3A_101, %broadcast_in_dim3A_18] : memref<50x1xf32, #tpu.memory_space<vmem>>[vector<16xi32>, vector<16xi32>], vector<16xf32>,
    %swap3A_103 = arith.constant 11 : i32
    %swap3A_104 = arith.index_cast %swap3A_103 : i32 to index
    %swap3A_105 = arith.constant 0 : index
    %swap3A_106 = tpu.vector_load %arg12[%swap3A_104, %swap3A_105] {strides = array<i32>} : memref<51x16xf32, #tpu.memory_space<vmem>>, vector<16xf32>,
    tpu.vector_store %arg12[%swap3A_104, %swap3A_105], %gather3A_102 {strides = array<i32>} : memref<51x16xf32, #tpu.memory_space<vmem>>, vector<16xf32>,
    %broadcast_in_dim3A_107 = arith.constant 12 : i32
    %broadcast_in_dim3A_108 = vector.broadcast %broadcast_in_dim3A_107 : i32 to vector<16xi32>
    %gather3A_109 = tpu.vector_load_idx %arg11[%broadcast_in_dim3A_108, %broadcast_in_dim3A_18] : memref<50x1xf32, #tpu.memory_space<vmem>>[vector<16xi32>, vector<16xi32>], vector<16xf32>,
    %swap3A_110 = arith.constant 12 : i32
    %swap3A_111 = arith.index_cast %swap3A_110 : i32 to index
    %swap3A_112 = arith.constant 0 : index
    %swap3A_113 = tpu.vector_load %arg12[%swap3A_111, %swap3A_112] {strides = array<i32>} : memref<51x16xf32, #tpu.memory_space<vmem>>, vector<16xf32>,
    tpu.vector_store %arg12[%swap3A_111, %swap3A_112], %gather3A_109 {strides = array<i32>} : memref<51x16xf32, #tpu.memory_space<vmem>>, vector<16xf32>,
    %broadcast_in_dim3A_114 = arith.constant 13 : i32
    %broadcast_in_dim3A_115 = vector.broadcast %broadcast_in_dim3A_114 : i32 to vector<16xi32>
    %gather3A_116 = tpu.vector_load_idx %arg11[%broadcast_in_dim3A_115, %broadcast_in_dim3A_18] : memref<50x1xf32, #tpu.memory_space<vmem>>[vector<16xi32>, vector<16xi32>], vector<16xf32>,
    %swap3A_117 = arith.constant 13 : i32
    %swap3A_118 = arith.index_cast %swap3A_117 : i32 to index
    %swap3A_119 = arith.constant 0 : index
    %swap3A_120 = tpu.vector_load %arg12[%swap3A_118, %swap3A_119] {strides = array<i32>} : memref<51x16xf32, #tpu.memory_space<vmem>>, vector<16xf32>,
    tpu.vector_store %arg12[%swap3A_118, %swap3A_119], %gather3A_116 {strides = array<i32>} : memref<51x16xf32, #tpu.memory_space<vmem>>, vector<16xf32>,
    %broadcast_in_dim3A_121 = arith.constant 14 : i32
    %broadcast_in_dim3A_122 = vector.broadcast %broadcast_in_dim3A_121 : i32 to vector<16xi32>
    %gather3A_123 = tpu.vector_load_idx %arg11[%broadcast_in_dim3A_122, %broadcast_in_dim3A_18] : memref<50x1xf32, #tpu.memory_space<vmem>>[vector<16xi32>, vector<16xi32>], vector<16xf32>,
    %swap3A_124 = arith.constant 14 : i32
    %swap3A_125 = arith.index_cast %swap3A_124 : i32 to index
    %swap3A_126 = arith.constant 0 : index
    %swap3A_127 = tpu.vector_load %arg12[%swap3A_125, %swap3A_126] {strides = array<i32>} : memref<51x16xf32, #tpu.memory_space<vmem>>, vector<16xf32>,
    tpu.vector_store %arg12[%swap3A_125, %swap3A_126], %gather3A_123 {strides = array<i32>} : memref<51x16xf32, #tpu.memory_space<vmem>>, vector<16xf32>,
    %broadcast_in_dim3A_128 = arith.constant 15 : i32
    %broadcast_in_dim3A_129 = vector.broadcast %broadcast_in_dim3A_128 : i32 to vector<16xi32>
    %gather3A_130 = tpu.vector_load_idx %arg11[%broadcast_in_dim3A_129, %broadcast_in_dim3A_18] : memref<50x1xf32, #tpu.memory_space<vmem>>[vector<16xi32>, vector<16xi32>], vector<16xf32>,
    %swap3A_131 = arith.constant 15 : i32
    %swap3A_132 = arith.index_cast %swap3A_131 : i32 to index
    %swap3A_133 = arith.constant 0 : index
    %swap3A_134 = tpu.vector_load %arg12[%swap3A_132, %swap3A_133] {strides = array<i32>} : memref<51x16xf32, #tpu.memory_space<vmem>>, vector<16xf32>,
    tpu.vector_store %arg12[%swap3A_132, %swap3A_133], %gather3A_130 {strides = array<i32>} : memref<51x16xf32, #tpu.memory_space<vmem>>, vector<16xf32>,
    %broadcast_in_dim3A_135 = arith.constant 16 : i32
    %broadcast_in_dim3A_136 = vector.broadcast %broadcast_in_dim3A_135 : i32 to vector<16xi32>
    %gather3A_137 = tpu.vector_load_idx %arg11[%broadcast_in_dim3A_136, %broadcast_in_dim3A_18] : memref<50x1xf32, #tpu.memory_space<vmem>>[vector<16xi32>, vector<16xi32>], vector<16xf32>,
    %swap3A_138 = arith.constant 16 : i32
    %swap3A_139 = arith.index_cast %swap3A_138 : i32 to index
    %swap3A_140 = arith.constant 0 : index
    %swap3A_141 = tpu.vector_load %arg12[%swap3A_139, %swap3A_140] {strides = array<i32>} : memref<51x16xf32, #tpu.memory_space<vmem>>, vector<16xf32>,
    tpu.vector_store %arg12[%swap3A_139, %swap3A_140], %gather3A_137 {strides = array<i32>} : memref<51x16xf32, #tpu.memory_space<vmem>>, vector<16xf32>,
    %broadcast_in_dim3A_142 = arith.constant 17 : i32
    %broadcast_in_dim3A_143 = vector.broadcast %broadcast_in_dim3A_142 : i32 to vector<16xi32>
    %gather3A_144 = tpu.vector_load_idx %arg11[%broadcast_in_dim3A_143, %broadcast_in_dim3A_18] : memref<50x1xf32, #tpu.memory_space<vmem>>[vector<16xi32>, vector<16xi32>], vector<16xf32>,
    %swap3A_145 = arith.constant 17 : i32
    %swap3A_146 = arith.index_cast %swap3A_145 : i32 to index
    %swap3A_147 = arith.constant 0 : index
    %swap3A_148 = tpu.vector_load %arg12[%swap3A_146, %swap3A_147] {strides = array<i32>} : memref<51x16xf32, #tpu.memory_space<vmem>>, vector<16xf32>,
    tpu.vector_store %arg12[%swap3A_146, %swap3A_147], %gather3A_144 {strides = array<i32>} : memref<51x16xf32, #tpu.memory_space<vmem>>, vector<16xf32>,
    %broadcast_in_dim3A_149 = arith.constant 18 : i32
    %broadcast_in_dim3A_150 = vector.broadcast %broadcast_in_dim3A_149 : i32 to vector<16xi32>
    %gather3A_151 = tpu.vector_load_idx %arg11[%broadcast_in_dim3A_150, %broadcast_in_dim3A_18] : memref<50x1xf32, #tpu.memory_space<vmem>>[vector<16xi32>, vector<16xi32>], vector<16xf32>,
    %swap3A_152 = arith.constant 18 : i32
    %swap3A_153 = arith.index_cast %swap3A_152 : i32 to index
    %swap3A_154 = arith.constant 0 : index
    %swap3A_155 = tpu.vector_load %arg12[%swap3A_153, %swap3A_154] {strides = array<i32>} : memref<51x16xf32, #tpu.memory_space<vmem>>, vector<16xf32>,
    tpu.vector_store %arg12[%swap3A_153, %swap3A_154], %gather3A_151 {strides = array<i32>} : memref<51x16xf32, #tpu.memory_space<vmem>>, vector<16xf32>,
    %broadcast_in_dim3A_156 = arith.constant 19 : i32
    %broadcast_in_dim3A_157 = vector.broadcast %broadcast_in_dim3A_156 : i32 to vector<16xi32>
    %gather3A_158 = tpu.vector_load_idx %arg11[%broadcast_in_dim3A_157, %broadcast_in_dim3A_18] : memref<50x1xf32, #tpu.memory_space<vmem>>[vector<16xi32>, vector<16xi32>], vector<16xf32>,
    %swap3A_159 = arith.constant 19 : i32
    %swap3A_160 = arith.index_cast %swap3A_159 : i32 to index
    %swap3A_161 = arith.constant 0 : index
    %swap3A_162 = tpu.vector_load %arg12[%swap3A_160, %swap3A_161] {strides = array<i32>} : memref<51x16xf32, #tpu.memory_space<vmem>>, vector<16xf32>,
    tpu.vector_store %arg12[%swap3A_160, %swap3A_161], %gather3A_158 {strides = array<i32>} : memref<51x16xf32, #tpu.memory_space<vmem>>, vector<16xf32>,
    %broadcast_in_dim3A_163 = arith.constant 20 : i32
    %broadcast_in_dim3A_164 = vector.broadcast %broadcast_in_dim3A_163 : i32 to vector<16xi32>
    %gather3A_165 = tpu.vector_load_idx %arg11[%broadcast_in_dim3A_164, %broadcast_in_dim3A_18] : memref<50x1xf32, #tpu.memory_space<vmem>>[vector<16xi32>, vector<16xi32>], vector<16xf32>,
    %swap3A_166 = arith.constant 20 : i32
    %swap3A_167 = arith.index_cast %swap3A_166 : i32 to index
    %swap3A_168 = arith.constant 0 : index
    %swap3A_169 = tpu.vector_load %arg12[%swap3A_167, %swap3A_168] {strides = array<i32>} : memref<51x16xf32, #tpu.memory_space<vmem>>, vector<16xf32>,
    tpu.vector_store %arg12[%swap3A_167, %swap3A_168], %gather3A_165 {strides = array<i32>} : memref<51x16xf32, #tpu.memory_space<vmem>>, vector<16xf32>,
    %broadcast_in_dim3A_170 = arith.constant 21 : i32
    %broadcast_in_dim3A_171 = vector.broadcast %broadcast_in_dim3A_170 : i32 to vector<16xi32>
    %gather3A_172 = tpu.vector_load_idx %arg11[%broadcast_in_dim3A_171, %broadcast_in_dim3A_18] : memref<50x1xf32, #tpu.memory_space<vmem>>[vector<16xi32>, vector<16xi32>], vector<16xf32>,
    %swap3A_173 = arith.constant 21 : i32
    %swap3A_174 = arith.index_cast %swap3A_173 : i32 to index
    %swap3A_175 = arith.constant 0 : index
    %swap3A_176 = tpu.vector_load %arg12[%swap3A_174, %swap3A_175] {strides = array<i32>} : memref<51x16xf32, #tpu.memory_space<vmem>>, vector<16xf32>,
    tpu.vector_store %arg12[%swap3A_174, %swap3A_175], %gather3A_172 {strides = array<i32>} : memref<51x16xf32, #tpu.memory_space<vmem>>, vector<16xf32>,
    %broadcast_in_dim3A_177 = arith.constant 22 : i32
    %broadcast_in_dim3A_178 = vector.broadcast %broadcast_in_dim3A_177 : i32 to vector<16xi32>
    %gather3A_179 = tpu.vector_load_idx %arg11[%broadcast_in_dim3A_178, %broadcast_in_dim3A_18] : memref<50x1xf32, #tpu.memory_space<vmem>>[vector<16xi32>, vector<16xi32>], vector<16xf32>,
    %swap3A_180 = arith.constant 22 : i32
    %swap3A_181 = arith.index_cast %swap3A_180 : i32 to index
    %swap3A_182 = arith.constant 0 : index
    %swap3A_183 = tpu.vector_load %arg12[%swap3A_181, %swap3A_182] {strides = array<i32>} : memref<51x16xf32, #tpu.memory_space<vmem>>, vector<16xf32>,
    tpu.vector_store %arg12[%swap3A_181, %swap3A_182], %gather3A_179 {strides = array<i32>} : memref<51x16xf32, #tpu.memory_space<vmem>>, vector<16xf32>,
    %broadcast_in_dim3A_184 = arith.constant 23 : i32
    %broadcast_in_dim3A_185 = vector.broadcast %broadcast_in_dim3A_184 : i32 to vector<16xi32>
    %gather3A_186 = tpu.vector_load_idx %arg11[%broadcast_in_dim3A_185, %broadcast_in_dim3A_18] : memref<50x1xf32, #tpu.memory_space<vmem>>[vector<16xi32>, vector<16xi32>], vector<16xf32>,
    %swap3A_187 = arith.constant 23 : i32
    %swap3A_188 = arith.index_cast %swap3A_187 : i32 to index
    %swap3A_189 = arith.constant 0 : index
    %swap3A_190 = tpu.vector_load %arg12[%swap3A_188, %swap3A_189] {strides = array<i32>} : memref<51x16xf32, #tpu.memory_space<vmem>>, vector<16xf32>,
    tpu.vector_store %arg12[%swap3A_188, %swap3A_189], %gather3A_186 {strides = array<i32>} : memref<51x16xf32, #tpu.memory_space<vmem>>, vector<16xf32>,
    %broadcast_in_dim3A_191 = arith.constant 24 : i32
    %broadcast_in_dim3A_192 = vector.broadcast %broadcast_in_dim3A_191 : i32 to vector<16xi32>
    %gather3A_193 = tpu.vector_load_idx %arg11[%broadcast_in_dim3A_192, %broadcast_in_dim3A_18] : memref<50x1xf32, #tpu.memory_space<vmem>>[vector<16xi32>, vector<16xi32>], vector<16xf32>,
    %swap3A_194 = arith.constant 24 : i32
    %swap3A_195 = arith.index_cast %swap3A_194 : i32 to index
    %swap3A_196 = arith.constant 0 : index
    %swap3A_197 = tpu.vector_load %arg12[%swap3A_195, %swap3A_196] {strides = array<i32>} : memref<51x16xf32, #tpu.memory_space<vmem>>, vector<16xf32>,
    tpu.vector_store %arg12[%swap3A_195, %swap3A_196], %gather3A_193 {strides = array<i32>} : memref<51x16xf32, #tpu.memory_space<vmem>>, vector<16xf32>,
    %broadcast_in_dim3A_198 = arith.constant 25 : i32
    %broadcast_in_dim3A_199 = vector.broadcast %broadcast_in_dim3A_198 : i32 to vector<16xi32>
    %gather3A_200 = tpu.vector_load_idx %arg11[%broadcast_in_dim3A_199, %broadcast_in_dim3A_18] : memref<50x1xf32, #tpu.memory_space<vmem>>[vector<16xi32>, vector<16xi32>], vector<16xf32>,
    %swap3A_201 = arith.constant 25 : i32
    %swap3A_202 = arith.index_cast %swap3A_201 : i32 to index
    %swap3A_203 = arith.constant 0 : index
    %swap3A_204 = tpu.vector_load %arg12[%swap3A_202, %swap3A_203] {strides = array<i32>} : memref<51x16xf32, #tpu.memory_space<vmem>>, vector<16xf32>,
    tpu.vector_store %arg12[%swap3A_202, %swap3A_203], %gather3A_200 {strides = array<i32>} : memref<51x16xf32, #tpu.memory_space<vmem>>, vector<16xf32>,
    %broadcast_in_dim3A_205 = arith.constant 26 : i32
    %broadcast_in_dim3A_206 = vector.broadcast %broadcast_in_dim3A_205 : i32 to vector<16xi32>
    %gather3A_207 = tpu.vector_load_idx %arg11[%broadcast_in_dim3A_206, %broadcast_in_dim3A_18] : memref<50x1xf32, #tpu.memory_space<vmem>>[vector<16xi32>, vector<16xi32>], vector<16xf32>,
    %swap3A_208 = arith.constant 26 : i32
    %swap3A_209 = arith.index_cast %swap3A_208 : i32 to index
    %swap3A_210 = arith.constant 0 : index
    %swap3A_211 = tpu.vector_load %arg12[%swap3A_209, %swap3A_210] {strides = array<i32>} : memref<51x16xf32, #tpu.memory_space<vmem>>, vector<16xf32>,
    tpu.vector_store %arg12[%swap3A_209, %swap3A_210], %gather3A_207 {strides = array<i32>} : memref<51x16xf32, #tpu.memory_space<vmem>>, vector<16xf32>,
    %broadcast_in_dim3A_212 = arith.constant 27 : i32
    %broadcast_in_dim3A_213 = vector.broadcast %broadcast_in_dim3A_212 : i32 to vector<16xi32>
    %gather3A_214 = tpu.vector_load_idx %arg11[%broadcast_in_dim3A_213, %broadcast_in_dim3A_18] : memref<50x1xf32, #tpu.memory_space<vmem>>[vector<16xi32>, vector<16xi32>], vector<16xf32>,
    %swap3A_215 = arith.constant 27 : i32
    %swap3A_216 = arith.index_cast %swap3A_215 : i32 to index
    %swap3A_217 = arith.constant 0 : index
    %swap3A_218 = tpu.vector_load %arg12[%swap3A_216, %swap3A_217] {strides = array<i32>} : memref<51x16xf32, #tpu.memory_space<vmem>>, vector<16xf32>,
    tpu.vector_store %arg12[%swap3A_216, %swap3A_217], %gather3A_214 {strides = array<i32>} : memref<51x16xf32, #tpu.memory_space<vmem>>, vector<16xf32>,
    %broadcast_in_dim3A_219 = arith.constant 28 : i32
    %broadcast_in_dim3A_220 = vector.broadcast %broadcast_in_dim3A_219 : i32 to vector<16xi32>
    %gather3A_221 = tpu.vector_load_idx %arg11[%broadcast_in_dim3A_220, %broadcast_in_dim3A_18] : memref<50x1xf32, #tpu.memory_space<vmem>>[vector<16xi32>, vector<16xi32>], vector<16xf32>,
    %swap3A_222 = arith.constant 28 : i32
    %swap3A_223 = arith.index_cast %swap3A_222 : i32 to index
    %swap3A_224 = arith.constant 0 : index
    %swap3A_225 = tpu.vector_load %arg12[%swap3A_223, %swap3A_224] {strides = array<i32>} : memref<51x16xf32, #tpu.memory_space<vmem>>, vector<16xf32>,
    tpu.vector_store %arg12[%swap3A_223, %swap3A_224], %gather3A_221 {strides = array<i32>} : memref<51x16xf32, #tpu.memory_space<vmem>>, vector<16xf32>,
    %broadcast_in_dim3A_226 = arith.constant 29 : i32
    %broadcast_in_dim3A_227 = vector.broadcast %broadcast_in_dim3A_226 : i32 to vector<16xi32>
    %gather3A_228 = tpu.vector_load_idx %arg11[%broadcast_in_dim3A_227, %broadcast_in_dim3A_18] : memref<50x1xf32, #tpu.memory_space<vmem>>[vector<16xi32>, vector<16xi32>], vector<16xf32>,
    %swap3A_229 = arith.constant 29 : i32
    %swap3A_230 = arith.index_cast %swap3A_229 : i32 to index
    %swap3A_231 = arith.constant 0 : index
    %swap3A_232 = tpu.vector_load %arg12[%swap3A_230, %swap3A_231] {strides = array<i32>} : memref<51x16xf32, #tpu.memory_space<vmem>>, vector<16xf32>,
    tpu.vector_store %arg12[%swap3A_230, %swap3A_231], %gather3A_228 {strides = array<i32>} : memref<51x16xf32, #tpu.memory_space<vmem>>, vector<16xf32>,
    %broadcast_in_dim3A_233 = arith.constant 30 : i32
    %broadcast_in_dim3A_234 = vector.broadcast %broadcast_in_dim3A_233 : i32 to vector<16xi32>
    %gather3A_235 = tpu.vector_load_idx %arg11[%broadcast_in_dim3A_234, %broadcast_in_dim3A_18] : memref<50x1xf32, #tpu.memory_space<vmem>>[vector<16xi32>, vector<16xi32>], vector<16xf32>,
    %swap3A_236 = arith.constant 30 : i32
    %swap3A_237 = arith.index_cast %swap3A_236 : i32 to index
    %swap3A_238 = arith.constant 0 : index
    %swap3A_239 = tpu.vector_load %arg12[%swap3A_237, %swap3A_238] {strides = array<i32>} : memref<51x16xf32, #tpu.memory_space<vmem>>, vector<16xf32>,
    tpu.vector_store %arg12[%swap3A_237, %swap3A_238], %gather3A_235 {strides = array<i32>} : memref<51x16xf32, #tpu.memory_space<vmem>>, vector<16xf32>,
    %broadcast_in_dim3A_240 = arith.constant 31 : i32
    %broadcast_in_dim3A_241 = vector.broadcast %broadcast_in_dim3A_240 : i32 to vector<16xi32>
    %gather3A_242 = tpu.vector_load_idx %arg11[%broadcast_in_dim3A_241, %broadcast_in_dim3A_18] : memref<50x1xf32, #tpu.memory_space<vmem>>[vector<16xi32>, vector<16xi32>], vector<16xf32>,
    %swap3A_243 = arith.constant 31 : i32
    %swap3A_244 = arith.index_cast %swap3A_243 : i32 to index
    %swap3A_245 = arith.constant 0 : index
    %swap3A_246 = tpu.vector_load %arg12[%swap3A_244, %swap3A_245] {strides = array<i32>} : memref<51x16xf32, #tpu.memory_space<vmem>>, vector<16xf32>,
    tpu.vector_store %arg12[%swap3A_244, %swap3A_245], %gather3A_242 {strides = array<i32>} : memref<51x16xf32, #tpu.memory_space<vmem>>, vector<16xf32>,
    %broadcast_in_dim3A_247 = arith.constant 32 : i32
    %broadcast_in_dim3A_248 = vector.broadcast %broadcast_in_dim3A_247 : i32 to vector<16xi32>
    %gather3A_249 = tpu.vector_load_idx %arg11[%broadcast_in_dim3A_248, %broadcast_in_dim3A_18] : memref<50x1xf32, #tpu.memory_space<vmem>>[vector<16xi32>, vector<16xi32>], vector<16xf32>,
    %swap3A_250 = arith.constant 32 : i32
    %swap3A_251 = arith.index_cast %swap3A_250 : i32 to index
    %swap3A_252 = arith.constant 0 : index
    %swap3A_253 = tpu.vector_load %arg12[%swap3A_251, %swap3A_252] {strides = array<i32>} : memref<51x16xf32, #tpu.memory_space<vmem>>, vector<16xf32>,
    tpu.vector_store %arg12[%swap3A_251, %swap3A_252], %gather3A_249 {strides = array<i32>} : memref<51x16xf32, #tpu.memory_space<vmem>>, vector<16xf32>,
    %broadcast_in_dim3A_254 = arith.constant 33 : i32
    %broadcast_in_dim3A_255 = vector.broadcast %broadcast_in_dim3A_254 : i32 to vector<16xi32>
    %gather3A_256 = tpu.vector_load_idx %arg11[%broadcast_in_dim3A_255, %broadcast_in_dim3A_18] : memref<50x1xf32, #tpu.memory_space<vmem>>[vector<16xi32>, vector<16xi32>], vector<16xf32>,
    %swap3A_257 = arith.constant 33 : i32
    %swap3A_258 = arith.index_cast %swap3A_257 : i32 to index
    %swap3A_259 = arith.constant 0 : index
    %swap3A_260 = tpu.vector_load %arg12[%swap3A_258, %swap3A_259] {strides = array<i32>} : memref<51x16xf32, #tpu.memory_space<vmem>>, vector<16xf32>,
    tpu.vector_store %arg12[%swap3A_258, %swap3A_259], %gather3A_256 {strides = array<i32>} : memref<51x16xf32, #tpu.memory_space<vmem>>, vector<16xf32>,
    %broadcast_in_dim3A_261 = arith.constant 34 : i32
    %broadcast_in_dim3A_262 = vector.broadcast %broadcast_in_dim3A_261 : i32 to vector<16xi32>
    %gather3A_263 = tpu.vector_load_idx %arg11[%broadcast_in_dim3A_262, %broadcast_in_dim3A_18] : memref<50x1xf32, #tpu.memory_space<vmem>>[vector<16xi32>, vector<16xi32>], vector<16xf32>,
    %swap3A_264 = arith.constant 34 : i32
    %swap3A_265 = arith.index_cast %swap3A_264 : i32 to index
    %swap3A_266 = arith.constant 0 : index
    %swap3A_267 = tpu.vector_load %arg12[%swap3A_265, %swap3A_266] {strides = array<i32>} : memref<51x16xf32, #tpu.memory_space<vmem>>, vector<16xf32>,
    tpu.vector_store %arg12[%swap3A_265, %swap3A_266], %gather3A_263 {strides = array<i32>} : memref<51x16xf32, #tpu.memory_space<vmem>>, vector<16xf32>,
    %broadcast_in_dim3A_268 = arith.constant 35 : i32
    %broadcast_in_dim3A_269 = vector.broadcast %broadcast_in_dim3A_268 : i32 to vector<16xi32>
    %gather3A_270 = tpu.vector_load_idx %arg11[%broadcast_in_dim3A_269, %broadcast_in_dim3A_18] : memref<50x1xf32, #tpu.memory_space<vmem>>[vector<16xi32>, vector<16xi32>], vector<16xf32>,
    %swap3A_271 = arith.constant 35 : i32
    %swap3A_272 = arith.index_cast %swap3A_271 : i32 to index
    %swap3A_273 = arith.constant 0 : index
    %swap3A_274 = tpu.vector_load %arg12[%swap3A_272, %swap3A_273] {strides = array<i32>} : memref<51x16xf32, #tpu.memory_space<vmem>>, vector<16xf32>,
    tpu.vector_store %arg12[%swap3A_272, %swap3A_273], %gather3A_270 {strides = array<i32>} : memref<51x16xf32, #tpu.memory_space<vmem>>, vector<16xf32>,
    %broadcast_in_dim3A_275 = arith.constant 36 : i32
    %broadcast_in_dim3A_276 = vector.broadcast %broadcast_in_dim3A_275 : i32 to vector<16xi32>
    %gather3A_277 = tpu.vector_load_idx %arg11[%broadcast_in_dim3A_276, %broadcast_in_dim3A_18] : memref<50x1xf32, #tpu.memory_space<vmem>>[vector<16xi32>, vector<16xi32>], vector<16xf32>,
    %swap3A_278 = arith.constant 36 : i32
    %swap3A_279 = arith.index_cast %swap3A_278 : i32 to index
    %swap3A_280 = arith.constant 0 : index
    %swap3A_281 = tpu.vector_load %arg12[%swap3A_279, %swap3A_280] {strides = array<i32>} : memref<51x16xf32, #tpu.memory_space<vmem>>, vector<16xf32>,
    tpu.vector_store %arg12[%swap3A_279, %swap3A_280], %gather3A_277 {strides = array<i32>} : memref<51x16xf32, #tpu.memory_space<vmem>>, vector<16xf32>,
    %broadcast_in_dim3A_282 = arith.constant 37 : i32
    %broadcast_in_dim3A_283 = vector.broadcast %broadcast_in_dim3A_282 : i32 to vector<16xi32>
    %gather3A_284 = tpu.vector_load_idx %arg11[%broadcast_in_dim3A_283, %broadcast_in_dim3A_18] : memref<50x1xf32, #tpu.memory_space<vmem>>[vector<16xi32>, vector<16xi32>], vector<16xf32>,
    %swap3A_285 = arith.constant 37 : i32
    %swap3A_286 = arith.index_cast %swap3A_285 : i32 to index
    %swap3A_287 = arith.constant 0 : index
    %swap3A_288 = tpu.vector_load %arg12[%swap3A_286, %swap3A_287] {strides = array<i32>} : memref<51x16xf32, #tpu.memory_space<vmem>>, vector<16xf32>,
    tpu.vector_store %arg12[%swap3A_286, %swap3A_287], %gather3A_284 {strides = array<i32>} : memref<51x16xf32, #tpu.memory_space<vmem>>, vector<16xf32>,
    %broadcast_in_dim3A_289 = arith.constant 38 : i32
    %broadcast_in_dim3A_290 = vector.broadcast %broadcast_in_dim3A_289 : i32 to vector<16xi32>
    %gather3A_291 = tpu.vector_load_idx %arg11[%broadcast_in_dim3A_290, %broadcast_in_dim3A_18] : memref<50x1xf32, #tpu.memory_space<vmem>>[vector<16xi32>, vector<16xi32>], vector<16xf32>,
    %swap3A_292 = arith.constant 38 : i32
    %swap3A_293 = arith.index_cast %swap3A_292 : i32 to index
    %swap3A_294 = arith.constant 0 : index
    %swap3A_295 = tpu.vector_load %arg12[%swap3A_293, %swap3A_294] {strides = array<i32>} : memref<51x16xf32, #tpu.memory_space<vmem>>, vector<16xf32>,
    tpu.vector_store %arg12[%swap3A_293, %swap3A_294], %gather3A_291 {strides = array<i32>} : memref<51x16xf32, #tpu.memory_space<vmem>>, vector<16xf32>,
    %broadcast_in_dim3A_296 = arith.constant 39 : i32
    %broadcast_in_dim3A_297 = vector.broadcast %broadcast_in_dim3A_296 : i32 to vector<16xi32>
    %gather3A_298 = tpu.vector_load_idx %arg11[%broadcast_in_dim3A_297, %broadcast_in_dim3A_18] : memref<50x1xf32, #tpu.memory_space<vmem>>[vector<16xi32>, vector<16xi32>], vector<16xf32>,
    %swap3A_299 = arith.constant 39 : i32
    %swap3A_300 = arith.index_cast %swap3A_299 : i32 to index
    %swap3A_301 = arith.constant 0 : index
    %swap3A_302 = tpu.vector_load %arg12[%swap3A_300, %swap3A_301] {strides = array<i32>} : memref<51x16xf32, #tpu.memory_space<vmem>>, vector<16xf32>,
    tpu.vector_store %arg12[%swap3A_300, %swap3A_301], %gather3A_298 {strides = array<i32>} : memref<51x16xf32, #tpu.memory_space<vmem>>, vector<16xf32>,
    %broadcast_in_dim3A_303 = arith.constant 40 : i32
    %broadcast_in_dim3A_304 = vector.broadcast %broadcast_in_dim3A_303 : i32 to vector<16xi32>
    %gather3A_305 = tpu.vector_load_idx %arg11[%broadcast_in_dim3A_304, %broadcast_in_dim3A_18] : memref<50x1xf32, #tpu.memory_space<vmem>>[vector<16xi32>, vector<16xi32>], vector<16xf32>,
    %swap3A_306 = arith.constant 40 : i32
    %swap3A_307 = arith.index_cast %swap3A_306 : i32 to index
    %swap3A_308 = arith.constant 0 : index
    %swap3A_309 = tpu.vector_load %arg12[%swap3A_307, %swap3A_308] {strides = array<i32>} : memref<51x16xf32, #tpu.memory_space<vmem>>, vector<16xf32>,
    tpu.vector_store %arg12[%swap3A_307, %swap3A_308], %gather3A_305 {strides = array<i32>} : memref<51x16xf32, #tpu.memory_space<vmem>>, vector<16xf32>,
    %broadcast_in_dim3A_310 = arith.constant 41 : i32
    %broadcast_in_dim3A_311 = vector.broadcast %broadcast_in_dim3A_310 : i32 to vector<16xi32>
    %gather3A_312 = tpu.vector_load_idx %arg11[%broadcast_in_dim3A_311, %broadcast_in_dim3A_18] : memref<50x1xf32, #tpu.memory_space<vmem>>[vector<16xi32>, vector<16xi32>], vector<16xf32>,
    %swap3A_313 = arith.constant 41 : i32
    %swap3A_314 = arith.index_cast %swap3A_313 : i32 to index
    %swap3A_315 = arith.constant 0 : index
    %swap3A_316 = tpu.vector_load %arg12[%swap3A_314, %swap3A_315] {strides = array<i32>} : memref<51x16xf32, #tpu.memory_space<vmem>>, vector<16xf32>,
    tpu.vector_store %arg12[%swap3A_314, %swap3A_315], %gather3A_312 {strides = array<i32>} : memref<51x16xf32, #tpu.memory_space<vmem>>, vector<16xf32>,
    %broadcast_in_dim3A_317 = arith.constant 42 : i32
    %broadcast_in_dim3A_318 = vector.broadcast %broadcast_in_dim3A_317 : i32 to vector<16xi32>
    %gather3A_319 = tpu.vector_load_idx %arg11[%broadcast_in_dim3A_318, %broadcast_in_dim3A_18] : memref<50x1xf32, #tpu.memory_space<vmem>>[vector<16xi32>, vector<16xi32>], vector<16xf32>,
    %swap3A_320 = arith.constant 42 : i32
    %swap3A_321 = arith.index_cast %swap3A_320 : i32 to index
    %swap3A_322 = arith.constant 0 : index
    %swap3A_323 = tpu.vector_load %arg12[%swap3A_321, %swap3A_322] {strides = array<i32>} : memref<51x16xf32, #tpu.memory_space<vmem>>, vector<16xf32>,
    tpu.vector_store %arg12[%swap3A_321, %swap3A_322], %gather3A_319 {strides = array<i32>} : memref<51x16xf32, #tpu.memory_space<vmem>>, vector<16xf32>,
    %broadcast_in_dim3A_324 = arith.constant 43 : i32
    %broadcast_in_dim3A_325 = vector.broadcast %broadcast_in_dim3A_324 : i32 to vector<16xi32>
    %gather3A_326 = tpu.vector_load_idx %arg11[%broadcast_in_dim3A_325, %broadcast_in_dim3A_18] : memref<50x1xf32, #tpu.memory_space<vmem>>[vector<16xi32>, vector<16xi32>], vector<16xf32>,
    %swap3A_327 = arith.constant 43 : i32
    %swap3A_328 = arith.index_cast %swap3A_327 : i32 to index
    %swap3A_329 = arith.constant 0 : index
    %swap3A_330 = tpu.vector_load %arg12[%swap3A_328, %swap3A_329] {strides = array<i32>} : memref<51x16xf32, #tpu.memory_space<vmem>>, vector<16xf32>,
    tpu.vector_store %arg12[%swap3A_328, %swap3A_329], %gather3A_326 {strides = array<i32>} : memref<51x16xf32, #tpu.memory_space<vmem>>, vector<16xf32>,
    %broadcast_in_dim3A_331 = arith.constant 44 : i32
    %broadcast_in_dim3A_332 = vector.broadcast %broadcast_in_dim3A_331 : i32 to vector<16xi32>
    %gather3A_333 = tpu.vector_load_idx %arg11[%broadcast_in_dim3A_332, %broadcast_in_dim3A_18] : memref<50x1xf32, #tpu.memory_space<vmem>>[vector<16xi32>, vector<16xi32>], vector<16xf32>,
    %swap3A_334 = arith.constant 44 : i32
    %swap3A_335 = arith.index_cast %swap3A_334 : i32 to index
    %swap3A_336 = arith.constant 0 : index
    %swap3A_337 = tpu.vector_load %arg12[%swap3A_335, %swap3A_336] {strides = array<i32>} : memref<51x16xf32, #tpu.memory_space<vmem>>, vector<16xf32>,
    tpu.vector_store %arg12[%swap3A_335, %swap3A_336], %gather3A_333 {strides = array<i32>} : memref<51x16xf32, #tpu.memory_space<vmem>>, vector<16xf32>,
    %broadcast_in_dim3A_338 = arith.constant 45 : i32
    %broadcast_in_dim3A_339 = vector.broadcast %broadcast_in_dim3A_338 : i32 to vector<16xi32>
    %gather3A_340 = tpu.vector_load_idx %arg11[%broadcast_in_dim3A_339, %broadcast_in_dim3A_18] : memref<50x1xf32, #tpu.memory_space<vmem>>[vector<16xi32>, vector<16xi32>], vector<16xf32>,
    %swap3A_341 = arith.constant 45 : i32
    %swap3A_342 = arith.index_cast %swap3A_341 : i32 to index
    %swap3A_343 = arith.constant 0 : index
    %swap3A_344 = tpu.vector_load %arg12[%swap3A_342, %swap3A_343] {strides = array<i32>} : memref<51x16xf32, #tpu.memory_space<vmem>>, vector<16xf32>,
    tpu.vector_store %arg12[%swap3A_342, %swap3A_343], %gather3A_340 {strides = array<i32>} : memref<51x16xf32, #tpu.memory_space<vmem>>, vector<16xf32>,
    %broadcast_in_dim3A_345 = arith.constant 46 : i32
    %broadcast_in_dim3A_346 = vector.broadcast %broadcast_in_dim3A_345 : i32 to vector<16xi32>
    %gather3A_347 = tpu.vector_load_idx %arg11[%broadcast_in_dim3A_346, %broadcast_in_dim3A_18] : memref<50x1xf32, #tpu.memory_space<vmem>>[vector<16xi32>, vector<16xi32>], vector<16xf32>,
    %swap3A_348 = arith.constant 46 : i32
    %swap3A_349 = arith.index_cast %swap3A_348 : i32 to index
    %swap3A_350 = arith.constant 0 : index
    %swap3A_351 = tpu.vector_load %arg12[%swap3A_349, %swap3A_350] {strides = array<i32>} : memref<51x16xf32, #tpu.memory_space<vmem>>, vector<16xf32>,
    tpu.vector_store %arg12[%swap3A_349, %swap3A_350], %gather3A_347 {strides = array<i32>} : memref<51x16xf32, #tpu.memory_space<vmem>>, vector<16xf32>,
    %broadcast_in_dim3A_352 = arith.constant 47 : i32
    %broadcast_in_dim3A_353 = vector.broadcast %broadcast_in_dim3A_352 : i32 to vector<16xi32>
    %gather3A_354 = tpu.vector_load_idx %arg11[%broadcast_in_dim3A_353, %broadcast_in_dim3A_18] : memref<50x1xf32, #tpu.memory_space<vmem>>[vector<16xi32>, vector<16xi32>], vector<16xf32>,
    %swap3A_355 = arith.constant 47 : i32
    %swap3A_356 = arith.index_cast %swap3A_355 : i32 to index
    %swap3A_357 = arith.constant 0 : index
    %swap3A_358 = tpu.vector_load %arg12[%swap3A_356, %swap3A_357] {strides = array<i32>} : memref<51x16xf32, #tpu.memory_space<vmem>>, vector<16xf32>,
    tpu.vector_store %arg12[%swap3A_356, %swap3A_357], %gather3A_354 {strides = array<i32>} : memref<51x16xf32, #tpu.memory_space<vmem>>, vector<16xf32>,
    %broadcast_in_dim3A_359 = arith.constant 48 : i32
    %broadcast_in_dim3A_360 = vector.broadcast %broadcast_in_dim3A_359 : i32 to vector<16xi32>
    %gather3A_361 = tpu.vector_load_idx %arg11[%broadcast_in_dim3A_360, %broadcast_in_dim3A_18] : memref<50x1xf32, #tpu.memory_space<vmem>>[vector<16xi32>, vector<16xi32>], vector<16xf32>,
    %swap3A_362 = arith.constant 48 : i32
    %swap3A_363 = arith.index_cast %swap3A_362 : i32 to index
    %swap3A_364 = arith.constant 0 : index
    %swap3A_365 = tpu.vector_load %arg12[%swap3A_363, %swap3A_364] {strides = array<i32>} : memref<51x16xf32, #tpu.memory_space<vmem>>, vector<16xf32>,
    tpu.vector_store %arg12[%swap3A_363, %swap3A_364], %gather3A_361 {strides = array<i32>} : memref<51x16xf32, #tpu.memory_space<vmem>>, vector<16xf32>,
    %broadcast_in_dim3A_366 = arith.constant 49 : i32
    %broadcast_in_dim3A_367 = vector.broadcast %broadcast_in_dim3A_366 : i32 to vector<16xi32>
    %gather3A_368 = tpu.vector_load_idx %arg11[%broadcast_in_dim3A_367, %broadcast_in_dim3A_18] : memref<50x1xf32, #tpu.memory_space<vmem>>[vector<16xi32>, vector<16xi32>], vector<16xf32>,
    %swap3A_369 = arith.constant 49 : i32
    %swap3A_370 = arith.index_cast %swap3A_369 : i32 to index
    %swap3A_371 = arith.constant 0 : index
    %swap3A_372 = tpu.vector_load %arg12[%swap3A_370, %swap3A_371] {strides = array<i32>} : memref<51x16xf32, #tpu.memory_space<vmem>>, vector<16xf32>,
    tpu.vector_store %arg12[%swap3A_370, %swap3A_371], %gather3A_368 {strides = array<i32>} : memref<51x16xf32, #tpu.memory_space<vmem>>, vector<16xf32>,
    %dma_wait3A = arith.constant 0 : i32
    %dma_wait3A_373 = arith.constant 0 : i32
    %dma_wait3A_374 = tpu.memref_slice %arg9[%dma_wait3A, %dma_wait3A_373] : memref<512x50xf32, #tpu.memory_space<vmem>> -> memref<128x50xf32, #tpu.memory_space<vmem>>
    %dma_wait3A_375 = arith.constant 0 : i32
    %dma_wait3A_376 = arith.constant 0 : i32
    %dma_wait3A_377 = tpu.memref_slice %arg3[%dma_wait3A_375, %dma_wait3A_376] : memref<1000000x50xf32, #tpu.memory_space<hbm>> -> memref<128x50xf32, #tpu.memory_space<hbm>>
    %dma_wait3A_378 = arith.constant 0 : i32
    %dma_wait3A_379 = arith.constant 0 : i32
    %dma_wait3A_380 = tpu.memref_slice %arg9[%dma_wait3A_378, %dma_wait3A_379] : memref<512x50xf32, #tpu.memory_space<vmem>> -> memref<128x50xf32, #tpu.memory_space<vmem>>
    %dma_wait3A_381 = arith.constant 0 : i32
    %dma_wait3A_382 = arith.constant 0 : i32
    %dma_wait3A_383 = tpu.memref_slice %arg3[%dma_wait3A_381, %dma_wait3A_382] : memref<1000000x50xf32, #tpu.memory_space<hbm>> -> memref<128x50xf32, #tpu.memory_space<hbm>>
    tpu.wait_dma2 semaphore(%arg14 : memref<!tpu.dma_semaphore, #tpu.memory_space<semaphore_mem>>) src(%dma_wait3A_383 : memref<128x50xf32, #tpu.memory_space<hbm>>) dst(%dma_wait3A_380 : memref<128x50xf32, #tpu.memory_space<vmem>>)
    %dma_wait3A_384 = arith.constant 0 : i32
    %dma_wait3A_385 = arith.constant 0 : i32
    %dma_wait3A_386 = tpu.memref_slice %arg10[%dma_wait3A_384, %dma_wait3A_385] : memref<512x50xf32, #tpu.memory_space<vmem>> -> memref<128x50xf32, #tpu.memory_space<vmem>>
    %dma_wait3A_387 = arith.constant 0 : i32
    %dma_wait3A_388 = arith.constant 0 : i32
    %dma_wait3A_389 = tpu.memref_slice %arg4[%dma_wait3A_387, %dma_wait3A_388] : memref<100000x50xf32, #tpu.memory_space<hbm>> -> memref<128x50xf32, #tpu.memory_space<hbm>>
    %dma_wait3A_390 = arith.constant 0 : i32
    %dma_wait3A_391 = arith.constant 0 : i32
    %dma_wait3A_392 = tpu.memref_slice %arg10[%dma_wait3A_390, %dma_wait3A_391] : memref<512x50xf32, #tpu.memory_space<vmem>> -> memref<128x50xf32, #tpu.memory_space<vmem>>
    %dma_wait3A_393 = arith.constant 0 : i32
    %dma_wait3A_394 = arith.constant 0 : i32
    %dma_wait3A_395 = tpu.memref_slice %arg4[%dma_wait3A_393, %dma_wait3A_394] : memref<100000x50xf32, #tpu.memory_space<hbm>> -> memref<128x50xf32, #tpu.memory_space<hbm>>
    tpu.wait_dma2 semaphore(%arg18 : memref<!tpu.dma_semaphore, #tpu.memory_space<semaphore_mem>>) src(%dma_wait3A_395 : memref<128x50xf32, #tpu.memory_space<hbm>>) dst(%dma_wait3A_392 : memref<128x50xf32, #tpu.memory_space<vmem>>)
    %dma_wait3A_396 = arith.constant 128 : i32
    %dma_wait3A_397 = arith.constant 0 : i32
    %dma_wait3A_398 = tpu.memref_slice %arg9[%dma_wait3A_396, %dma_wait3A_397] : memref<512x50xf32, #tpu.memory_space<vmem>> -> memref<128x50xf32, #tpu.memory_space<vmem>>
    %dma_wait3A_399 = arith.constant 0 : i32
    %dma_wait3A_400 = arith.constant 0 : i32
    %dma_wait3A_401 = tpu.memref_slice %arg3[%dma_wait3A_399, %dma_wait3A_400] : memref<1000000x50xf32, #tpu.memory_space<hbm>> -> memref<128x50xf32, #tpu.memory_space<hbm>>
    %dma_wait3A_402 = arith.constant 128 : i32
    %dma_wait3A_403 = arith.constant 0 : i32
    %dma_wait3A_404 = tpu.memref_slice %arg9[%dma_wait3A_402, %dma_wait3A_403] : memref<512x50xf32, #tpu.memory_space<vmem>> -> memref<128x50xf32, #tpu.memory_space<vmem>>
    %dma_wait3A_405 = arith.constant 0 : i32
    %dma_wait3A_406 = arith.constant 0 : i32
    %dma_wait3A_407 = tpu.memref_slice %arg3[%dma_wait3A_405, %dma_wait3A_406] : memref<1000000x50xf32, #tpu.memory_space<hbm>> -> memref<128x50xf32, #tpu.memory_space<hbm>>
    tpu.wait_dma2 semaphore(%arg15 : memref<!tpu.dma_semaphore, #tpu.memory_space<semaphore_mem>>) src(%dma_wait3A_407 : memref<128x50xf32, #tpu.memory_space<hbm>>) dst(%dma_wait3A_404 : memref<128x50xf32, #tpu.memory_space<vmem>>)
    %dma_wait3A_408 = arith.constant 128 : i32
    %dma_wait3A_409 = arith.constant 0 : i32
    %dma_wait3A_410 = tpu.memref_slice %arg10[%dma_wait3A_408, %dma_wait3A_409] : memref<512x50xf32, #tpu.memory_space<vmem>> -> memref<128x50xf32, #tpu.memory_space<vmem>>
    %dma_wait3A_411 = arith.constant 0 : i32
    %dma_wait3A_412 = arith.constant 0 : i32
    %dma_wait3A_413 = tpu.memref_slice %arg4[%dma_wait3A_411, %dma_wait3A_412] : memref<100000x50xf32, #tpu.memory_space<hbm>> -> memref<128x50xf32, #tpu.memory_space<hbm>>
    %dma_wait3A_414 = arith.constant 128 : i32
    %dma_wait3A_415 = arith.constant 0 : i32
    %dma_wait3A_416 = tpu.memref_slice %arg10[%dma_wait3A_414, %dma_wait3A_415] : memref<512x50xf32, #tpu.memory_space<vmem>> -> memref<128x50xf32, #tpu.memory_space<vmem>>
    %dma_wait3A_417 = arith.constant 0 : i32
    %dma_wait3A_418 = arith.constant 0 : i32
    %dma_wait3A_419 = tpu.memref_slice %arg4[%dma_wait3A_417, %dma_wait3A_418] : memref<100000x50xf32, #tpu.memory_space<hbm>> -> memref<128x50xf32, #tpu.memory_space<hbm>>
    tpu.wait_dma2 semaphore(%arg19 : memref<!tpu.dma_semaphore, #tpu.memory_space<semaphore_mem>>) src(%dma_wait3A_419 : memref<128x50xf32, #tpu.memory_space<hbm>>) dst(%dma_wait3A_416 : memref<128x50xf32, #tpu.memory_space<vmem>>)
    %dma_wait3A_420 = arith.constant 256 : i32
    %dma_wait3A_421 = arith.constant 0 : i32
    %dma_wait3A_422 = tpu.memref_slice %arg9[%dma_wait3A_420, %dma_wait3A_421] : memref<512x50xf32, #tpu.memory_space<vmem>> -> memref<128x50xf32, #tpu.memory_space<vmem>>
    %dma_wait3A_423 = arith.constant 0 : i32
    %dma_wait3A_424 = arith.constant 0 : i32
    %dma_wait3A_425 = tpu.memref_slice %arg3[%dma_wait3A_423, %dma_wait3A_424] : memref<1000000x50xf32, #tpu.memory_space<hbm>> -> memref<128x50xf32, #tpu.memory_space<hbm>>
    %dma_wait3A_426 = arith.constant 256 : i32
    %dma_wait3A_427 = arith.constant 0 : i32
    %dma_wait3A_428 = tpu.memref_slice %arg9[%dma_wait3A_426, %dma_wait3A_427] : memref<512x50xf32, #tpu.memory_space<vmem>> -> memref<128x50xf32, #tpu.memory_space<vmem>>
    %dma_wait3A_429 = arith.constant 0 : i32
    %dma_wait3A_430 = arith.constant 0 : i32
    %dma_wait3A_431 = tpu.memref_slice %arg3[%dma_wait3A_429, %dma_wait3A_430] : memref<1000000x50xf32, #tpu.memory_space<hbm>> -> memref<128x50xf32, #tpu.memory_space<hbm>>
    tpu.wait_dma2 semaphore(%arg16 : memref<!tpu.dma_semaphore, #tpu.memory_space<semaphore_mem>>) src(%dma_wait3A_431 : memref<128x50xf32, #tpu.memory_space<hbm>>) dst(%dma_wait3A_428 : memref<128x50xf32, #tpu.memory_space<vmem>>)
    %dma_wait3A_432 = arith.constant 256 : i32
    %dma_wait3A_433 = arith.constant 0 : i32
    %dma_wait3A_434 = tpu.memref_slice %arg10[%dma_wait3A_432, %dma_wait3A_433] : memref<512x50xf32, #tpu.memory_space<vmem>> -> memref<128x50xf32, #tpu.memory_space<vmem>>
    %dma_wait3A_435 = arith.constant 0 : i32
    %dma_wait3A_436 = arith.constant 0 : i32
    %dma_wait3A_437 = tpu.memref_slice %arg4[%dma_wait3A_435, %dma_wait3A_436] : memref<100000x50xf32, #tpu.memory_space<hbm>> -> memref<128x50xf32, #tpu.memory_space<hbm>>
    %dma_wait3A_438 = arith.constant 256 : i32
    %dma_wait3A_439 = arith.constant 0 : i32
    %dma_wait3A_440 = tpu.memref_slice %arg10[%dma_wait3A_438, %dma_wait3A_439] : memref<512x50xf32, #tpu.memory_space<vmem>> -> memref<128x50xf32, #tpu.memory_space<vmem>>
    %dma_wait3A_441 = arith.constant 0 : i32
    %dma_wait3A_442 = arith.constant 0 : i32
    %dma_wait3A_443 = tpu.memref_slice %arg4[%dma_wait3A_441, %dma_wait3A_442] : memref<100000x50xf32, #tpu.memory_space<hbm>> -> memref<128x50xf32, #tpu.memory_space<hbm>>
    tpu.wait_dma2 semaphore(%arg20 : memref<!tpu.dma_semaphore, #tpu.memory_space<semaphore_mem>>) src(%dma_wait3A_443 : memref<128x50xf32, #tpu.memory_space<hbm>>) dst(%dma_wait3A_440 : memref<128x50xf32, #tpu.memory_space<vmem>>)
    %dma_wait3A_444 = arith.constant 384 : i32
    %dma_wait3A_445 = arith.constant 0 : i32
    %dma_wait3A_446 = tpu.memref_slice %arg9[%dma_wait3A_444, %dma_wait3A_445] : memref<512x50xf32, #tpu.memory_space<vmem>> -> memref<128x50xf32, #tpu.memory_space<vmem>>
    %dma_wait3A_447 = arith.constant 0 : i32
    %dma_wait3A_448 = arith.constant 0 : i32
    %dma_wait3A_449 = tpu.memref_slice %arg3[%dma_wait3A_447, %dma_wait3A_448] : memref<1000000x50xf32, #tpu.memory_space<hbm>> -> memref<128x50xf32, #tpu.memory_space<hbm>>
    %dma_wait3A_450 = arith.constant 384 : i32
    %dma_wait3A_451 = arith.constant 0 : i32
    %dma_wait3A_452 = tpu.memref_slice %arg9[%dma_wait3A_450, %dma_wait3A_451] : memref<512x50xf32, #tpu.memory_space<vmem>> -> memref<128x50xf32, #tpu.memory_space<vmem>>
    %dma_wait3A_453 = arith.constant 0 : i32
    %dma_wait3A_454 = arith.constant 0 : i32
    %dma_wait3A_455 = tpu.memref_slice %arg3[%dma_wait3A_453, %dma_wait3A_454] : memref<1000000x50xf32, #tpu.memory_space<hbm>> -> memref<128x50xf32, #tpu.memory_space<hbm>>
    tpu.wait_dma2 semaphore(%arg17 : memref<!tpu.dma_semaphore, #tpu.memory_space<semaphore_mem>>) src(%dma_wait3A_455 : memref<128x50xf32, #tpu.memory_space<hbm>>) dst(%dma_wait3A_452 : memref<128x50xf32, #tpu.memory_space<vmem>>)
    %dma_wait3A_456 = arith.constant 384 : i32
    %dma_wait3A_457 = arith.constant 0 : i32
    %dma_wait3A_458 = tpu.memref_slice %arg10[%dma_wait3A_456, %dma_wait3A_457] : memref<512x50xf32, #tpu.memory_space<vmem>> -> memref<128x50xf32, #tpu.memory_space<vmem>>
    %dma_wait3A_459 = arith.constant 0 : i32
    %dma_wait3A_460 = arith.constant 0 : i32
    %dma_wait3A_461 = tpu.memref_slice %arg4[%dma_wait3A_459, %dma_wait3A_460] : memref<100000x50xf32, #tpu.memory_space<hbm>> -> memref<128x50xf32, #tpu.memory_space<hbm>>
    %dma_wait3A_462 = arith.constant 384 : i32
    %dma_wait3A_463 = arith.constant 0 : i32
    %dma_wait3A_464 = tpu.memref_slice %arg10[%dma_wait3A_462, %dma_wait3A_463] : memref<512x50xf32, #tpu.memory_space<vmem>> -> memref<128x50xf32, #tpu.memory_space<vmem>>
    %dma_wait3A_465 = arith.constant 0 : i32
    %dma_wait3A_466 = arith.constant 0 : i32
    %dma_wait3A_467 = tpu.memref_slice %arg4[%dma_wait3A_465, %dma_wait3A_466] : memref<100000x50xf32, #tpu.memory_space<hbm>> -> memref<128x50xf32, #tpu.memory_space<hbm>>
    tpu.wait_dma2 semaphore(%arg21 : memref<!tpu.dma_semaphore, #tpu.memory_space<semaphore_mem>>) src(%dma_wait3A_467 : memref<128x50xf32, #tpu.memory_space<hbm>>) dst(%dma_wait3A_464 : memref<128x50xf32, #tpu.memory_space<vmem>>)
    %get3A = arith.constant 50 : i32
    %get3A_468 = arith.index_cast %get3A : i32 to index
    %get3A_469 = arith.constant 0 : index
    %get3A_470 = tpu.vector_load %arg12[%get3A_468, %get3A_469] {strides = array<i32>} : memref<51x16xf32, #tpu.memory_space<vmem>>, vector<16xf32>,
    %scan3A_471 = arith.constant 0 : i32
    %scan3A_472 = arith.constant 32 : i32
    %scan3A_473 = arith.addi %scan3A_471, %scan3A_472 : i32
    %scan3A_474 = arith.constant 1 : i32
    scf.for %scan3A_476 = %scan3A_471 to %scan3A_473 step %scan3A_474  : i32 {
      %mul3A_477 = arith.constant 16 : i32
      %mul3A_478 = arith.muli %scan3A_476, %mul3A_477 : i32
      %add3A_479 = vector.broadcast %mul3A_478 : i32 to vector<16xi32>
      %add3A_480 = arith.addi %add3A_479, %iota3A : vector<16xi32>
      %scan3A_481 = arith.constant 0 : i32
      %scan3A_482 = arith.constant 10 : i32
      %scan3A_483 = arith.addi %scan3A_481, %scan3A_482 : i32
      %scan3A_484 = arith.constant 1 : i32
      %scan3A_485 = scf.for %scan3A_491 = %scan3A_481 to %scan3A_483 step %scan3A_484 iter_args(%scan3A_492 = %get3A_470) -> (vector<16xf32>)  : i32 {
        %mul3A_493 = arith.constant 5 : i32
        %mul3A_494 = arith.muli %scan3A_491, %mul3A_493 : i32
        %add3A_495 = arith.constant 0 : i32
        %add3A_496 = arith.addi %mul3A_494, %add3A_495 : i32
        %add3A_497 = vector.broadcast %add3A_496 : i32 to vector<16xi32>
        %add3A_498 = arith.addi %broadcast_in_dim3A_18, %add3A_497 : vector<16xi32>
        %gather3A_499 = tpu.vector_load_idx %arg9[%add3A_480, %add3A_498] : memref<512x50xf32, #tpu.memory_space<vmem>>[vector<16xi32>, vector<16xi32>], vector<16xf32>,
        %gather3A_500 = tpu.vector_load_idx %arg10[%add3A_480, %add3A_498] : memref<512x50xf32, #tpu.memory_space<vmem>>[vector<16xi32>, vector<16xi32>], vector<16xf32>,
        %gather3A_501 = tpu.vector_load_idx %arg11[%add3A_498, %broadcast_in_dim3A_18] : memref<50x1xf32, #tpu.memory_space<vmem>>[vector<16xi32>, vector<16xi32>], vector<16xf32>,
        %mul3A_502 = arith.mulf %gather3A_499, %gather3A_500 : vector<16xf32>
        %mul3A_503 = arith.mulf %mul3A_502, %gather3A_501 : vector<16xf32>
        %add3A_504 = arith.addf %scan3A_492, %mul3A_503 : vector<16xf32>
        %mul3A_505 = arith.constant 5 : i32
        %mul3A_506 = arith.muli %scan3A_491, %mul3A_505 : i32
        %add3A_507 = arith.constant 1 : i32
        %add3A_508 = arith.addi %mul3A_506, %add3A_507 : i32
        %add3A_509 = vector.broadcast %add3A_508 : i32 to vector<16xi32>
        %add3A_510 = arith.addi %broadcast_in_dim3A_18, %add3A_509 : vector<16xi32>
        %gather3A_511 = tpu.vector_load_idx %arg9[%add3A_480, %add3A_510] : memref<512x50xf32, #tpu.memory_space<vmem>>[vector<16xi32>, vector<16xi32>], vector<16xf32>,
        %gather3A_512 = tpu.vector_load_idx %arg10[%add3A_480, %add3A_510] : memref<512x50xf32, #tpu.memory_space<vmem>>[vector<16xi32>, vector<16xi32>], vector<16xf32>,
        %gather3A_513 = tpu.vector_load_idx %arg11[%add3A_510, %broadcast_in_dim3A_18] : memref<50x1xf32, #tpu.memory_space<vmem>>[vector<16xi32>, vector<16xi32>], vector<16xf32>,
        %mul3A_514 = arith.mulf %gather3A_511, %gather3A_512 : vector<16xf32>
        %mul3A_515 = arith.mulf %mul3A_514, %gather3A_513 : vector<16xf32>
        %add3A_516 = arith.addf %add3A_504, %mul3A_515 : vector<16xf32>
        %mul3A_517 = arith.constant 5 : i32
        %mul3A_518 = arith.muli %scan3A_491, %mul3A_517 : i32
        %add3A_519 = arith.constant 2 : i32
        %add3A_520 = arith.addi %mul3A_518, %add3A_519 : i32
        %add3A_521 = vector.broadcast %add3A_520 : i32 to vector<16xi32>
        %add3A_522 = arith.addi %broadcast_in_dim3A_18, %add3A_521 : vector<16xi32>
        %gather3A_523 = tpu.vector_load_idx %arg9[%add3A_480, %add3A_522] : memref<512x50xf32, #tpu.memory_space<vmem>>[vector<16xi32>, vector<16xi32>], vector<16xf32>,
        %gather3A_524 = tpu.vector_load_idx %arg10[%add3A_480, %add3A_522] : memref<512x50xf32, #tpu.memory_space<vmem>>[vector<16xi32>, vector<16xi32>], vector<16xf32>,
        %gather3A_525 = tpu.vector_load_idx %arg11[%add3A_522, %broadcast_in_dim3A_18] : memref<50x1xf32, #tpu.memory_space<vmem>>[vector<16xi32>, vector<16xi32>], vector<16xf32>,
        %mul3A_526 = arith.mulf %gather3A_523, %gather3A_524 : vector<16xf32>
        %mul3A_527 = arith.mulf %mul3A_526, %gather3A_525 : vector<16xf32>
        %add3A_528 = arith.addf %add3A_516, %mul3A_527 : vector<16xf32>
        %mul3A_529 = arith.constant 5 : i32
        %mul3A_530 = arith.muli %scan3A_491, %mul3A_529 : i32
        %add3A_531 = arith.constant 3 : i32
        %add3A_532 = arith.addi %mul3A_530, %add3A_531 : i32
        %add3A_533 = vector.broadcast %add3A_532 : i32 to vector<16xi32>
        %add3A_534 = arith.addi %broadcast_in_dim3A_18, %add3A_533 : vector<16xi32>
        %gather3A_535 = tpu.vector_load_idx %arg9[%add3A_480, %add3A_534] : memref<512x50xf32, #tpu.memory_space<vmem>>[vector<16xi32>, vector<16xi32>], vector<16xf32>,
        %gather3A_536 = tpu.vector_load_idx %arg10[%add3A_480, %add3A_534] : memref<512x50xf32, #tpu.memory_space<vmem>>[vector<16xi32>, vector<16xi32>], vector<16xf32>,
        %gather3A_537 = tpu.vector_load_idx %arg11[%add3A_534, %broadcast_in_dim3A_18] : memref<50x1xf32, #tpu.memory_space<vmem>>[vector<16xi32>, vector<16xi32>], vector<16xf32>,
        %mul3A_538 = arith.mulf %gather3A_535, %gather3A_536 : vector<16xf32>
        %mul3A_539 = arith.mulf %mul3A_538, %gather3A_537 : vector<16xf32>
        %add3A_540 = arith.addf %add3A_528, %mul3A_539 : vector<16xf32>
        %mul3A_541 = arith.constant 5 : i32
        %mul3A_542 = arith.muli %scan3A_491, %mul3A_541 : i32
        %add3A_543 = arith.constant 4 : i32
        %add3A_544 = arith.addi %mul3A_542, %add3A_543 : i32
        %add3A_545 = vector.broadcast %add3A_544 : i32 to vector<16xi32>
        %add3A_546 = arith.addi %broadcast_in_dim3A_18, %add3A_545 : vector<16xi32>
        %gather3A_547 = tpu.vector_load_idx %arg9[%add3A_480, %add3A_546] : memref<512x50xf32, #tpu.memory_space<vmem>>[vector<16xi32>, vector<16xi32>], vector<16xf32>,
        %gather3A_548 = tpu.vector_load_idx %arg10[%add3A_480, %add3A_546] : memref<512x50xf32, #tpu.memory_space<vmem>>[vector<16xi32>, vector<16xi32>], vector<16xf32>,
        %gather3A_549 = tpu.vector_load_idx %arg11[%add3A_546, %broadcast_in_dim3A_18] : memref<50x1xf32, #tpu.memory_space<vmem>>[vector<16xi32>, vector<16xi32>], vector<16xf32>,
        %mul3A_550 = arith.mulf %gather3A_547, %gather3A_548 : vector<16xf32>
        %mul3A_551 = arith.mulf %mul3A_550, %gather3A_549 : vector<16xf32>
        %add3A_552 = arith.addf %add3A_540, %mul3A_551 : vector<16xf32>
        scf.yield %add3A_552 : vector<16xf32>
      }
      %scan3A_486 = arith.constant 10 : i32
      %mul3A_487 = arith.constant 16 : i32
      %mul3A_488 = arith.muli %scan3A_476, %mul3A_487 : i32
      %swap3A_489 = arith.index_cast %mul3A_488 : i32 to index
      %swap3A_490 = tpu.vector_load %arg13[%swap3A_489] {strides = array<i32>} : memref<512xf32, #tpu.memory_space<vmem>>, vector<16xf32>,
      tpu.vector_store %arg13[%swap3A_489], %scan3A_485 {strides = array<i32>} : memref<512xf32, #tpu.memory_space<vmem>>, vector<16xf32>,
    }
    %scan3A_475 = arith.constant 32 : i32
    "tpu.region"() ({
      %run_scoped3A_476 = tpu.sem_alloc : memref<!tpu.dma_semaphore, #tpu.memory_space<semaphore_mem>>
      %dma_start3A = tpu.memref_slice %arg7[%mul3A_2] : memref<16384xf32, #tpu.memory_space<hbm>> -> memref<512xf32, #tpu.memory_space<hbm>>
      %dma_start3A_477 = tpu.memref_slice %arg7[%mul3A_2] : memref<16384xf32, #tpu.memory_space<hbm>> -> memref<512xf32, #tpu.memory_space<hbm>>
      tpu.enqueue_dma source(%arg13 : memref<512xf32, #tpu.memory_space<vmem>>) target(%dma_start3A_477 : memref<512xf32, #tpu.memory_space<hbm>>) target_semaphore(%run_scoped3A_476 : memref<!tpu.dma_semaphore, #tpu.memory_space<semaphore_mem>>)
      %dma_wait3A_478 = tpu.memref_slice %arg7[%mul3A_2] : memref<16384xf32, #tpu.memory_space<hbm>> -> memref<512xf32, #tpu.memory_space<hbm>>
      %dma_wait3A_479 = tpu.memref_slice %arg7[%mul3A_2] : memref<16384xf32, #tpu.memory_space<hbm>> -> memref<512xf32, #tpu.memory_space<hbm>>
      tpu.wait_dma2 semaphore(%run_scoped3A_476 : memref<!tpu.dma_semaphore, #tpu.memory_space<semaphore_mem>>) src(%arg13 : memref<512xf32, #tpu.memory_space<vmem>>) dst(%dma_wait3A_479 : memref<512xf32, #tpu.memory_space<hbm>>)
      tpu.yield
    }) : () -> ()
    return
  }
}

</mosaic_0001>

<sc_bundles>
// kernel: kernel.3.cloned.1.call-start
scs
__scs_entry_jumppad:
0x0: {  	(pc) =	sbr.rel $0x88, $3  }
0x1: {  	(tag) =	ssettag $0x0;
	lr =	simm.s32 $0x1  }
0x2: {  	[smem:$0x3F9C] =	sst lr;
	_ =	strace $0xD0000000  }
0x3: {  	_ = 	snop  }
0x4: {  	_ = 	snop  }
0x5: {  	_ = 	snop  }
0x6: {  	_ = 	snop  }
0x7: {  	_ = 	snop  }
__scs_overlays_trampoline_lowered:
0x8: {  	[smem:$0x3FAB] =	sst s0  }
0x9: {  	[smem:$0x3FAC] =	sst s1  }
0xa: {  	[smem:$0x3FAD] =	sst s2  }
0xb: {  	[smem:$0x3FAE] =	sst s3  }
0xc: {  	[smem:$0x3FAF] =	sst s4  }
0xd: {  	[smem:$0x3FB0] =	sst s5  }
0xe: {  	[smem:$0x3FB1] =	sst s6  }
0xf: {  	[smem:$0x3FB2] =	sst s7  }
0x10: {  	[smem:$0x3FB3] =	sst s8  }
0x11: {  	[smem:$0x3FB4] =	sst s9;
	s0 =	simm.s32 @!p0 $0x0  }
0x12: {  	s1 =	sld [smem:$0x3F9A];
	s0 =	simm.s32 @p0 $0x1  }
0x13: {  	[smem:$0x3FB5] =	sst s0;
	s0 =	simm.s32 @!p1 $0x0  }
0x14: {  	s2 =	sld [smem:$0x3F99];
	s0 =	simm.s32 @p1 $0x1  }
0x15: {  	[smem:$0x3FB6] =	sst s0;
	s0 =	simm.s32 @!p2 $0x0  }
0x16: {  	s3 =	sld [smem:$0x3FDB];
	s0 =	simm.s32 @p2 $0x1  }
0x17: {  	s4 =	simm.s32 $0x1BF5;
	[smem:$0x3FB8] =	sst s0  }
0x18: {  	s0 =	sld [smem:$0x3F9B];
	_ =	swait.ge [sflag:s4], $0x0  }
0x19: {  	s7 =	sld [smem:$0x3F9C]  }
0x1a: {  	s8 =	sadd.s32 $0xFFFFE003, lr  }
0x1b: {  	s9 =	sadd.s32 $0xFFFFFEF7, lr;
	s5 =	simm.s32 $0xFFFFFFFF;
	p2 =	slt.u32 s8, $0xFFFFF086  }
0x1c: {  	p1 =	slt.u32 s9, $0xF7A;
	s5 =	simm.s32 @!p2 $0x0  }
0x1d: {  	s5 =	simm.s32 @p1 $0x1;
	p0 =	seq.s32 s7, s2  }
0x1e: {  	s7 =	smul.u32 @!p0 $0xF7A, s2;
	p2 =	seq.s32 @!p0 s5, $0x0  }
0x1f: {  	s9 =	smul.u32 $0xF7A, s1;
	s8 =	simm.s32 @!p0 $0x1BF5;
	p2 =	por !p2, p0  }
0x20: {  	[sflag:s8] =	ssyncset.s32 @!p0 $0xFFFFF086;
	s6 =	sadd.s32 @!p0 s3, s7;
	s7 =	simm.s32 @!p0 $0x108  }
0x21: {  	s3 =	sadd.s32 s3, s9;
	s6 =	sadd.s32 @!p0 $0x88, s6;
	s7 =	simm.s32 @p2 $0x1082  }
0x22: {  	[simem:s7], [sflag:s8] =	dma.local @!p0 [hbm:s6], $0xF7A  }
0x23: {  	s9 =	sor.u32 $0xD0000000, s2;
	s6 =	simm.s32 $0x108;
	_ =	swait.ge @!p0 [sflag:s8], $0x0  }
0x24: {  	s3 =	sadd.s32 $0x88, s3;
	s6 =	simm.s32 @!p1 $0x1082;
	[sflag:s4] =	ssyncset.s32 $0xFFFFF086  }
0x25: {  	[simem:s6], [sflag:s4] =	dma.local [hbm:s3], $0xF7A  }
0x26: {  	[smem:$0x3F9C] =	sst s1;
	(tag) =	ssettag s2;
	_ =	strace s9  }
0x27: {  	s1 =	sld [smem:$0x3FAC]  }
0x28: {  	s2 =	sld [smem:$0x3FAD]  }
0x29: {  	s4 =	sld [smem:$0x3FAF]  }
0x2a: {  	p0 =	seq.s32 s5, $0x0;
	s5 =	sld [smem:$0x3FB0]  }
0x2b: {  	s6 =	sld [smem:$0x3FB1]  }
0x2c: {  	s7 =	sld [smem:$0x3FB2]  }
0x2d: {  	s3 =	simm.s32 $0x108;
	s8 =	sld [smem:$0x3FB3]  }
0x2e: {  	s3 =	simm.s32 @!p0 $0x1082;
	s9 =	sld [smem:$0x3FB4]  }
0x2f: {  	lr =	sadd.s32 s0, s3;
	s0 =	sld [smem:$0x3FAB]  }
0x30: {  	s3 =	sld [smem:$0x3FAE]  }
0x31: {  	[smem:$0x3FB7] =	sst s10  }
0x32: {  	s10 =	sld [smem:$0x3FB5];
	_ =	sdelay $0x3  }
0x33: {  	p0 =	seq.s32 s10, $0x1;
	s10 =	sld [smem:$0x3FB7];
	_ =	sdelay $0x3  }
0x34: {  	[smem:$0x3FB7] =	sst s10  }
0x35: {  	s10 =	sld [smem:$0x3FB6];
	_ =	sdelay $0x3  }
0x36: {  	p1 =	seq.s32 s10, $0x1;
	s10 =	sld [smem:$0x3FB7];
	_ =	sdelay $0x3  }
0x37: {  	[smem:$0x3FB7] =	sst s10  }
0x38: {  	s10 =	sld [smem:$0x3FB8]  }
0x39: {  	_ = 	snop;
	(pc) =	sbr.ind lr, $3  }
0x3a: {  	_ = 	snop  }
0x3b: {  	_ = 	snop  }
0x3c: {  	p2 =	seq.s32 s10, $0x1;
	s10 =	sld [smem:$0x3FB7]  }
0x3d: {  	_ =	shalt  }
0x3e: {  	_ =	shalt  }
0x3f: {  	_ =	shalt  }
0x40: {  	_ =	shalt  }
0x41: {  	_ =	shalt  }
0x42: {  	_ =	shalt  }
0x43: {  	_ =	shalt  }
0x44: {  	_ =	shalt  }
0x45: {  	_ =	shalt  }
0x46: {  	_ =	shalt  }
0x47: {  	_ =	shalt  }
0x48: {  	_ =	shalt  }
0x49: {  	_ =	shalt  }
0x4a: {  	_ =	shalt  }
0x4b: {  	_ =	shalt  }
0x4c: {  	_ =	shalt  }
0x4d: {  	_ =	shalt  }
0x4e: {  	_ =	shalt  }
0x4f: {  	_ =	shalt  }
0x50: {  	_ =	shalt  }
0x51: {  	_ =	shalt  }
0x52: {  	_ =	shalt  }
0x53: {  	_ =	shalt  }
0x54: {  	_ =	shalt  }
0x55: {  	_ =	shalt  }
0x56: {  	_ =	shalt  }
0x57: {  	_ =	shalt  }
0x58: {  	_ =	shalt  }
0x59: {  	_ =	shalt  }
0x5a: {  	_ =	shalt  }
0x5b: {  	_ =	shalt  }
0x5c: {  	_ =	shalt  }
0x5d: {  	_ =	shalt  }
0x5e: {  	_ =	shalt  }
0x5f: {  	_ =	shalt  }
0x60: {  	_ =	shalt  }
0x61: {  	_ =	shalt  }
0x62: {  	_ =	shalt  }
0x63: {  	_ =	shalt  }
0x64: {  	_ =	shalt  }
0x65: {  	_ =	shalt  }
0x66: {  	_ =	shalt  }
0x67: {  	_ =	shalt  }
0x68: {  	_ =	shalt  }
0x69: {  	_ =	shalt  }
0x6a: {  	_ =	shalt  }
0x6b: {  	_ =	shalt  }
0x6c: {  	_ =	shalt  }
0x6d: {  	_ =	shalt  }
0x6e: {  	_ =	shalt  }
0x6f: {  	_ =	shalt  }
0x70: {  	_ =	shalt  }
0x71: {  	_ =	shalt  }
0x72: {  	_ =	shalt  }
0x73: {  	_ =	shalt  }
0x74: {  	_ =	shalt  }
0x75: {  	_ =	shalt  }
0x76: {  	_ =	shalt  }
0x77: {  	_ =	shalt  }
0x78: {  	_ =	shalt  }
0x79: {  	_ =	shalt  }
0x7a: {  	_ =	shalt  }
0x7b: {  	_ =	shalt  }
0x7c: {  	_ =	shalt  }
0x7d: {  	_ =	shalt  }
0x7e: {  	_ =	shalt  }
0x7f: {  	_ =	shalt  }
0x80: {  	_ =	shalt  }
0x81: {  	_ =	shalt  }
0x82: {  	_ =	shalt  }
0x83: {  	_ =	shalt  }
0x84: {  	_ =	shalt  }
0x85: {  	_ =	shalt  }
0x86: {  	_ =	shalt  }
0x87: {  	_ =	shalt  }
.Lfunc_end0:
.L_simem_size_0:
called_computation_lowered:
.L_overlay_start_0:
0x88: {  	s2 =	sld [smem:$0x3FD9]  }
0x89: {  	s3 =	sld [smem:$0x3FFE];
	_ =	sdelay $0x1  }
0x8a: {  	s1 =	srdreg.scid  }
0x8b: {  	s0 =	sand.u32 $0x1, s1  }
0x8c: {  	s17 =	sshll.u32 s0, $0xA;
	s2 =	sadd.s32 s3, s2  }
0x8d: {  	s2 =	sadd.s32 s2, s17  }
0x8e: {  	[smem:$0x3FC3] =	sst s2  }
0x8f: {  	_ = 	snop  }
0x90: {  	s2 =	sld [smem:$0x3FC5]  }
0x91: {  	s18 =	sld [smem:$0x3FD0];
	(tm) =	ssettm $0x1  }
0x92: {  	s4 =	sld [smem:$0x3FFB];
	_ =	sdelay $0x3  }
0x93: {  	_ =	strace s4  }
0x94: {  	s4 =	sld [smem:$0x3FFC];
	_ =	sdelay $0x3  }
0x95: {  	_ =	strace s4  }
0x96: {  	s4 =	sld [smem:$0x3FFD];
	_ =	sdelay $0x3  }
0x97: {  	_ =	strace s4  }
0x98: {  	_ =	strace $0x8FFFFFFF  }
0x99: {  	s19 =	sld [smem:$0x3FDB];
	_ =	sdelay $0x1  }
0x9a: {  	s5 =	simm.s32 $_scs_section_size  }
0x9b: {  	s6 =	simm.s32 $_size__tile_overlayer_lowered;
	s7 =	simm.s32 $_tile_overlayer_lowered  }
0x9c: {  	s22 =	simm.s32 $0x1BFF;
	s21 =	sshll.u32 s7, $0x1;
	s4 =	sadd.s32 s5, s19  }
0x9d: {  	s8 =	simm.s32 $0x0;
	s20 =	sshll.u32 s6, $0x1;
	s6 =	sadd.s32 s21, s4  }
0x9e: {  	[timem:s8], [sflag:s22] =	dma.local [hbm:s6], s20  }
0x9f: {  	_ =	swait.ge [sflag:s22], s20  }
0xa0: {  	s5 =	ssub.s32 $0x0, s20;
	[sflag:s22] =	ssyncset.done $0x0  }
0xa1: {  	[sflag:s22] =	ssyncadd.s32 s5;
	_ =	sdelay $0x1  }
0xa2: {  	s23 =	simm.s32 $0x1B8B  }
0xa3: {  	_ =	swait.ge [sflag:s23], $0x1  }
0xa4: {  	[sflag:s23] =	ssyncset.done $0x0  }
0xa5: {  	s25 =	simm.s32 $0x1B8E;
	s24 =	sld [smem:$0x3FFE];
	[sflag:s23] =	ssyncadd.s32 $0xFFFFFFFF  }
0xa6: {  	s26 =	simm.s32 $execute0_lowered;
	[smem:$0x3FD2] =	sst s25  }
0xa7: {  	s6 =	sshll.u32 s26, $0x1;
	_ =	strace $0x80000046;
	[dreg:$0x1] =	wrdreg $0xFFFFFFFF  }
0xa8: {  	s28 =	simm.s32 $_size_execute0_lowered;
	s4 =	sadd.s32 s4, s6;
	[dreg:$0x0] =	wrdreg $0x0  }
0xa9: {  	s6 =	sshll.u32 s28, $0x1;
	[dreg:$0x2] =	wrdreg s4  }
0xaa: {  	[dreg:$0x3] =	wrdreg s6  }
0xab: {  	[dreg:$0x4] =	wrdreg $0xC0  }
0xac: {  	_ =	task [dreg:s8], $0x5FFFF  }
0xad: {  	[dreg:$0x1] =	wrdreg $0xFFFFFFFF  }
0xae: {  	[dreg:$0x0] =	wrdreg $0x60  }
0xaf: {  	[dreg:$0x2] =	wrdreg s24  }
0xb0: {  	[dreg:$0x3] =	wrdreg s2  }
0xb1: {  	[dreg:$0x4] =	wrdreg s18  }
0xb2: {  	[dreg:$0x5] =	wrdreg $0x9  }
0xb3: {  	_ =	task.clear_ibuf [dreg:s8], $0x6FFFF;
	_ =	strace $0x90000046  }
0xb4: {  	s29 =	simm.s32 $0x9;
	_ =	strace $0x80000048  }
0xb5: {  	_ =	swait.ge [sflag:s29], $0x1  }
0xb6: {  	[sflag:s29] =	ssyncadd.s32 $0xFFFFFFFF  }
0xb7: {  	_ =	strace $0x90000048  }
0xb8: {  	_ =	sfence  }
0xb9: {  	s30 =	sld [smem:$0x0];
	_ =	sdelay $0x2  }
0xba: {  	s31 =	sshll.u32 s1, $0xD;
	s1 =	sshrl.u32 s1, $0x2  }
0xbb: {  	s3 =	sand.u32 $0x4000, s31;
	s1 =	sadd.s32 s1, s30  }
0xbc: {  	s0 =	sor.u32 s3, s0;
	s1 =	sshll.u32 s1, $0x11  }
0xbd: {  	s0 =	sor.u32 s1, s0  }
0xbe: {  	s0 =	sadd.s32 $0x8F2B, s0  }
0xbf: {  	[sflag:s0] =	ssyncadd.remote.s32 $0x1  }
0xc0: {  	_ =	sfence.sel $0xFFFF  }
0xc1: {  	[dreg:$0x0] =	wrdreg $0xFFFFFFFF;
	(pc) =	sbr.abs _section_cstart, $3  }
0xc2: {  	[dreg:$0x1] =	wrdreg $0xFFFFFFFF  }
0xc3: {  	_ =	task.clear_ibuf [dreg:s8], $0x2FFFF;
	_ =	strace $0x9FFFFFFF  }
0xc4: {  	(tm) =	ssettm $0x7FFFFFFF  }
0xc5: {  	_ =	shalt  }
tec
execute0_lowered:
.L_overlay_start_1:
0x0: {  	(tag) =	ssettag $0x1  }
0x1: {  	s0 =	rddreg [dreg:$0x0]  }
0x2: {  	s1 =	rddreg [dreg:$0x1]  }
0x3: {  	s2 =	rddreg [dreg:$0x2];
	s4 =	srdreg.scid  }
0x4: {  	s3 =	simm.s32 $0x0;
	s5 =	stileid.u32;
	s9 =	simm.s32 $0xF000  }
0x5: {  	v18 =	vimm.s32 $0x90;
	v19 =	vimm.s32 $0x98;
	s28 =	simm.s32 $0x5;
	s29 =	simm.s32 $0x2;
	s30 =	simm.s32 $0x6  }
0x6: {  	v20 =	vimm.s32 $0xA0;
	v21 =	vimm.s32 $0xA8;
	v22 =	vimm.s32 $0xB0;
	s31 =	simm.s32 $0x3;
	s10 =	simm.s32 $0x8;
	s11 =	simm.s32 $0x1000  }
0x7: {  	v23 =	vimm.s32 $0xB8;
	v24 =	vimm.s32 $0xC0;
	v25 =	vimm.s32 $0xC8;
	s12 =	simm.s32 $0x8000;
	s13 =	simm.s32 $0xF4C0;
	s14 =	simm.s32 $0x0  }
0x8: {  	v26 =	vimm.s32 $0xD0;
	v27 =	vimm.s32 $0xD8;
	v28 =	vimm.s32 $0xE0;
	s4 =	sand.u32 $0x1, s4;
	[smem:$0x7FF] =	sst s3;
	s5 =	sshll.u32 s5, $0xA  }
0x9: {  	v1 =	vlaneseq.u32;
	v29 =	vimm.s32 $0xE8;
	v30 =	vimm.s32 $0xF0;
	s22 =	sadd.s32 $0xA00, s0;
	s23 =	sadd.s32 $0x6ADA00, s0;
	s6 =	sshll.u32 s4, $0x9  }
0xa: {  	v31 =	vimm.s32 $0xF8;
	v32 =	vimm.s32 $0x100;
	v33 =	vimm.s32 $0x108;
	_ =	strace $0x80000047;
	[dreg:$0x4] =	wrdreg s22;
	s7 =	ssub.s32 $0x2, s4  }
0xb: {  	v34 =	vimm.s32 $0x110;
	v35 =	vimm.s32 $0x118;
	v36 =	vimm.s32 $0x120;
	[dreg:$0x5] =	wrdreg s23;
	s4 =	sadd.s32 $0x75CA00, s0;
	s22 =	simm.s32 $0xF4BC  }
0xc: {  	v37 =	vimm.s32 $0x128;
	v38 =	vimm.s32 $0x130;
	v39 =	vimm.s32 $0x138;
	s23 =	simm.s32 $0xF4BD;
	s5 =	sor.u32 s6, s5;
	s24 =	sshrl.u32 s7, $0x1  }
0xd: {  	v40 =	vimm.s32 $0x140;
	v41 =	vimm.s32 $0x148;
	v42 =	vimm.s32 $0x150;
	s8 =	sadd.s32 s5, s0;
	s25 =	ssub.s32 s7, s24;
	s26 =	sshrl.u32 s5, $0x3  }
0xe: {  	v43 =	vimm.s32 $0x158;
	v44 =	vimm.s32 $0x160;
	v45 =	vimm.s32 $0x168;
	s24 =	simm.s32 $0xF4BE;
	s0 =	simm.s32 $0x7;
	s5 =	sadd.s32 $0x758A00, s8  }
0xf: {  	v46 =	vimm.s32 $0x170;
	v47 =	vimm.s32 $0x178;
	v48 =	vimm.s32 $0x180;
	s6 =	sadd.s32 s2, s26;
	s7 =	smax.u32 s25, $0x1;
	s8 =	simm.s32 $0x9  }
0x10: {  	v49 =	vimm.s32 $0x188;
	v0 =	vmul.u32 $0x8, v1;
	v50 =	vmul.u32 $0x38, v1;
	s25 =	simm.s32 $0xF4BF;
	s26 =	simm.s32 $0x1;
	s2 =	simm.s32 $0x4  }
.LBB2_1:
0x11: {  	[tilespmem:s3], [sflag:$0x9] =	stream.linear.gather [hbm4b:s5+s3], $0x1000, $0x38;
	[tilespmem:$0xF6C0] =	vst v63  }
0x12: {  	_ =	swait.ge [sflag:s8], $0x1000  }
0x13: {  	[sflag:s8] =	ssyncset.done $0x0  }
0x14: {  	[sflag:s8] =	ssyncadd.s32 $0xFFFFF000  }
0x15: {  	[tilespmem:s9], [sflag:$0x9] =	stream.linear.gather [hbm4b:s4+s3], $0x190, $0x38;
	[tilespmem:$0xF6C0] =	vst v63  }
0x16: {  	_ =	swait.ge [sflag:s8], $0x190  }
0x17: {  	[sflag:s8] =	ssyncset.done $0x0  }
0x18: {  	s15 =	simm.s32 $0xF4B0;
	[sflag:s8] =	ssyncadd.s32 $0xFFFFFE70  }
0x19: {  	[tilespmem:s15], [sflag:$0x9] =	stream.linear.gather [hbm4b:s1+s3], $0x1, $0x38;
	[tilespmem:$0xF6C0] =	vst v63  }
0x1a: {  	_ =	swait.ge [sflag:s8], $0x1  }
0x1b: {  	[sflag:s8] =	ssyncset.done $0x0  }
0x1c: {  	s20 =	simm.s32 $0xF4B1;
	[sflag:s8] =	ssyncadd.s32 $0xFFFFFFFF  }
0x1d: {  	[tilespmem:s20], [sflag:$0x9] =	stream.linear.gather [hbm4b:s1+s3], $0x1, $0x38;
	[tilespmem:$0xF6C0] =	vst v63  }
0x1e: {  	_ =	swait.ge [sflag:s8], $0x1  }
0x1f: {  	[sflag:s8] =	ssyncset.done $0x0  }
0x20: {  	s21 =	simm.s32 $0xF4B2;
	[sflag:s8] =	ssyncadd.s32 $0xFFFFFFFF  }
0x21: {  	[tilespmem:s21], [sflag:$0x9] =	stream.linear.gather [hbm4b:s1+s3], $0x1, $0x38;
	[tilespmem:$0xF6C0] =	vst v63  }
0x22: {  	_ =	swait.ge [sflag:s8], $0x1  }
0x23: {  	[sflag:s8] =	ssyncset.done $0x0  }
0x24: {  	s16 =	simm.s32 $0xF4B3;
	[sflag:s8] =	ssyncadd.s32 $0xFFFFFFFF  }
0x25: {  	[tilespmem:s16], [sflag:$0x9] =	stream.linear.gather [hbm4b:s1+s3], $0x1, $0x38;
	[tilespmem:$0xF6C0] =	vst v63  }
0x26: {  	_ =	swait.ge [sflag:s8], $0x1  }
0x27: {  	[sflag:s8] =	ssyncset.done $0x0  }
0x28: {  	s17 =	simm.s32 $0xF4B4;
	[sflag:s8] =	ssyncadd.s32 $0xFFFFFFFF  }
0x29: {  	[tilespmem:s17], [sflag:$0x9] =	stream.linear.gather [hbm4b:s1+s3], $0x1, $0x38;
	[tilespmem:$0xF6C0] =	vst v63  }
0x2a: {  	_ =	swait.ge [sflag:s8], $0x1  }
0x2b: {  	[sflag:s8] =	ssyncset.done $0x0  }
0x2c: {  	s18 =	simm.s32 $0xF4B5;
	[sflag:s8] =	ssyncadd.s32 $0xFFFFFFFF  }
0x2d: {  	[tilespmem:s18], [sflag:$0x9] =	stream.linear.gather [hbm4b:s1+s3], $0x1, $0x38;
	[tilespmem:$0xF6C0] =	vst v63  }
0x2e: {  	_ =	swait.ge [sflag:s8], $0x1  }
0x2f: {  	[sflag:s8] =	ssyncset.done $0x0  }
0x30: {  	s19 =	simm.s32 $0xF4B6;
	[sflag:s8] =	ssyncadd.s32 $0xFFFFFFFF  }
0x31: {  	[tilespmem:s19], [sflag:$0x9] =	stream.linear.gather [hbm4b:s1+s3], $0x1, $0x38;
	[tilespmem:$0xF6C0] =	vst v63  }
0x32: {  	_ =	swait.ge [sflag:s8], $0x1  }
0x33: {  	[sflag:s8] =	ssyncset.done $0x0  }
0x34: {  	s20 =	simm.s32 $0xF4B7;
	[sflag:s8] =	ssyncadd.s32 $0xFFFFFFFF  }
0x35: {  	[tilespmem:s20], [sflag:$0x9] =	stream.linear.gather [hbm4b:s1+s3], $0x1, $0x38;
	[tilespmem:$0xF6C0] =	vst v63  }
0x36: {  	_ =	swait.ge [sflag:s8], $0x1  }
0x37: {  	[sflag:s8] =	ssyncset.done $0x0  }
0x38: {  	s21 =	simm.s32 $0xF4B8;
	[sflag:s8] =	ssyncadd.s32 $0xFFFFFFFF  }
0x39: {  	[tilespmem:s21], [sflag:$0x9] =	stream.linear.gather [hbm4b:s1+s3], $0x1, $0x38;
	[tilespmem:$0xF6C0] =	vst v63  }
0x3a: {  	_ =	swait.ge [sflag:s8], $0x1  }
0x3b: {  	[sflag:s8] =	ssyncset.done $0x0  }
0x3c: {  	s16 =	simm.s32 $0xF4B9;
	[sflag:s8] =	ssyncadd.s32 $0xFFFFFFFF  }
0x3d: {  	[tilespmem:s16], [sflag:$0x9] =	stream.linear.gather [hbm4b:s1+s3], $0x1, $0x38;
	[tilespmem:$0xF6C0] =	vst v63  }
0x3e: {  	_ =	swait.ge [sflag:s8], $0x1  }
0x3f: {  	[sflag:s8] =	ssyncset.done $0x0  }
0x40: {  	s17 =	simm.s32 $0xF4BA;
	[sflag:s8] =	ssyncadd.s32 $0xFFFFFFFF  }
0x41: {  	[tilespmem:s17], [sflag:$0x9] =	stream.linear.gather [hbm4b:s1+s3], $0x1, $0x38;
	[tilespmem:$0xF6C0] =	vst v63  }
0x42: {  	_ =	swait.ge [sflag:s8], $0x1  }
0x43: {  	[sflag:s8] =	ssyncset.done $0x0  }
0x44: {  	s18 =	simm.s32 $0xF4BB;
	[sflag:s8] =	ssyncadd.s32 $0xFFFFFFFF  }
0x45: {  	[tilespmem:s18], [sflag:$0x9] =	stream.linear.gather [hbm4b:s1+s3], $0x1, $0x38;
	[tilespmem:$0xF6C0] =	vst v63  }
0x46: {  	_ =	swait.ge [sflag:s8], $0x1  }
0x47: {  	[sflag:s8] =	ssyncset.done $0x0  }
0x48: {  	[sflag:s8] =	ssyncadd.s32 $0xFFFFFFFF  }
0x49: {  	[tilespmem:s22], [sflag:$0x9] =	stream.linear.gather [hbm4b:s1+s3], $0x1, $0x38;
	[tilespmem:$0xF6C0] =	vst v63  }
0x4a: {  	_ =	swait.ge [sflag:s8], $0x1  }
0x4b: {  	[sflag:s8] =	ssyncset.done $0x0  }
0x4c: {  	[sflag:s8] =	ssyncadd.s32 $0xFFFFFFFF  }
0x4d: {  	[tilespmem:s23], [sflag:$0x9] =	stream.linear.gather [hbm4b:s1+s3], $0x1, $0x38;
	[tilespmem:$0xF6C0] =	vst v63  }
0x4e: {  	_ =	swait.ge [sflag:s8], $0x1  }
0x4f: {  	[sflag:s8] =	ssyncset.done $0x0  }
0x50: {  	[sflag:s8] =	ssyncadd.s32 $0xFFFFFFFF  }
0x51: {  	[tilespmem:s24], [sflag:$0x9] =	stream.linear.gather [hbm4b:s1+s3], $0x1, $0x38;
	[tilespmem:$0xF6C0] =	vst v63  }
0x52: {  	v1 =	vmov s3;
	_ =	swait.ge [sflag:s8], $0x1  }
0x53: {  	v1 =	vshll.u32 v1, $0x3;
	[sflag:s8] =	ssyncset.done $0x0  }
0x54: {  	v1 =	vor.u32 v0, v1;
	[sflag:s8] =	ssyncadd.s32 $0xFFFFFFFF  }
0x55: {  	[tilespmem:s25], [sflag:$0x9] =	stream.linear.gather [hbm4b:s1+s3], $0x1, $0x38;
	[tilespmem:$0xF6C0] =	vst v63  }
0x56: {  	v2 =	vor.u32 $0x1, v1;
	_ =	swait.ge [sflag:s8], $0x1  }
0x57: {  	[sflag:s8] =	ssyncset.done $0x0  }
0x58: {  	[sflag:s8] =	ssyncadd.s32 $0xFFFFFFFF  }
0x59: {  	v1 =	vld.idx.msk [tilespmem:v1+s3+$0x0], $0xffff;
	_ =	sdelay $0x1  }
0x5a: {  	v2 =	vld.idx.msk [tilespmem:v2+s3+$0x0], $0xffff;
	_ =	sdelay $0x2  }
0x5b: {  	v1 =	vmul.u32 $0x38, v1;
	_ =	sdelay $0x1  }
0x5c: {  	s19 =	rddreg [dreg:$0x4];
	v2 =	vmul.u32 $0x38, v2;
	v1 =	vshrl.u32 v1, $0x3  }
0x5d: {  	v1 =	vadd.s32 s19, v1  }
0x5e: {  	s16 =	rddreg [dreg:$0x5];
	v2 =	vshrl.u32 v2, $0x3;
	(v2sf) =	vpush v1, $0x0  }
0x5f: {  	v2 =	vadd.s32 s16, v2  }
0x60: {  	(v2sf) =	vpush v2, $0x0;
	_ =	sdelay $0x1  }
0x61: {  	(v2sf) =	vpush v1, $0x1;
	_ =	sdelay $0x1  }
0x62: {  	(v2sf) =	vpush v2, $0x1;
	_ =	sdelay $0x1  }
0x63: {  	(v2sf) =	vpush v1, $0x2;
	_ =	sdelay $0x1  }
0x64: {  	(v2sf) =	vpush v2, $0x2;
	_ =	sdelay $0x1  }
0x65: {  	(v2sf) =	vpush v1, $0x3;
	_ =	sdelay $0x1  }
0x66: {  	(v2sf) =	vpush v2, $0x3  }
0x67: {  	s20 =	simm.s32 $0x1000;
	s21 =	spop (v2sf)  }
0x68: {  	(v2sf) =	vpush v1, $0x4;
	[tilespmem:s20], [sflag:$0x1] =	stream.linear.gather [hbm4b:s21+s3], $0x38, $0x38;
	[tilespmem:$0xF6C0] =	vst v63  }
0x69: {  	s16 =	simm.s32 $0x8000;
	s17 =	spop (v2sf)  }
0x6a: {  	(v2sf) =	vpush v2, $0x4;
	[tilespmem:s16], [sflag:$0x5] =	stream.linear.gather [hbm4b:s17+s3], $0x38, $0x38;
	[tilespmem:$0xF6C0] =	vst v63  }
0x6b: {  	s18 =	simm.s32 $0x1038;
	s19 =	spop (v2sf)  }
0x6c: {  	(v2sf) =	vpush v1, $0x5;
	[tilespmem:s18], [sflag:$0x2] =	stream.linear.gather [hbm4b:s19+s3], $0x38, $0x38;
	[tilespmem:$0xF6C0] =	vst v63  }
0x6d: {  	s20 =	simm.s32 $0x8038;
	s21 =	spop (v2sf)  }
0x6e: {  	(v2sf) =	vpush v2, $0x5;
	[tilespmem:s20], [sflag:$0x6] =	stream.linear.gather [hbm4b:s21+s3], $0x38, $0x38;
	[tilespmem:$0xF6C0] =	vst v63  }
0x6f: {  	s16 =	simm.s32 $0x1070;
	s17 =	spop (v2sf)  }
0x70: {  	(v2sf) =	vpush v1, $0x6;
	[tilespmem:s16], [sflag:$0x3] =	stream.linear.gather [hbm4b:s17+s3], $0x38, $0x38;
	[tilespmem:$0xF6C0] =	vst v63  }
0x71: {  	s18 =	simm.s32 $0x8070;
	s19 =	spop (v2sf)  }
0x72: {  	(v2sf) =	vpush v2, $0x6;
	[tilespmem:s18], [sflag:$0x7] =	stream.linear.gather [hbm4b:s19+s3], $0x38, $0x38;
	[tilespmem:$0xF6C0] =	vst v63  }
0x73: {  	s20 =	simm.s32 $0x10A8;
	s21 =	spop (v2sf)  }
0x74: {  	(v2sf) =	vpush v1, $0x7;
	[tilespmem:s20], [sflag:$0x4] =	stream.linear.gather [hbm4b:s21+s3], $0x38, $0x38;
	[tilespmem:$0xF6C0] =	vst v63  }
0x75: {  	s16 =	simm.s32 $0x80A8;
	s17 =	spop (v2sf)  }
0x76: {  	(v2sf) =	vpush v2, $0x7;
	[tilespmem:s16], [sflag:$0x8] =	stream.linear.gather [hbm4b:s17+s3], $0x38, $0x38;
	[tilespmem:$0xF6C0] =	vst v63  }
0x77: {  	s18 =	simm.s32 $0x10E0;
	s19 =	spop (v2sf)  }
0x78: {  	(v2sf) =	vpush v1, $0x8;
	[tilespmem:s18], [sflag:$0x1] =	stream.linear.gather [hbm4b:s19+s3], $0x38, $0x38;
	[tilespmem:$0xF6C0] =	vst v63  }
0x79: {  	s20 =	simm.s32 $0x80E0;
	s21 =	spop (v2sf)  }
0x7a: {  	(v2sf) =	vpush v2, $0x8;
	[tilespmem:s20], [sflag:$0x5] =	stream.linear.gather [hbm4b:s21+s3], $0x38, $0x38;
	[tilespmem:$0xF6C0] =	vst v63  }
0x7b: {  	s16 =	simm.s32 $0x1118;
	s17 =	spop (v2sf)  }
0x7c: {  	(v2sf) =	vpush v1, $0x9;
	[tilespmem:s16], [sflag:$0x2] =	stream.linear.gather [hbm4b:s17+s3], $0x38, $0x38;
	[tilespmem:$0xF6C0] =	vst v63  }
0x7d: {  	s18 =	simm.s32 $0x8118;
	s19 =	spop (v2sf)  }
0x7e: {  	(v2sf) =	vpush v2, $0x9;
	[tilespmem:s18], [sflag:$0x6] =	stream.linear.gather [hbm4b:s19+s3], $0x38, $0x38;
	[tilespmem:$0xF6C0] =	vst v63  }
0x7f: {  	s20 =	simm.s32 $0x1150;
	s21 =	spop (v2sf)  }
0x80: {  	(v2sf) =	vpush v1, $0xA;
	[tilespmem:s20], [sflag:$0x3] =	stream.linear.gather [hbm4b:s21+s3], $0x38, $0x38;
	[tilespmem:$0xF6C0] =	vst v63  }
0x81: {  	s16 =	simm.s32 $0x8150;
	s17 =	spop (v2sf)  }
0x82: {  	(v2sf) =	vpush v2, $0xA;
	[tilespmem:s16], [sflag:$0x7] =	stream.linear.gather [hbm4b:s17+s3], $0x38, $0x38;
	[tilespmem:$0xF6C0] =	vst v63  }
0x83: {  	s18 =	simm.s32 $0x1188;
	s19 =	spop (v2sf)  }
0x84: {  	(v2sf) =	vpush v1, $0xB;
	[tilespmem:s18], [sflag:$0x4] =	stream.linear.gather [hbm4b:s19+s3], $0x38, $0x38;
	[tilespmem:$0xF6C0] =	vst v63  }
0x85: {  	s20 =	simm.s32 $0x8188;
	s21 =	spop (v2sf)  }
0x86: {  	(v2sf) =	vpush v2, $0xB;
	[tilespmem:s20], [sflag:$0x8] =	stream.linear.gather [hbm4b:s21+s3], $0x38, $0x38;
	[tilespmem:$0xF6C0] =	vst v63  }
0x87: {  	s16 =	simm.s32 $0x11C0;
	s17 =	spop (v2sf)  }
0x88: {  	(v2sf) =	vpush v1, $0xC;
	[tilespmem:s16], [sflag:$0x1] =	stream.linear.gather [hbm4b:s17+s3], $0x38, $0x38;
	[tilespmem:$0xF6C0] =	vst v63  }
0x89: {  	s18 =	simm.s32 $0x81C0;
	s19 =	spop (v2sf)  }
0x8a: {  	(v2sf) =	vpush v2, $0xC;
	[tilespmem:s18], [sflag:$0x5] =	stream.linear.gather [hbm4b:s19+s3], $0x38, $0x38;
	[tilespmem:$0xF6C0] =	vst v63  }
0x8b: {  	s20 =	simm.s32 $0x11F8;
	s21 =	spop (v2sf)  }
0x8c: {  	(v2sf) =	vpush v1, $0xD;
	[tilespmem:s20], [sflag:$0x2] =	stream.linear.gather [hbm4b:s21+s3], $0x38, $0x38;
	[tilespmem:$0xF6C0] =	vst v63  }
0x8d: {  	s16 =	simm.s32 $0x81F8;
	s17 =	spop (v2sf)  }
0x8e: {  	(v2sf) =	vpush v2, $0xD;
	[tilespmem:s16], [sflag:$0x6] =	stream.linear.gather [hbm4b:s17+s3], $0x38, $0x38;
	[tilespmem:$0xF6C0] =	vst v63  }
0x8f: {  	s18 =	simm.s32 $0x1230;
	s19 =	spop (v2sf)  }
0x90: {  	(v2sf) =	vpush v1, $0xE;
	[tilespmem:s18], [sflag:$0x3] =	stream.linear.gather [hbm4b:s19+s3], $0x38, $0x38;
	[tilespmem:$0xF6C0] =	vst v63  }
0x91: {  	s20 =	simm.s32 $0x8230;
	s21 =	spop (v2sf)  }
0x92: {  	(v2sf) =	vpush v2, $0xE;
	[tilespmem:s20], [sflag:$0x7] =	stream.linear.gather [hbm4b:s21+s3], $0x38, $0x38;
	[tilespmem:$0xF6C0] =	vst v63  }
0x93: {  	s16 =	simm.s32 $0x1268;
	s17 =	spop (v2sf);
	(v2sf) =	vpush v1, $0xF  }
0x94: {  	[tilespmem:s16], [sflag:$0x4] =	stream.linear.gather [hbm4b:s17+s3], $0x38, $0x38;
	[tilespmem:$0xF6C0] =	vst v63  }
0x95: {  	s18 =	simm.s32 $0x8268;
	s19 =	spop (v2sf);
	(v2sf) =	vpush v2, $0xF  }
0x96: {  	[tilespmem:s18], [sflag:$0x8] =	stream.linear.gather [hbm4b:s19+s3], $0x38, $0x38;
	[tilespmem:$0xF6C0] =	vst v63  }
0x97: {  	s20 =	simm.s32 $0x12A0;
	s21 =	spop (v2sf)  }
0x98: {  	[tilespmem:s20], [sflag:$0x1] =	stream.linear.gather [hbm4b:s21+s3], $0x38, $0x38;
	[tilespmem:$0xF6C0] =	vst v63  }
0x99: {  	s16 =	simm.s32 $0x82A0;
	s17 =	spop (v2sf)  }
0x9a: {  	[tilespmem:s16], [sflag:$0x5] =	stream.linear.gather [hbm4b:s17+s3], $0x38, $0x38;
	[tilespmem:$0xF6C0] =	vst v63  }
0x9b: {  	s18 =	simm.s32 $0x12D8;
	s19 =	spop (v2sf)  }
0x9c: {  	[tilespmem:s18], [sflag:$0x2] =	stream.linear.gather [hbm4b:s19+s3], $0x38, $0x38;
	[tilespmem:$0xF6C0] =	vst v63  }
0x9d: {  	s20 =	simm.s32 $0x82D8;
	s21 =	spop (v2sf)  }
0x9e: {  	[tilespmem:s20], [sflag:$0x6] =	stream.linear.gather [hbm4b:s21+s3], $0x38, $0x38;
	[tilespmem:$0xF6C0] =	vst v63  }
0x9f: {  	s17 =	simm.s32 $0x1310;
	s18 =	spop (v2sf)  }
0xa0: {  	[tilespmem:s17], [sflag:$0x3] =	stream.linear.gather [hbm4b:s18+s3], $0x38, $0x38;
	[tilespmem:$0xF6C0] =	vst v63  }
0xa1: {  	s15 =	simm.s32 $0xE00;
	s16 =	simm.s32 $0x10;
	s17 =	spop (v2sf)  }
0xa2: {  	v1 =	vmov s16;
	s19 =	simm.s32 $0x8310;
	s20 =	simm.s32 $0x1348;
	s21 =	spop (v2sf)  }
0xa3: {  	v1 =	vshll.u32 v1, $0x3;
	[tilespmem:s19], [sflag:$0x7] =	stream.linear.gather [hbm4b:s17+s3], $0x38, $0x38;
	[tilespmem:$0xF6C0] =	vst v63  }
0xa4: {  	v2 =	vor.u32 v0, v1;
	s18 =	simm.s32 $0x8348;
	s17 =	simm.s32 $0x1C00;
	s19 =	spop (v2sf)  }
0xa5: {  	v1 =	vor.u32 $0x1, v2;
	[tilespmem:s20], [sflag:$0x4] =	stream.linear.gather [hbm4b:s21+s3], $0x38, $0x38;
	[tilespmem:$0xF6C0] =	vst v63  }
.LBB2_2:
0xa6: {  	_ =	sdelay $0x1  }
0xa7: {  	[tilespmem:s18], [sflag:$0x8] =	stream.linear.gather [hbm4b:s19+s3], $0x38, $0x38;
	[tilespmem:$0xF6C0] =	vst v63  }
0xa8: {  	v2 =	vld.idx.msk [tilespmem:v2+s3+$0x0], $0xffff;
	_ =	sdelay $0x1  }
0xa9: {  	v1 =	vld.idx.msk [tilespmem:v1+s3+$0x0], $0xffff;
	_ =	sdelay $0x2  }
0xaa: {  	v2 =	vmul.u32 $0x38, v2;
	_ =	sdelay $0x1  }
0xab: {  	s21 =	rddreg [dreg:$0x4];
	v1 =	vmul.u32 $0x38, v1;
	v2 =	vshrl.u32 v2, $0x3  }
0xac: {  	v52 =	vadd.s32 s21, v2  }
0xad: {  	s20 =	rddreg [dreg:$0x5];
	v1 =	vshrl.u32 v1, $0x3;
	(v2sf) =	vpush v52, $0x0  }
0xae: {  	v51 =	vadd.s32 s20, v1  }
0xaf: {  	(v2sf) =	vpush v51, $0x0;
	_ =	sdelay $0x1  }
0xb0: {  	(v2sf) =	vpush v52, $0x1;
	_ =	sdelay $0x1  }
0xb1: {  	(v2sf) =	vpush v51, $0x1;
	_ =	sdelay $0x1  }
0xb2: {  	(v2sf) =	vpush v52, $0x2;
	_ =	sdelay $0x1  }
0xb3: {  	(v2sf) =	vpush v51, $0x2;
	_ =	sdelay $0x1  }
0xb4: {  	(v2sf) =	vpush v52, $0x3;
	_ =	sdelay $0x1  }
0xb5: {  	s18 =	sshra.s32 s15, $0x2;
	(v2sf) =	vpush v51, $0x3  }
0xb6: {  	s20 =	sadd.s32 $0x1000, s18;
	s21 =	spop (v2sf)  }
0xb7: {  	(v2sf) =	vpush v52, $0x4;
	[tilespmem:s20], [sflag:$0x1] =	stream.linear.gather [hbm4b:s21+s3], $0x38, $0x38;
	[tilespmem:$0xF6C0] =	vst v63  }
0xb8: {  	s20 =	sadd.s32 $0x8000, s18;
	s21 =	spop (v2sf)  }
0xb9: {  	(v2sf) =	vpush v51, $0x4;
	[tilespmem:s20], [sflag:$0x5] =	stream.linear.gather [hbm4b:s21+s3], $0x38, $0x38;
	[tilespmem:$0xF6C0] =	vst v63  }
0xba: {  	s20 =	sadd.s32 $0x1038, s18;
	s21 =	spop (v2sf)  }
0xbb: {  	(v2sf) =	vpush v52, $0x5;
	[tilespmem:s20], [sflag:$0x2] =	stream.linear.gather [hbm4b:s21+s3], $0x38, $0x38;
	[tilespmem:$0xF6C0] =	vst v63  }
0xbc: {  	s20 =	sadd.s32 $0x8038, s18;
	s21 =	spop (v2sf)  }
0xbd: {  	(v2sf) =	vpush v51, $0x5;
	[tilespmem:s20], [sflag:$0x6] =	stream.linear.gather [hbm4b:s21+s3], $0x38, $0x38;
	[tilespmem:$0xF6C0] =	vst v63  }
0xbe: {  	s20 =	sadd.s32 $0x1070, s18;
	s21 =	spop (v2sf)  }
0xbf: {  	(v2sf) =	vpush v52, $0x6;
	[tilespmem:s20], [sflag:$0x3] =	stream.linear.gather [hbm4b:s21+s3], $0x38, $0x38;
	[tilespmem:$0xF6C0] =	vst v63  }
0xc0: {  	s20 =	sadd.s32 $0x8070, s18;
	s21 =	spop (v2sf)  }
0xc1: {  	(v2sf) =	vpush v51, $0x6;
	[tilespmem:s20], [sflag:$0x7] =	stream.linear.gather [hbm4b:s21+s3], $0x38, $0x38;
	[tilespmem:$0xF6C0] =	vst v63  }
0xc2: {  	s20 =	sadd.s32 $0x10A8, s18;
	s21 =	spop (v2sf)  }
0xc3: {  	(v2sf) =	vpush v52, $0x7;
	[tilespmem:s20], [sflag:$0x4] =	stream.linear.gather [hbm4b:s21+s3], $0x38, $0x38;
	[tilespmem:$0xF6C0] =	vst v63  }
0xc4: {  	s20 =	sadd.s32 $0x80A8, s18;
	s21 =	spop (v2sf)  }
0xc5: {  	(v2sf) =	vpush v51, $0x7;
	[tilespmem:s20], [sflag:$0x8] =	stream.linear.gather [hbm4b:s21+s3], $0x38, $0x38;
	[tilespmem:$0xF6C0] =	vst v63  }
0xc6: {  	s20 =	sadd.s32 $0x10E0, s18;
	s21 =	spop (v2sf)  }
0xc7: {  	(v2sf) =	vpush v52, $0x8;
	[tilespmem:s20], [sflag:$0x1] =	stream.linear.gather [hbm4b:s21+s3], $0x38, $0x38;
	[tilespmem:$0xF6C0] =	vst v63  }
0xc8: {  	s20 =	sadd.s32 $0x80E0, s18;
	s21 =	spop (v2sf)  }
0xc9: {  	(v2sf) =	vpush v51, $0x8;
	[tilespmem:s20], [sflag:$0x5] =	stream.linear.gather [hbm4b:s21+s3], $0x38, $0x38;
	[tilespmem:$0xF6C0] =	vst v63  }
0xca: {  	s20 =	sadd.s32 $0x1118, s18;
	s21 =	spop (v2sf)  }
0xcb: {  	(v2sf) =	vpush v52, $0x9;
	[tilespmem:s20], [sflag:$0x2] =	stream.linear.gather [hbm4b:s21+s3], $0x38, $0x38;
	[tilespmem:$0xF6C0] =	vst v63  }
0xcc: {  	s20 =	sadd.s32 $0x8118, s18;
	s21 =	spop (v2sf)  }
0xcd: {  	(v2sf) =	vpush v51, $0x9;
	[tilespmem:s20], [sflag:$0x6] =	stream.linear.gather [hbm4b:s21+s3], $0x38, $0x38;
	[tilespmem:$0xF6C0] =	vst v63  }
0xce: {  	s20 =	sadd.s32 $0x1150, s18;
	s21 =	spop (v2sf)  }
0xcf: {  	(v2sf) =	vpush v52, $0xA;
	[tilespmem:s20], [sflag:$0x3] =	stream.linear.gather [hbm4b:s21+s3], $0x38, $0x38;
	[tilespmem:$0xF6C0] =	vst v63  }
0xd0: {  	s20 =	sadd.s32 $0x8150, s18;
	s21 =	spop (v2sf)  }
0xd1: {  	(v2sf) =	vpush v51, $0xA;
	[tilespmem:s20], [sflag:$0x7] =	stream.linear.gather [hbm4b:s21+s3], $0x38, $0x38;
	[tilespmem:$0xF6C0] =	vst v63  }
0xd2: {  	s20 =	sadd.s32 $0x1188, s18;
	s21 =	spop (v2sf)  }
0xd3: {  	(v2sf) =	vpush v52, $0xB;
	[tilespmem:s20], [sflag:$0x4] =	stream.linear.gather [hbm4b:s21+s3], $0x38, $0x38;
	[tilespmem:$0xF6C0] =	vst v63  }
0xd4: {  	s20 =	sadd.s32 $0x8188, s18;
	s21 =	spop (v2sf)  }
0xd5: {  	(v2sf) =	vpush v51, $0xB;
	[tilespmem:s20], [sflag:$0x8] =	stream.linear.gather [hbm4b:s21+s3], $0x38, $0x38;
	[tilespmem:$0xF6C0] =	vst v63  }
0xd6: {  	s20 =	sadd.s32 $0x11C0, s18;
	s21 =	spop (v2sf)  }
0xd7: {  	(v2sf) =	vpush v52, $0xC;
	[tilespmem:s20], [sflag:$0x1] =	stream.linear.gather [hbm4b:s21+s3], $0x38, $0x38;
	[tilespmem:$0xF6C0] =	vst v63  }
0xd8: {  	s20 =	sadd.s32 $0x81C0, s18;
	s21 =	spop (v2sf)  }
0xd9: {  	(v2sf) =	vpush v51, $0xC;
	[tilespmem:s20], [sflag:$0x5] =	stream.linear.gather [hbm4b:s21+s3], $0x38, $0x38;
	[tilespmem:$0xF6C0] =	vst v63  }
0xda: {  	s20 =	sadd.s32 $0x11F8, s18;
	s21 =	spop (v2sf)  }
0xdb: {  	(v2sf) =	vpush v52, $0xD;
	[tilespmem:s20], [sflag:$0x2] =	stream.linear.gather [hbm4b:s21+s3], $0x38, $0x38;
	[tilespmem:$0xF6C0] =	vst v63  }
0xdc: {  	s20 =	sadd.s32 $0x81F8, s18;
	s21 =	spop (v2sf)  }
0xdd: {  	(v2sf) =	vpush v51, $0xD;
	[tilespmem:s20], [sflag:$0x6] =	stream.linear.gather [hbm4b:s21+s3], $0x38, $0x38;
	[tilespmem:$0xF6C0] =	vst v63  }
0xde: {  	s20 =	sadd.s32 $0x1230, s18;
	s21 =	spop (v2sf)  }
0xdf: {  	(v2sf) =	vpush v52, $0xE;
	[tilespmem:s20], [sflag:$0x3] =	stream.linear.gather [hbm4b:s21+s3], $0x38, $0x38;
	[tilespmem:$0xF6C0] =	vst v63  }
0xe0: {  	s20 =	sadd.s32 $0x8230, s18;
	s21 =	spop (v2sf)  }
0xe1: {  	(v2sf) =	vpush v51, $0xE;
	[tilespmem:s20], [sflag:$0x7] =	stream.linear.gather [hbm4b:s21+s3], $0x38, $0x38;
	[tilespmem:$0xF6C0] =	vst v63  }
0xe2: {  	s20 =	sadd.s32 $0x1268, s18;
	s21 =	spop (v2sf)  }
0xe3: {  	(v2sf) =	vpush v52, $0xF;
	[tilespmem:s20], [sflag:$0x4] =	stream.linear.gather [hbm4b:s21+s3], $0x38, $0x38;
	[tilespmem:$0xF6C0] =	vst v63  }
0xe4: {  	s20 =	sadd.s32 $0x8268, s18;
	s21 =	spop (v2sf);
	(v2sf) =	vpush v51, $0xF  }
0xe5: {  	[tilespmem:s20], [sflag:$0x8] =	stream.linear.gather [hbm4b:s21+s3], $0x38, $0x38;
	[tilespmem:$0xF6C0] =	vst v63  }
0xe6: {  	s20 =	sadd.s32 $0x12A0, s18;
	s21 =	spop (v2sf)  }
0xe7: {  	[tilespmem:s20], [sflag:$0x1] =	stream.linear.gather [hbm4b:s21+s3], $0x38, $0x38;
	[tilespmem:$0xF6C0] =	vst v63  }
0xe8: {  	s20 =	sadd.s32 $0x82A0, s18;
	s21 =	spop (v2sf)  }
0xe9: {  	[tilespmem:s20], [sflag:$0x5] =	stream.linear.gather [hbm4b:s21+s3], $0x38, $0x38;
	[tilespmem:$0xF6C0] =	vst v63  }
0xea: {  	p0 =	sne.s32 s17, $0x1B200;
	s20 =	sadd.s32 $0x12D8, s18;
	s21 =	spop (v2sf)  }
0xeb: {  	[tilespmem:s20], [sflag:$0x2] =	stream.linear.gather [hbm4b:s21+s3], $0x38, $0x38;
	[tilespmem:$0xF6C0] =	vst v63  }
0xec: {  	s19 =	smov.u32 s17;
	s20 =	sadd.s32 $0x82D8, s18;
	s21 =	spop (v2sf)  }
0xed: {  	[tilespmem:s20], [sflag:$0x6] =	stream.linear.gather [hbm4b:s21+s3], $0x38, $0x38;
	[tilespmem:$0xF6C0] =	vst v63  }
0xee: {  	s16 =	sadd.s32 $0x10, s16;
	s20 =	sadd.s32 $0x1310, s18;
	s21 =	spop (v2sf)  }
0xef: {  	[tilespmem:s20], [sflag:$0x3] =	stream.linear.gather [hbm4b:s21+s3], $0x38, $0x38;
	[tilespmem:$0xF6C0] =	vst v63  }
.Ltmp0:
0xf0: {  	s20 =	sadd.s32 $0x8310, s18;
	s21 =	spop (v2sf);
	(pc) =	sbr.rel @p0 .LBB2_2-.Ltmp0, $4  }
0xf1: {  	v1 =	vmov s16;
	[tilespmem:s20], [sflag:$0x7] =	stream.linear.gather [hbm4b:s21+s3], $0x38, $0x38;
	[tilespmem:$0xF6C0] =	vst v63  }
0xf2: {  	s17 =	sadd.s32 $0xE00, s17;
	s15 =	smov.u32 s19;
	v1 =	vshll.u32 v1, $0x3;
	s21 =	spop (v2sf)  }
0xf3: {  	v2 =	vor.u32 v0, v1;
	s20 =	sadd.s32 $0x1348, s18;
	s18 =	sadd.s32 $0x8348, s18;
	s19 =	spop (v2sf)  }
0xf4: {  	v1 =	vor.u32 $0x1, v2;
	[tilespmem:s20], [sflag:$0x4] =	stream.linear.gather [hbm4b:s21+s3], $0x38, $0x38;
	[tilespmem:$0xF6C0] =	vst v63  }
0xf5: {  	_ =	sdelay $0x2  }
0xf6: {  	[tilespmem:s18], [sflag:$0x8] =	stream.linear.gather [hbm4b:s19+s3], $0x38, $0x38;
	[tilespmem:$0xF6C0] =	vst v63  }
0xf7: {  	v2 =	vld.idx.msk [tilespmem:v2+s3+$0x0], $0xffff;
	_ =	sdelay $0x1  }
0xf8: {  	v1 =	vld.idx.msk [tilespmem:v1+s3+$0x0], $0xffff;
	_ =	sdelay $0x2  }
0xf9: {  	v2 =	vmul.u32 $0x38, v2;
	_ =	sdelay $0x1  }
0xfa: {  	s16 =	rddreg [dreg:$0x4];
	v1 =	vmul.u32 $0x38, v1;
	v2 =	vshrl.u32 v2, $0x3  }
0xfb: {  	v2 =	vadd.s32 s16, v2  }
0xfc: {  	s17 =	rddreg [dreg:$0x5];
	v1 =	vshrl.u32 v1, $0x3;
	(v2sf) =	vpush v2, $0x0  }
0xfd: {  	v1 =	vadd.s32 s17, v1  }
0xfe: {  	(v2sf) =	vpush v1, $0x0;
	_ =	sdelay $0x1  }
0xff: {  	(v2sf) =	vpush v2, $0x1;
	_ =	sdelay $0x1  }
0x100: {  	(v2sf) =	vpush v1, $0x1;
	_ =	sdelay $0x1  }
0x101: {  	(v2sf) =	vpush v2, $0x2;
	_ =	sdelay $0x1  }
0x102: {  	(v2sf) =	vpush v1, $0x2;
	_ =	sdelay $0x1  }
0x103: {  	(v2sf) =	vpush v2, $0x3;
	_ =	sdelay $0x1  }
0x104: {  	s15 =	sshra.s32 s15, $0x2;
	(v2sf) =	vpush v1, $0x3  }
0x105: {  	s20 =	sadd.s32 $0x1000, s15;
	s21 =	spop (v2sf)  }
0x106: {  	(v2sf) =	vpush v2, $0x4;
	[tilespmem:s20], [sflag:$0x1] =	stream.linear.gather [hbm4b:s21+s3], $0x38, $0x38;
	[tilespmem:$0xF6C0] =	vst v63  }
0x107: {  	s18 =	sadd.s32 $0x8000, s15;
	s19 =	spop (v2sf)  }
0x108: {  	(v2sf) =	vpush v1, $0x4;
	[tilespmem:s18], [sflag:$0x5] =	stream.linear.gather [hbm4b:s19+s3], $0x38, $0x38;
	[tilespmem:$0xF6C0] =	vst v63  }
0x109: {  	s20 =	sadd.s32 $0x1038, s15;
	s21 =	spop (v2sf)  }
0x10a: {  	(v2sf) =	vpush v2, $0x5;
	[tilespmem:s20], [sflag:$0x2] =	stream.linear.gather [hbm4b:s21+s3], $0x38, $0x38;
	[tilespmem:$0xF6C0] =	vst v63  }
0x10b: {  	s18 =	sadd.s32 $0x8038, s15;
	s19 =	spop (v2sf)  }
0x10c: {  	(v2sf) =	vpush v1, $0x5;
	[tilespmem:s18], [sflag:$0x6] =	stream.linear.gather [hbm4b:s19+s3], $0x38, $0x38;
	[tilespmem:$0xF6C0] =	vst v63  }
0x10d: {  	s20 =	sadd.s32 $0x1070, s15;
	s21 =	spop (v2sf)  }
0x10e: {  	(v2sf) =	vpush v2, $0x6;
	[tilespmem:s20], [sflag:$0x3] =	stream.linear.gather [hbm4b:s21+s3], $0x38, $0x38;
	[tilespmem:$0xF6C0] =	vst v63  }
0x10f: {  	s18 =	sadd.s32 $0x8070, s15;
	s19 =	spop (v2sf)  }
0x110: {  	(v2sf) =	vpush v1, $0x6;
	[tilespmem:s18], [sflag:$0x7] =	stream.linear.gather [hbm4b:s19+s3], $0x38, $0x38;
	[tilespmem:$0xF6C0] =	vst v63  }
0x111: {  	s20 =	sadd.s32 $0x10A8, s15;
	s21 =	spop (v2sf)  }
0x112: {  	(v2sf) =	vpush v2, $0x7;
	[tilespmem:s20], [sflag:$0x4] =	stream.linear.gather [hbm4b:s21+s3], $0x38, $0x38;
	[tilespmem:$0xF6C0] =	vst v63  }
0x113: {  	s18 =	sadd.s32 $0x80A8, s15;
	s19 =	spop (v2sf)  }
0x114: {  	(v2sf) =	vpush v1, $0x7;
	[tilespmem:s18], [sflag:$0x8] =	stream.linear.gather [hbm4b:s19+s3], $0x38, $0x38;
	[tilespmem:$0xF6C0] =	vst v63  }
0x115: {  	s20 =	sadd.s32 $0x10E0, s15;
	s21 =	spop (v2sf)  }
0x116: {  	(v2sf) =	vpush v2, $0x8;
	[tilespmem:s20], [sflag:$0x1] =	stream.linear.gather [hbm4b:s21+s3], $0x38, $0x38;
	[tilespmem:$0xF6C0] =	vst v63  }
0x117: {  	s18 =	sadd.s32 $0x80E0, s15;
	s19 =	spop (v2sf)  }
0x118: {  	(v2sf) =	vpush v1, $0x8;
	[tilespmem:s18], [sflag:$0x5] =	stream.linear.gather [hbm4b:s19+s3], $0x38, $0x38;
	[tilespmem:$0xF6C0] =	vst v63  }
0x119: {  	s20 =	sadd.s32 $0x1118, s15;
	s21 =	spop (v2sf)  }
0x11a: {  	(v2sf) =	vpush v2, $0x9;
	[tilespmem:s20], [sflag:$0x2] =	stream.linear.gather [hbm4b:s21+s3], $0x38, $0x38;
	[tilespmem:$0xF6C0] =	vst v63  }
0x11b: {  	s18 =	sadd.s32 $0x8118, s15;
	s19 =	spop (v2sf)  }
0x11c: {  	(v2sf) =	vpush v1, $0x9;
	[tilespmem:s18], [sflag:$0x6] =	stream.linear.gather [hbm4b:s19+s3], $0x38, $0x38;
	[tilespmem:$0xF6C0] =	vst v63  }
0x11d: {  	s20 =	sadd.s32 $0x1150, s15;
	s21 =	spop (v2sf)  }
0x11e: {  	(v2sf) =	vpush v2, $0xA;
	[tilespmem:s20], [sflag:$0x3] =	stream.linear.gather [hbm4b:s21+s3], $0x38, $0x38;
	[tilespmem:$0xF6C0] =	vst v63  }
0x11f: {  	s18 =	sadd.s32 $0x8150, s15;
	s19 =	spop (v2sf)  }
0x120: {  	(v2sf) =	vpush v1, $0xA;
	[tilespmem:s18], [sflag:$0x7] =	stream.linear.gather [hbm4b:s19+s3], $0x38, $0x38;
	[tilespmem:$0xF6C0] =	vst v63  }
0x121: {  	s20 =	sadd.s32 $0x1188, s15;
	s21 =	spop (v2sf)  }
0x122: {  	(v2sf) =	vpush v2, $0xB;
	[tilespmem:s20], [sflag:$0x4] =	stream.linear.gather [hbm4b:s21+s3], $0x38, $0x38;
	[tilespmem:$0xF6C0] =	vst v63  }
0x123: {  	s18 =	sadd.s32 $0x8188, s15;
	s19 =	spop (v2sf)  }
0x124: {  	(v2sf) =	vpush v1, $0xB;
	[tilespmem:s18], [sflag:$0x8] =	stream.linear.gather [hbm4b:s19+s3], $0x38, $0x38;
	[tilespmem:$0xF6C0] =	vst v63  }
0x125: {  	s20 =	sadd.s32 $0x11C0, s15;
	s21 =	spop (v2sf)  }
0x126: {  	(v2sf) =	vpush v2, $0xC;
	[tilespmem:s20], [sflag:$0x1] =	stream.linear.gather [hbm4b:s21+s3], $0x38, $0x38;
	[tilespmem:$0xF6C0] =	vst v63  }
0x127: {  	s18 =	sadd.s32 $0x81C0, s15;
	s19 =	spop (v2sf)  }
0x128: {  	(v2sf) =	vpush v1, $0xC;
	[tilespmem:s18], [sflag:$0x5] =	stream.linear.gather [hbm4b:s19+s3], $0x38, $0x38;
	[tilespmem:$0xF6C0] =	vst v63  }
0x129: {  	s20 =	sadd.s32 $0x11F8, s15;
	s21 =	spop (v2sf)  }
0x12a: {  	(v2sf) =	vpush v2, $0xD;
	[tilespmem:s20], [sflag:$0x2] =	stream.linear.gather [hbm4b:s21+s3], $0x38, $0x38;
	[tilespmem:$0xF6C0] =	vst v63  }
0x12b: {  	s18 =	sadd.s32 $0x81F8, s15;
	s19 =	spop (v2sf)  }
0x12c: {  	(v2sf) =	vpush v1, $0xD;
	[tilespmem:s18], [sflag:$0x6] =	stream.linear.gather [hbm4b:s19+s3], $0x38, $0x38;
	[tilespmem:$0xF6C0] =	vst v63  }
0x12d: {  	s20 =	sadd.s32 $0x1230, s15;
	s21 =	spop (v2sf)  }
0x12e: {  	(v2sf) =	vpush v2, $0xE;
	[tilespmem:s20], [sflag:$0x3] =	stream.linear.gather [hbm4b:s21+s3], $0x38, $0x38;
	[tilespmem:$0xF6C0] =	vst v63  }
0x12f: {  	s18 =	sadd.s32 $0x8230, s15;
	s19 =	spop (v2sf)  }
0x130: {  	(v2sf) =	vpush v1, $0xE;
	[tilespmem:s18], [sflag:$0x7] =	stream.linear.gather [hbm4b:s19+s3], $0x38, $0x38;
	[tilespmem:$0xF6C0] =	vst v63  }
0x131: {  	s20 =	sadd.s32 $0x1268, s15;
	s21 =	spop (v2sf)  }
0x132: {  	(v2sf) =	vpush v2, $0xF;
	[tilespmem:s20], [sflag:$0x4] =	stream.linear.gather [hbm4b:s21+s3], $0x38, $0x38;
	[tilespmem:$0xF6C0] =	vst v63  }
0x133: {  	s18 =	sadd.s32 $0x8268, s15;
	s19 =	spop (v2sf)  }
0x134: {  	(v2sf) =	vpush v1, $0xF;
	[tilespmem:s18], [sflag:$0x8] =	stream.linear.gather [hbm4b:s19+s3], $0x38, $0x38;
	[tilespmem:$0xF6C0] =	vst v63  }
0x135: {  	s20 =	sadd.s32 $0x12A0, s15;
	s21 =	spop (v2sf)  }
0x136: {  	[tilespmem:s20], [sflag:$0x1] =	stream.linear.gather [hbm4b:s21+s3], $0x38, $0x38;
	[tilespmem:$0xF6C0] =	vst v63  }
0x137: {  	s18 =	sadd.s32 $0x82A0, s15;
	s19 =	spop (v2sf)  }
0x138: {  	[tilespmem:s18], [sflag:$0x5] =	stream.linear.gather [hbm4b:s19+s3], $0x38, $0x38;
	[tilespmem:$0xF6C0] =	vst v63  }
0x139: {  	s20 =	sadd.s32 $0x12D8, s15;
	s21 =	spop (v2sf)  }
0x13a: {  	[tilespmem:s20], [sflag:$0x2] =	stream.linear.gather [hbm4b:s21+s3], $0x38, $0x38;
	[tilespmem:$0xF6C0] =	vst v63  }
0x13b: {  	s18 =	sadd.s32 $0x82D8, s15;
	s19 =	spop (v2sf)  }
0x13c: {  	[tilespmem:s18], [sflag:$0x6] =	stream.linear.gather [hbm4b:s19+s3], $0x38, $0x38;
	[tilespmem:$0xF6C0] =	vst v63  }
0x13d: {  	s20 =	sadd.s32 $0x1310, s15;
	s21 =	spop (v2sf)  }
0x13e: {  	[tilespmem:s20], [sflag:$0x3] =	stream.linear.gather [hbm4b:s21+s3], $0x38, $0x38;
	[tilespmem:$0xF6C0] =	vst v63  }
0x13f: {  	s17 =	sadd.s32 $0x8310, s15;
	s18 =	spop (v2sf)  }
0x140: {  	[tilespmem:s17], [sflag:$0x7] =	stream.linear.gather [hbm4b:s18+s3], $0x38, $0x38;
	[tilespmem:$0xF6C0] =	vst v63  }
0x141: {  	s19 =	sadd.s32 $0x1348, s15;
	s20 =	spop (v2sf)  }
0x142: {  	[tilespmem:s19], [sflag:$0x4] =	stream.linear.gather [hbm4b:s20+s3], $0x38, $0x38;
	[tilespmem:$0xF6C0] =	vst v63  }
0x143: {  	s15 =	sadd.s32 $0x8348, s15;
	s21 =	spop (v2sf)  }
0x144: {  	[tilespmem:s15], [sflag:$0x8] =	stream.linear.gather [hbm4b:s21+s3], $0x38, $0x38;
	[tilespmem:$0xF6C0] =	vst v63  }
0x145: {  	v1 =	vld.msk [tilespmem:s9+$0x0], $0xffff;
	_ =	sdelay $0x4  }
0x146: {  	[tilespmem:$0xF190] =	vst v1;
	v1 =	vimm.s32 $0x8;
	_ =	sdelay $0x4  }
0x147: {  	v1 =	vld.idx.msk [tilespmem:v1+s9+$0x0], $0xffff;
	_ =	sdelay $0x4  }
0x148: {  	[tilespmem:$0xF1A0] =	vst v1;
	v1 =	vimm.s32 $0x10;
	_ =	sdelay $0x4  }
0x149: {  	v1 =	vld.idx.msk [tilespmem:v1+s9+$0x0], $0xffff;
	_ =	sdelay $0x4  }
0x14a: {  	[tilespmem:$0xF1B0] =	vst v1;
	v1 =	vimm.s32 $0x18;
	_ =	sdelay $0x4  }
0x14b: {  	v1 =	vld.idx.msk [tilespmem:v1+s9+$0x0], $0xffff;
	_ =	sdelay $0x4  }
0x14c: {  	[tilespmem:$0xF1C0] =	vst v1;
	v1 =	vimm.s32 $0x20;
	_ =	sdelay $0x4  }
0x14d: {  	v1 =	vld.idx.msk [tilespmem:v1+s9+$0x0], $0xffff;
	_ =	sdelay $0x4  }
0x14e: {  	[tilespmem:$0xF1D0] =	vst v1;
	v1 =	vimm.s32 $0x28;
	_ =	sdelay $0x4  }
0x14f: {  	v1 =	vld.idx.msk [tilespmem:v1+s9+$0x0], $0xffff;
	_ =	sdelay $0x4  }
0x150: {  	[tilespmem:$0xF1E0] =	vst v1;
	v1 =	vimm.s32 $0x30;
	_ =	sdelay $0x4  }
0x151: {  	v1 =	vld.idx.msk [tilespmem:v1+s9+$0x0], $0xffff;
	_ =	sdelay $0x4  }
0x152: {  	[tilespmem:$0xF1F0] =	vst v1;
	v1 =	vimm.s32 $0x38;
	_ =	sdelay $0x4  }
0x153: {  	v1 =	vld.idx.msk [tilespmem:v1+s9+$0x0], $0xffff;
	_ =	sdelay $0x4  }
0x154: {  	[tilespmem:$0xF200] =	vst v1;
	v1 =	vimm.s32 $0x40;
	_ =	sdelay $0x4  }
0x155: {  	v1 =	vld.idx.msk [tilespmem:v1+s9+$0x0], $0xffff;
	_ =	sdelay $0x4  }
0x156: {  	[tilespmem:$0xF210] =	vst v1;
	v1 =	vimm.s32 $0x48;
	_ =	sdelay $0x4  }
0x157: {  	v1 =	vld.idx.msk [tilespmem:v1+s9+$0x0], $0xffff;
	_ =	sdelay $0x4  }
0x158: {  	[tilespmem:$0xF220] =	vst v1;
	v1 =	vimm.s32 $0x50;
	_ =	sdelay $0x4  }
0x159: {  	v1 =	vld.idx.msk [tilespmem:v1+s9+$0x0], $0xffff;
	_ =	sdelay $0x4  }
0x15a: {  	[tilespmem:$0xF230] =	vst v1;
	v1 =	vimm.s32 $0x58;
	_ =	sdelay $0x4  }
0x15b: {  	v1 =	vld.idx.msk [tilespmem:v1+s9+$0x0], $0xffff;
	_ =	sdelay $0x4  }
0x15c: {  	[tilespmem:$0xF240] =	vst v1;
	v1 =	vimm.s32 $0x60;
	_ =	sdelay $0x4  }
0x15d: {  	v1 =	vld.idx.msk [tilespmem:v1+s9+$0x0], $0xffff;
	_ =	sdelay $0x4  }
0x15e: {  	[tilespmem:$0xF250] =	vst v1;
	v1 =	vimm.s32 $0x68;
	_ =	sdelay $0x4  }
0x15f: {  	v1 =	vld.idx.msk [tilespmem:v1+s9+$0x0], $0xffff;
	_ =	sdelay $0x4  }
0x160: {  	[tilespmem:$0xF260] =	vst v1;
	v1 =	vimm.s32 $0x70;
	_ =	sdelay $0x4  }
0x161: {  	v1 =	vld.idx.msk [tilespmem:v1+s9+$0x0], $0xffff;
	_ =	sdelay $0x4  }
0x162: {  	[tilespmem:$0xF270] =	vst v1;
	v1 =	vimm.s32 $0x78;
	_ =	sdelay $0x4  }
0x163: {  	v1 =	vld.idx.msk [tilespmem:v1+s9+$0x0], $0xffff;
	_ =	sdelay $0x4  }
0x164: {  	[tilespmem:$0xF280] =	vst v1;
	v1 =	vimm.s32 $0x80;
	_ =	sdelay $0x4  }
0x165: {  	v1 =	vld.idx.msk [tilespmem:v1+s9+$0x0], $0xffff;
	_ =	sdelay $0x4  }
0x166: {  	[tilespmem:$0xF290] =	vst v1;
	v1 =	vimm.s32 $0x88;
	_ =	sdelay $0x4  }
0x167: {  	v1 =	vld.idx.msk [tilespmem:v1+s9+$0x0], $0xffff;
	_ =	sdelay $0x4  }
0x168: {  	[tilespmem:$0xF2A0] =	vst v1  }
0x169: {  	v1 =	vld.idx.msk [tilespmem:v18+s9+$0x0], $0xffff;
	_ =	sdelay $0x4  }
0x16a: {  	[tilespmem:$0xF2B0] =	vst v1  }
0x16b: {  	v1 =	vld.idx.msk [tilespmem:v19+s9+$0x0], $0xffff;
	_ =	sdelay $0x4  }
0x16c: {  	[tilespmem:$0xF2C0] =	vst v1  }
0x16d: {  	v1 =	vld.idx.msk [tilespmem:v20+s9+$0x0], $0xffff;
	_ =	sdelay $0x4  }
0x16e: {  	[tilespmem:$0xF2D0] =	vst v1  }
0x16f: {  	v1 =	vld.idx.msk [tilespmem:v21+s9+$0x0], $0xffff;
	_ =	sdelay $0x4  }
0x170: {  	[tilespmem:$0xF2E0] =	vst v1  }
0x171: {  	v1 =	vld.idx.msk [tilespmem:v22+s9+$0x0], $0xffff;
	_ =	sdelay $0x4  }
0x172: {  	[tilespmem:$0xF2F0] =	vst v1  }
0x173: {  	v1 =	vld.idx.msk [tilespmem:v23+s9+$0x0], $0xffff;
	_ =	sdelay $0x4  }
0x174: {  	[tilespmem:$0xF300] =	vst v1  }
0x175: {  	v1 =	vld.idx.msk [tilespmem:v24+s9+$0x0], $0xffff;
	_ =	sdelay $0x4  }
0x176: {  	[tilespmem:$0xF310] =	vst v1  }
0x177: {  	v1 =	vld.idx.msk [tilespmem:v25+s9+$0x0], $0xffff;
	_ =	sdelay $0x4  }
0x178: {  	[tilespmem:$0xF320] =	vst v1  }
0x179: {  	v1 =	vld.idx.msk [tilespmem:v26+s9+$0x0], $0xffff;
	_ =	sdelay $0x4  }
0x17a: {  	[tilespmem:$0xF330] =	vst v1  }
0x17b: {  	v1 =	vld.idx.msk [tilespmem:v27+s9+$0x0], $0xffff;
	_ =	sdelay $0x4  }
0x17c: {  	[tilespmem:$0xF340] =	vst v1  }
0x17d: {  	v1 =	vld.idx.msk [tilespmem:v28+s9+$0x0], $0xffff;
	_ =	sdelay $0x4  }
0x17e: {  	[tilespmem:$0xF350] =	vst v1  }
0x17f: {  	v1 =	vld.idx.msk [tilespmem:v29+s9+$0x0], $0xffff;
	_ =	sdelay $0x4  }
0x180: {  	[tilespmem:$0xF360] =	vst v1  }
0x181: {  	v1 =	vld.idx.msk [tilespmem:v30+s9+$0x0], $0xffff;
	_ =	sdelay $0x4  }
0x182: {  	[tilespmem:$0xF370] =	vst v1  }
0x183: {  	v1 =	vld.idx.msk [tilespmem:v31+s9+$0x0], $0xffff;
	_ =	sdelay $0x4  }
0x184: {  	[tilespmem:$0xF380] =	vst v1  }
0x185: {  	v1 =	vld.idx.msk [tilespmem:v32+s9+$0x0], $0xffff;
	_ =	sdelay $0x4  }
0x186: {  	[tilespmem:$0xF390] =	vst v1  }
0x187: {  	v1 =	vld.idx.msk [tilespmem:v33+s9+$0x0], $0xffff;
	_ =	sdelay $0x4  }
0x188: {  	[tilespmem:$0xF3A0] =	vst v1  }
0x189: {  	v1 =	vld.idx.msk [tilespmem:v34+s9+$0x0], $0xffff;
	_ =	sdelay $0x4  }
0x18a: {  	[tilespmem:$0xF3B0] =	vst v1  }
0x18b: {  	v1 =	vld.idx.msk [tilespmem:v35+s9+$0x0], $0xffff;
	_ =	sdelay $0x4  }
0x18c: {  	[tilespmem:$0xF3C0] =	vst v1  }
0x18d: {  	v1 =	vld.idx.msk [tilespmem:v36+s9+$0x0], $0xffff;
	_ =	sdelay $0x4  }
0x18e: {  	[tilespmem:$0xF3D0] =	vst v1  }
0x18f: {  	v1 =	vld.idx.msk [tilespmem:v37+s9+$0x0], $0xffff;
	_ =	sdelay $0x4  }
0x190: {  	[tilespmem:$0xF3E0] =	vst v1  }
0x191: {  	v1 =	vld.idx.msk [tilespmem:v38+s9+$0x0], $0xffff;
	_ =	sdelay $0x4  }
0x192: {  	[tilespmem:$0xF3F0] =	vst v1  }
0x193: {  	v1 =	vld.idx.msk [tilespmem:v39+s9+$0x0], $0xffff;
	_ =	sdelay $0x4  }
0x194: {  	[tilespmem:$0xF400] =	vst v1  }
0x195: {  	v1 =	vld.idx.msk [tilespmem:v40+s9+$0x0], $0xffff;
	_ =	sdelay $0x4  }
0x196: {  	[tilespmem:$0xF410] =	vst v1  }
0x197: {  	v1 =	vld.idx.msk [tilespmem:v41+s9+$0x0], $0xffff;
	_ =	sdelay $0x4  }
0x198: {  	[tilespmem:$0xF420] =	vst v1  }
0x199: {  	v1 =	vld.idx.msk [tilespmem:v42+s9+$0x0], $0xffff;
	_ =	sdelay $0x4  }
0x19a: {  	[tilespmem:$0xF430] =	vst v1  }
0x19b: {  	v1 =	vld.idx.msk [tilespmem:v43+s9+$0x0], $0xffff;
	_ =	sdelay $0x4  }
0x19c: {  	[tilespmem:$0xF440] =	vst v1  }
0x19d: {  	v1 =	vld.idx.msk [tilespmem:v44+s9+$0x0], $0xffff;
	_ =	sdelay $0x4  }
0x19e: {  	[tilespmem:$0xF450] =	vst v1  }
0x19f: {  	v1 =	vld.idx.msk [tilespmem:v45+s9+$0x0], $0xffff;
	_ =	sdelay $0x4  }
0x1a0: {  	[tilespmem:$0xF460] =	vst v1  }
0x1a1: {  	v1 =	vld.idx.msk [tilespmem:v46+s9+$0x0], $0xffff;
	_ =	sdelay $0x4  }
0x1a2: {  	[tilespmem:$0xF470] =	vst v1  }
0x1a3: {  	v1 =	vld.idx.msk [tilespmem:v47+s9+$0x0], $0xffff;
	_ =	sdelay $0x4  }
0x1a4: {  	[tilespmem:$0xF480] =	vst v1  }
0x1a5: {  	v1 =	vld.idx.msk [tilespmem:v48+s9+$0x0], $0xffff;
	_ =	sdelay $0x4  }
0x1a6: {  	[tilespmem:$0xF490] =	vst v1  }
0x1a7: {  	v1 =	vld.idx.msk [tilespmem:v49+s9+$0x0], $0xffff;
	_ =	sdelay $0x4  }
0x1a8: {  	[tilespmem:$0xF4A0] =	vst v1  }
0x1a9: {  	_ =	swait.ge [sflag:s26], $0x1C00  }
0x1aa: {  	[sflag:s26] =	ssyncset.done $0x0  }
0x1ab: {  	[sflag:s26] =	ssyncadd.s32 $0xFFFFE400  }
0x1ac: {  	_ =	swait.ge [sflag:s28], $0x1C00  }
0x1ad: {  	[sflag:s28] =	ssyncset.done $0x0  }
0x1ae: {  	[sflag:s28] =	ssyncadd.s32 $0xFFFFE400  }
0x1af: {  	_ =	swait.ge [sflag:s29], $0x1C00  }
0x1b0: {  	[sflag:s29] =	ssyncset.done $0x0  }
0x1b1: {  	[sflag:s29] =	ssyncadd.s32 $0xFFFFE400  }
0x1b2: {  	_ =	swait.ge [sflag:s30], $0x1C00  }
0x1b3: {  	[sflag:s30] =	ssyncset.done $0x0  }
0x1b4: {  	[sflag:s30] =	ssyncadd.s32 $0xFFFFE400  }
0x1b5: {  	_ =	swait.ge [sflag:s31], $0x1C00  }
0x1b6: {  	[sflag:s31] =	ssyncset.done $0x0  }
0x1b7: {  	[sflag:s31] =	ssyncadd.s32 $0xFFFFE400  }
0x1b8: {  	_ =	swait.ge [sflag:s0], $0x1C00  }
0x1b9: {  	[sflag:s0] =	ssyncset.done $0x0  }
0x1ba: {  	[sflag:s0] =	ssyncadd.s32 $0xFFFFE400  }
0x1bb: {  	_ =	swait.ge [sflag:s2], $0x1C00  }
0x1bc: {  	[sflag:s2] =	ssyncset.done $0x0  }
0x1bd: {  	[sflag:s2] =	ssyncadd.s32 $0xFFFFE400  }
0x1be: {  	_ =	swait.ge [sflag:s10], $0x1C00  }
0x1bf: {  	[sflag:s10] =	ssyncset.done $0x0  }
0x1c0: {  	[sflag:s10] =	ssyncadd.s32 $0xFFFFE400  }
0x1c1: {  	s15 =	simm.s32 $0x0;
	v12 =	vld [tilespmem:$0xF4B0]  }
.LBB2_4:
0x1c2: {  	s16 =	sshll.u32 s15, $0x4  }
0x1c3: {  	v1 =	vmov s16  }
0x1c4: {  	s17 =	simm.s32 $0x3;
	v1 =	vmul.u32 $0x38, v1  }
0x1c5: {  	s18 =	simm.s32 $0x2;
	v2 =	vmov s17  }
0x1c6: {  	s21 =	simm.s32 $0x0;
	s19 =	simm.s32 $0x1;
	v3 =	vmov s18;
	v4 =	vshll.u32 v2, $0x3;
	v1 =	vbroadcast v1, $0x0  }
0x1c7: {  	v5 =	vmov s21;
	v6 =	vmov s19;
	v7 =	vshll.u32 v3, $0x3  }
0x1c8: {  	v8 =	vand.u32 $0x78, v5;
	v9 =	vshll.u32 v5, $0x3;
	v52 =	vadd.s32 v50, v1  }
0x1c9: {  	v5 =	vand.u32 $0x7, v5;
	v1 =	vshll.u32 v6, $0x3;
	v8 =	vadd.s32 v52, v8  }
0x1ca: {  	v10 =	vand.u32 $0xF8, v6;
	v5 =	vor.u32 v5, v8  }
0x1cb: {  	v6 =	vand.u32 $0x7, v6;
	v54 =	vld.idx.msk [tilespmem:v4+s9+$0x0], $0xffff;
	v8 =	vadd.s32 v52, v10  }
0x1cc: {  	v4 =	vand.u32 $0xF8, v3;
	v56 =	vld.idx.msk [tilespmem:v7+s9+$0x0], $0xffff;
	v6 =	vor.u32 v6, v8  }
0x1cd: {  	v3 =	vand.u32 $0x7, v3;
	v57 =	vld.idx.msk [tilespmem:v9+s9+$0x0], $0xffff;
	v4 =	vadd.s32 v52, v4  }
0x1ce: {  	s19 =	simm.s32 $0x4;
	v3 =	vor.u32 v3, v4;
	v55 =	vld.idx.msk [tilespmem:v1+s9+$0x0], $0xffff;
	v1 =	vand.u32 $0xF8, v2  }
0x1cf: {  	v4 =	vmov s19;
	v2 =	vand.u32 $0x7, v2;
	v1 =	vadd.s32 v52, v1;
	v14 =	vld.idx.msk [tilespmem:v5+s11+$0x0], $0xffff  }
0x1d0: {  	v51 =	vld.idx.msk [tilespmem:v5+s12+$0x0], $0xffff;
	v15 =	vor.u32 v2, v1;
	v1 =	vand.u32 $0xF8, v4  }
0x1d1: {  	s20 =	simm.s32 $0x9;
	v5 =	vand.u32 $0x7, v4;
	v59 =	vld.idx.msk [tilespmem:v6+s11+$0x0], $0xffff;
	v1 =	vadd.s32 v52, v1  }
0x1d2: {  	s18 =	simm.s32 $0x7;
	v53 =	vmov s20;
	s21 =	simm.s32 $0x5;
	s20 =	simm.s32 $0x6;
	v2 =	vld.idx.msk [tilespmem:v6+s12+$0x0], $0xffff;
	v5 =	vor.u32 v5, v1  }
0x1d3: {  	v60 =	vmov s18;
	v13 =	vmov s21;
	v11 =	vmov s20;
	s19 =	simm.s32 $0x8;
	v7 =	vld.idx.msk [tilespmem:v3+s12+$0x0], $0xffff  }
0x1d4: {  	v10 =	vand.u32 $0xF8, v60;
	v63 =	vshll.u32 v4, $0x3;
	v58 =	vmov s19;
	v1 =	vld.idx.msk [tilespmem:v3+s11+$0x0], $0xffff  }
0x1d5: {  	v8 =	vshll.u32 v60, $0x3;
	v9 =	vshll.u32 v58, $0x3;
	v61 =	vand.u32 $0xF8, v58;
	v62 =	vld.idx.msk [tilespmem:v15+s11+$0x0], $0xffff  }
0x1d6: {  	s17 =	simm.s32 $0xE;
	v4 =	vshll.u32 v13, $0x3;
	v3 =	vshll.u32 v11, $0x3;
	v14 =	vmul.f32 v51, v14;
	v6 =	vld.idx.msk [tilespmem:v15+s12+$0x0], $0xffff;
	v51 =	vmovc v12  }
.LBB2_5:
0x1d7: {  	p0 =	sne.s32 s17, $0x31;
	v15 =	vand.u32 $0x78, v13;
	v13 =	vand.u32 $0x7, v13;
	v16 =	vand.u32 $0xF8, v11;
	v17 =	vld.idx.msk [tilespmem:v5+s11+$0x0], $0xffff  }
0x1d8: {  	v2 =	vmul.f32 v2, v59;
	v15 =	vadd.s32 v52, v15;
	v14 =	vmul.f32 v57, v14;
	v5 =	vld.idx.msk [tilespmem:v5+s12+$0x0], $0xffff  }
0x1d9: {  	v11 =	vand.u32 $0x7, v11;
	v13 =	vor.u32 v13, v15;
	v15 =	vadd.s32 v52, v16;
	v16 =	vld.idx.msk [tilespmem:v63+s9+$0x0], $0xffff  }
0x1da: {  	v2 =	vmul.f32 v55, v2;
	v1 =	vmul.f32 v7, v1;
	v9 =	vld.idx.msk [tilespmem:v9+s9+$0x0], $0xffff;
	v14 =	vadd.f32 v14, v51  }
0x1db: {  	v10 =	vadd.s32 v52, v10;
	v7 =	vor.u32 v11, v15;
	v11 =	vand.u32 $0x7, v60;
	v8 =	vld.idx.msk [tilespmem:v8+s9+$0x0], $0xffff  }
0x1dc: {  	v1 =	vmul.f32 v56, v1;
	v55 =	vld.idx.msk [tilespmem:v3+s9+$0x0], $0xffff;
	v2 =	vadd.f32 v2, v14;
	v3 =	vmul.f32 v6, v62  }
0x1dd: {  	v6 =	vand.u32 $0x7, v58;
	v57 =	vld.idx.msk [tilespmem:v4+s9+$0x0], $0xffff;
	v4 =	vor.u32 v11, v10;
	v10 =	vadd.s32 v52, v61  }
0x1de: {  	v14 =	vld.idx.msk [tilespmem:v13+s11+$0x0], $0xffff;
	v1 =	vadd.f32 v1, v2;
	v2 =	vmul.f32 v54, v3;
	v3 =	vmul.f32 v5, v17  }
0x1df: {  	v6 =	vor.u32 v6, v10;
	v5 =	vand.u32 $0xF8, v53;
	v10 =	vand.u32 $0x7, v53;
	v15 =	vld.idx.msk [tilespmem:v13+s12+$0x0], $0xffff  }
0x1e0: {  	v5 =	vadd.s32 v52, v5;
	v59 =	vld.idx.msk [tilespmem:v7+s11+$0x0], $0xffff;
	v11 =	vadd.f32 v2, v1;
	v3 =	vmul.f32 v16, v3  }
.Ltmp1:
0x1e1: {  	s18 =	sadd.s32 $0xFFFFFFFE, s17;
	s19 =	sadd.s32 $0xFFFFFFFF, s17;
	v63 =	vshll.u32 v53, $0x3;
	v53 =	vmov s17;
	v54 =	vmovc v9;
	v5 =	vor.u32 v10, v5;
	v56 =	vmovc v8;
	v2 =	vld.idx.msk [tilespmem:v7+s12+$0x0], $0xffff;
	(pc) =	sbr.rel @p0 .LBB2_5-.Ltmp1, $4  }
0x1e2: {  	s20 =	sadd.s32 $0xFFFFFFFC, s17;
	s21 =	sadd.s32 $0xFFFFFFFD, s17;
	v60 =	vmov s18;
	v58 =	vmov s19;
	v1 =	vld.idx.msk [tilespmem:v4+s11+$0x0], $0xffff;
	v51 =	vadd.f32 v3, v11  }
0x1e3: {  	v13 =	vmov s20;
	v9 =	vshll.u32 v58, $0x3;
	v11 =	vmov s21;
	v7 =	vld.idx.msk [tilespmem:v4+s12+$0x0], $0xffff  }
0x1e4: {  	v61 =	vand.u32 $0xF8, v58;
	v8 =	vshll.u32 v60, $0x3;
	v3 =	vshll.u32 v11, $0x3;
	v62 =	vld.idx.msk [tilespmem:v6+s11+$0x0], $0xffff  }
0x1e5: {  	s17 =	sadd.s32 $0x5, s17;
	v10 =	vand.u32 $0xF8, v60;
	v4 =	vshll.u32 v13, $0x3;
	v14 =	vmul.f32 v15, v14;
	v6 =	vld.idx.msk [tilespmem:v6+s12+$0x0], $0xffff  }
0x1e6: {  	_ =	sdelay $0x3  }
0x1e7: {  	v15 =	vand.u32 $0x78, v13;
	v16 =	vld.idx.msk [tilespmem:v5+s11+$0x0], $0xffff  }
0x1e8: {  	v13 =	vand.u32 $0x7, v13;
	v5 =	vld.idx.msk [tilespmem:v5+s12+$0x0], $0xffff;
	v15 =	vadd.s32 v52, v15  }
0x1e9: {  	v17 =	vand.u32 $0xF8, v11;
	v2 =	vmul.f32 v2, v59;
	v9 =	vld.idx.msk [tilespmem:v9+s9+$0x0], $0xffff;
	v13 =	vor.u32 v13, v15  }
0x1ea: {  	v14 =	vmul.f32 v57, v14;
	v17 =	vadd.s32 v52, v17;
	v15 =	vld.idx.msk [tilespmem:v63+s9+$0x0], $0xffff;
	v63 =	vand.u32 $0x7, v11  }
0x1eb: {  	v8 =	vld.idx.msk [tilespmem:v8+s9+$0x0], $0xffff;
	v10 =	vadd.s32 v52, v10;
	v1 =	vmul.f32 v7, v1;
	v11 =	vor.u32 v63, v17  }
0x1ec: {  	v3 =	vld.idx.msk [tilespmem:v3+s9+$0x0], $0xffff;
	v2 =	vmul.f32 v55, v2;
	v55 =	vand.u32 $0x7, v60;
	v14 =	vadd.f32 v14, v51  }
0x1ed: {  	v4 =	vld.idx.msk [tilespmem:v4+s9+$0x0], $0xffff;
	v7 =	vor.u32 v55, v10;
	v1 =	vmul.f32 v56, v1  }
0x1ee: {  	v56 =	vand.u32 $0x7, v58;
	v2 =	vadd.f32 v2, v14;
	v14 =	vadd.s32 v52, v61;
	v17 =	vld.idx.msk [tilespmem:v13+s11+$0x0], $0xffff  }
0x1ef: {  	v6 =	vmul.f32 v6, v62;
	v10 =	vor.u32 v56, v14;
	v14 =	vand.u32 $0xF8, v53;
	v13 =	vld.idx.msk [tilespmem:v13+s12+$0x0], $0xffff  }
0x1f0: {  	v57 =	vand.u32 $0x7, v53;
	v14 =	vadd.s32 v52, v14;
	v58 =	vld.idx.msk [tilespmem:v11+s11+$0x0], $0xffff  }
0x1f1: {  	v1 =	vadd.f32 v1, v2;
	v2 =	vmul.f32 v54, v6;
	v59 =	vld.idx.msk [tilespmem:v11+s12+$0x0], $0xffff;
	v60 =	vor.u32 v57, v14  }
0x1f2: {  	v5 =	vmul.f32 v5, v16;
	v14 =	vld.idx.msk [tilespmem:v7+s11+$0x0], $0xffff  }
0x1f3: {  	v1 =	vadd.f32 v2, v1;
	v2 =	vld.idx.msk [tilespmem:v7+s12+$0x0], $0xffff  }
0x1f4: {  	v61 =	vshll.u32 v53, $0x3;
	v5 =	vmul.f32 v15, v5;
	v15 =	vld.idx.msk [tilespmem:v10+s11+$0x0], $0xffff;
	v13 =	vmul.f32 v13, v17  }
0x1f5: {  	v10 =	vld.idx.msk [tilespmem:v10+s12+$0x0], $0xffff  }
0x1f6: {  	v1 =	vadd.f32 v5, v1;
	v62 =	vld.idx.msk [tilespmem:v60+s11+$0x0], $0xffff;
	v6 =	vmul.f32 v59, v58;
	v4 =	vmul.f32 v4, v13  }
0x1f7: {  	v11 =	vld.idx.msk [tilespmem:v60+s12+$0x0], $0xffff  }
0x1f8: {  	v2 =	vmul.f32 v2, v14;
	v3 =	vmul.f32 v3, v6;
	v1 =	vadd.f32 v4, v1  }
0x1f9: {  	v63 =	vld.idx.msk [tilespmem:v61+s9+$0x0], $0xffff  }
0x1fa: {  	v2 =	vmul.f32 v8, v2;
	v1 =	vadd.f32 v3, v1;
	v3 =	vmul.f32 v10, v15;
	_ =	sdelay $0x1  }
0x1fb: {  	s15 =	sadd.s32 $0x1, s15;
	v1 =	vadd.f32 v2, v1;
	v2 =	vmul.f32 v9, v3;
	v3 =	vmul.f32 v11, v62  }
0x1fc: {  	p0 =	sne.s32 s15, $0x20  }
.Ltmp2:
0x1fd: {  	v1 =	vadd.f32 v2, v1;
	v2 =	vmul.f32 v63, v3;
	(pc) =	sbr.rel @p0 .LBB2_4-.Ltmp2, $3  }
0x1fe: {  	_ = 	snop  }
0x1ff: {  	v1 =	vadd.f32 v2, v1;
	_ =	sdelay $0x1  }
0x200: {  	[tilespmem:s16+$0xF4C0] =	vst v1  }
0x201: {  	s14 =	sadd.s32 $0x1, s14  }
0x202: {  	p0 =	sne.s32 s14, s7  }
.Ltmp3:
0x203: {  	_ = 	snop;
	(pc) =	sbr.rel @p0 .LBB2_1-.Ltmp3, $4  }
0x204: {  	[hbm4b:s6+s3] =	stream.linear.scatter [tilespmem:s13], [sflag:$0x9], $0x200, $0x38;
	[tilespmem:$0xF6C0] =	vst v63  }
0x205: {  	_ =	swait.ge [sflag:s8], $0x200  }
0x206: {  	[sflag:s8] =	ssyncset.done $0x0  }
0x207: {  	[sflag:s8] =	ssyncadd.s32 $0xFFFFFE00  }
0x208: {  	_ =	sfence.sel $0x180000  }
0x209: {  	[bflag:$0x0] =	sbarrier.arrive $0xFFFF  }
0x20a: {  	_ =	strace $0x90000047  }
0x20b: {  	s0 =	stileid.u32;
	[bflag:$0x2] =	sbarrier.arrive $0xFFFF  }
0x20c: {  	p0 =	sne.s32 s0, $0x0;
	s0 =	rddreg [dreg:$0x3]  }
0x20d: {  	s0 =	sadd.s32 @!p0 $0x100000, s0  }
0x20e: {  	[sflag:s0] =	ssyncadd.tile.s32 @!p0 $0x1;
	_ =	shalt  }
.Lfunc_end2:
_tile_overlayer_lowered:
.L_overlay_start_2:
0x20f: {  	(tag) =	ssettag $0x2  }
0x210: {  	s0 =	rddreg [dreg:$0x0];
	s2 =	stileid.u32  }
0x211: {  	s1 =	rddreg [dreg:$0x1];
	p0 =	sne.s32 s2, $0x0  }
0x212: {  	s3 =	rddreg [dreg:$0x2];
	[bflag:$0x3] =	sbarrier.arrive $0xFFFF;
	s2 =	simm.s32 @!p0 $0x1C09  }
0x213: {  	[timem:s3], [sflag:s2] =	dma.local @!p0 [hbm:s0], s1  }
0x214: {  	s0 =	simm.s32 @!p0 $0x9  }
0x215: {  	_ =	swait.ge @!p0 [sflag:s0], s1  }
0x216: {  	s1 =	ssub.s32 @!p0 $0x0, s1;
	[sflag:s0] =	ssyncset.done @!p0 $0x0  }
0x217: {  	[sflag:s0] =	ssyncadd.s32 @!p0 s1  }
0x218: {  	[bflag:$0x3] =	sbarrier.arrive $0xFFFF  }
0x219: {  	_ =	shalt  }

</sc_bundles>
